<compile_context>
chip_gen: v7x
topology: tpu7x:2x2x1
jax: 0.10.2.dev20260603
libtpu: 0.0.44.dev20260713+nightly
codegen_flags: <defaults>
</compile_context>

<pallas_src>
import functools
import jax
import jax.numpy as jnp
from jax import lax
from jax.experimental import pallas as pl
from jax.experimental.pallas import tpu as pltpu
from jax.experimental.pallas import tpu_sc as plsc

N = 10000
E = 320000
D = 128
H = 128
B = 4096
R = 5

NC = 2
NS = 16
NW = NC * NS
CHUNK = 128
ROWS = E // CHUNK
NITER = 80
ROWSP = NW * NITER
NBUF = 2
RPT = 632
NP = NS * RPT
DA = 144

_mesh = functools.partial(
    plsc.VectorSubcoreMesh, core_axis_name="c", subcore_axis_name="s",
    num_cores=NC, num_subcores=NS)


def _sc_scatter(feats, src2d, dst2d, zeros_f, zeros_d, ones16, with_deg):
  f32 = jnp.float32
  bf16 = jnp.bfloat16
  NB = 2
  NR = NITER // NB

  @functools.partial(
      pl.kernel,
      out_type=(jax.ShapeDtypeStruct((NC * NP, H), bf16),
                jax.ShapeDtypeStruct((NC * NP, 16), f32)),
      mesh=_mesh(),
      scratch_types=[
          [pltpu.VMEM((CHUNK,), jnp.int32) for _ in range(NB)],
          [pltpu.VMEM((CHUNK,), jnp.int32) for _ in range(NB)],
          [pltpu.VMEM((CHUNK, H), bf16) for _ in range(NB)],
          pltpu.VMEM((CHUNK, 16), f32),
          pltpu.VMEM_SHARED((NP, H), bf16),
          pltpu.VMEM_SHARED((NP, 16), f32),
          [pltpu.SemaphoreType.DMA for _ in range(NB)],
          [pltpu.SemaphoreType.DMA for _ in range(NB)],
          [pltpu.SemaphoreType.DMA for _ in range(NB)],
          [pltpu.SemaphoreType.DMA for _ in range(NB)],
      ],
      compiler_params=pltpu.CompilerParams(use_tc_tiling_on_sc=False),
  )
  def k(feats_h, src_h, dst_h, zf_h, zd_h, ones_h, out_h, dout_h,
        sbuf, dbuf, buf, ones16v, acc, dacc, gsem, ssem, issem, idsem):
    c = lax.axis_index("c")
    s = lax.axis_index("s")
    wid = s * NC + c
    base = 78 * wid + jnp.minimum(wid, 4)
    nreal = 78 + jnp.where(wid < 4, 1, 0)

    pltpu.sync_copy(ones_h, ones16v)
    pltpu.sync_copy(zf_h, acc.at[pl.ds(s * RPT, RPT)])
    pltpu.sync_copy(zd_h, dacc.at[pl.ds(s * RPT, RPT)])
    plsc.subcore_barrier()

    for b in range(NB):
      pltpu.sync_copy(src_h.at[base + b], sbuf[b])
      pltpu.sync_copy(dst_h.at[base + b], dbuf[b])
      pltpu.async_copy(feats_h.at[sbuf[b]], buf[b], gsem[b])

    def body(j, carry):
      for b in range(NB):
        i = j * NB + b
        valid = i < nreal
        nxt_valid = (i + NB) < nreal

        @pl.when(valid)
        def _():
          pltpu.make_async_copy(feats_h.at[sbuf[b]], buf[b], gsem[b]).wait()

          @pl.when(j > 0)
          def _():
            pltpu.make_async_copy(dst_h.at[0], dbuf[b], idsem[b]).wait()

          pltpu.async_copy(buf[b], acc.at[dbuf[b]], ssem[b], add=True)
          if with_deg:
            pltpu.sync_copy(ones16v, dacc.at[dbuf[b]], add=True)

        @pl.when(nxt_valid)
        def _():
          pltpu.async_copy(src_h.at[base + i + NB], sbuf[b], issem[b])

        @pl.when(valid)
        def _():
          pltpu.make_async_copy(buf[b], acc.at[dbuf[b]], ssem[b]).wait()

        @pl.when(nxt_valid)
        def _():
          pltpu.async_copy(dst_h.at[base + i + NB], dbuf[b], idsem[b])
          pltpu.make_async_copy(src_h.at[0], sbuf[b], issem[b]).wait()
          pltpu.async_copy(feats_h.at[sbuf[b]], buf[b], gsem[b])

      return carry

    lax.fori_loop(0, NR, body, 0)
    plsc.subcore_barrier()

    pltpu.sync_copy(acc.at[pl.ds(s * RPT, RPT)],
                    out_h.at[pl.ds(c * NP + s * RPT, RPT)])
    pltpu.sync_copy(dacc.at[pl.ds(s * RPT, RPT)],
                    dout_h.at[pl.ds(c * NP + s * RPT, RPT)])

  return k(feats, src2d, dst2d, zeros_f, zeros_d, ones16)


def _sc_scatter_user(h1, src2d, dst2d, zeros_f, uids2d, x, inv16):
  f32 = jnp.float32
  bf16 = jnp.bfloat16
  NB = 2
  NR = NITER // NB
  UPT = B // NS // CHUNK

  @functools.partial(
      pl.kernel,
      out_type=(jax.ShapeDtypeStruct((NC * B, 128), bf16),
                jax.ShapeDtypeStruct((B, 128), bf16),
                jax.ShapeDtypeStruct((B, 128), bf16),
                jax.ShapeDtypeStruct((B, 16), f32)),
      mesh=_mesh(),
      scratch_types=[
          [pltpu.VMEM((CHUNK,), jnp.int32) for _ in range(NB)],
          [pltpu.VMEM((CHUNK,), jnp.int32) for _ in range(NB)],
          [pltpu.VMEM((CHUNK, H), bf16) for _ in range(NB)],
          pltpu.VMEM((CHUNK, 16), f32),
          pltpu.VMEM_SHARED((NP, H), bf16),
          [pltpu.SemaphoreType.DMA for _ in range(NB)],
          [pltpu.SemaphoreType.DMA for _ in range(NB)],
          [pltpu.SemaphoreType.DMA for _ in range(NB)],
          [pltpu.SemaphoreType.DMA for _ in range(NB)],
      ],
      compiler_params=pltpu.CompilerParams(use_tc_tiling_on_sc=False),
  )
  def k(h1_h, src_h, dst_h, zf_h, uids_h, x_h, inv_h,
        us2_h, uh1_h, ux_h, uinv_h,
        sbuf, dbuf, buf, buf16, acc, gsem, ssem, issem, idsem):
    c = lax.axis_index("c")
    s = lax.axis_index("s")
    wid = s * NC + c
    base = 78 * wid + jnp.minimum(wid, 4)
    nreal = 78 + jnp.where(wid < 4, 1, 0)

    pltpu.sync_copy(zf_h, acc.at[pl.ds(s * RPT, RPT)])
    plsc.subcore_barrier()

    for b in range(NB):
      pltpu.sync_copy(src_h.at[base + b], sbuf[b])
      pltpu.sync_copy(dst_h.at[base + b], dbuf[b])
      pltpu.async_copy(h1_h.at[sbuf[b]], buf[b], gsem[b])

    def body(j, carry):
      for b in range(NB):
        i = j * NB + b
        valid = i < nreal
        nxt_valid = (i + NB) < nreal

        @pl.when(valid)
        def _():
          pltpu.make_async_copy(h1_h.at[sbuf[b]], buf[b], gsem[b]).wait()

          @pl.when(j > 0)
          def _():
            pltpu.make_async_copy(dst_h.at[0], dbuf[b], idsem[b]).wait()

          pltpu.async_copy(buf[b], acc.at[dbuf[b]], ssem[b], add=True)

        @pl.when(nxt_valid)
        def _():
          pltpu.async_copy(src_h.at[base + i + NB], sbuf[b], issem[b])

        @pl.when(valid)
        def _():
          pltpu.make_async_copy(buf[b], acc.at[dbuf[b]], ssem[b]).wait()

        @pl.when(nxt_valid)
        def _():
          pltpu.async_copy(dst_h.at[base + i + NB], dbuf[b], idsem[b])
          pltpu.make_async_copy(src_h.at[0], sbuf[b], issem[b]).wait()
          pltpu.async_copy(h1_h.at[sbuf[b]], buf[b], gsem[b])

      return carry

    lax.fori_loop(0, NR, body, 0)
    plsc.subcore_barrier()

    for t in range(UPT):
      u = s * UPT + t
      pltpu.sync_copy(uids_h.at[u], sbuf[0])
      pltpu.async_copy(acc.at[sbuf[0]], buf[0], gsem[0]).wait()
      pltpu.sync_copy(buf[0], us2_h.at[pl.ds(c * B + u * CHUNK, CHUNK)])

      @pl.when(c == 0)
      def _():
        pltpu.async_copy(h1_h.at[sbuf[0]], buf[1], gsem[1]).wait()
        pltpu.sync_copy(buf[1], uh1_h.at[pl.ds(u * CHUNK, CHUNK)])
        pltpu.async_copy(x_h.at[sbuf[0]], buf[1], gsem[1]).wait()
        pltpu.sync_copy(buf[1], ux_h.at[pl.ds(u * CHUNK, CHUNK)])
        pltpu.async_copy(inv_h.at[sbuf[0]], buf16, gsem[1]).wait()
        pltpu.sync_copy(buf16, uinv_h.at[pl.ds(u * CHUNK, CHUNK)])

  return k(h1, src2d, dst2d, zeros_f, uids2d, x, inv16)


def _tc_layer1(sa, sb, da, db, x, wl1t, bl1, wr1t):
  BLK = 1000
  f32 = jnp.float32

  def body(sa_r, sb_r, da_r, db_r, x_r, wl_r, bl_r, wr_r, h1_r, inv_r):
    s = sa_r[...].astype(f32) + sb_r[...].astype(f32)
    deg = jnp.maximum(da_r[...][:, 0:1] + db_r[...][:, 0:1], 1.0)
    inv = 1.0 / deg
    m = s * inv
    h = (jnp.dot(m, wl_r[...], preferred_element_type=f32) + bl_r[...]
         + jnp.dot(x_r[...], wr_r[...], preferred_element_type=f32))
    h1_r[...] = jnp.maximum(h, 0.0).astype(jnp.bfloat16)
    inv_r[...] = jnp.broadcast_to(inv, (BLK, 16))

  blk = lambda m, n: pl.BlockSpec((m, n), lambda i: (i, 0))
  whole = lambda m, n: pl.BlockSpec((m, n), lambda i: (0, 0))
  return pl.pallas_call(
      body,
      grid=(N // BLK,),
      in_specs=[blk(BLK, 128), blk(BLK, 128), blk(BLK, 16), blk(BLK, 16),
                blk(BLK, 128), whole(128, 128), whole(1, 128),
                whole(128, 128)],
      out_specs=[blk(BLK, 128), blk(BLK, 16)],
      out_shape=[jax.ShapeDtypeStruct((N, 128), jnp.bfloat16),
                 jax.ShapeDtypeStruct((N, 16), f32)],
  )(sa, sb, da, db, x, wl1t, bl1, wr1t)


def _tc_epilogue(ua, ub, uh1, ux, uinv, roh8,
                 wl2t, bl2, wr2t, wiha, wihb, wihr8, bih,
                 wc1at, wc1bt, bc1, wc2t, bc2, wc3t8, bc3p):
  BLK = 512
  f32 = jnp.float32

  def body(ua_r, ub_r, uh1_r, ux_r, uinv_r, roh_r,
           wl2_r, bl2_r, wr2_r, wiha_r, wihb_r, wihr_r, bih_r,
           wc1a_r, wc1b_r, bc1_r, wc2_r, bc2_r, wc3_r, bc3_r, out_r):
    dot = lambda a, b: jnp.dot(a, b, preferred_element_type=f32)
    m2 = ((ua_r[...].astype(f32) + ub_r[...].astype(f32))
          * uinv_r[...][:, 0:1])
    ue = (dot(m2, wl2_r[...]) + bl2_r[...]
          + dot(uh1_r[...].astype(f32), wr2_r[...]))
    ue = jnp.clip(ue, -10.0, 10.0)
    uf = jnp.clip(ux_r[...].astype(f32), -10.0, 10.0)
    gates = (dot(ue, wiha_r[...]) + dot(uf, wihb_r[...])
             + dot(roh_r[...], wihr_r[...]) + bih_r[...])
    i_g = gates[:, 0:128]
    g_g = gates[:, 256:384]
    o_g = gates[:, 384:512]
    cc = jax.nn.sigmoid(i_g) * jnp.tanh(g_g)
    lo = jnp.clip(jax.nn.sigmoid(o_g) * jnp.tanh(cc), -10.0, 10.0)
    z = jnp.maximum(dot(ue, wc1a_r[...]) + dot(lo, wc1b_r[...]) + bc1_r[...],
                    0.0)
    z2 = jnp.maximum(dot(z, wc2_r[...]) + bc2_r[...], 0.0)
    out_r[...] = dot(z2, wc3_r[...]) + bc3_r[...]

  blk = lambda m, n: pl.BlockSpec((m, n), lambda i: (i, 0))
  ub_spec = pl.BlockSpec((BLK, 128), lambda i: (i + B // BLK, 0))
  whole = lambda m, n: pl.BlockSpec((m, n), lambda i: (0, 0))
  return pl.pallas_call(
      body,
      grid=(B // BLK,),
      in_specs=[blk(BLK, 128), ub_spec, blk(BLK, 128), blk(BLK, 128),
                blk(BLK, 16), blk(BLK, 8),
                whole(128, 128), whole(1, 128), whole(128, 128),
                whole(128, 512), whole(128, 512), whole(8, 512),
                whole(1, 512),
                whole(128, 128), whole(128, 128), whole(1, 128),
                whole(128, 64), whole(1, 64), whole(64, 8), whole(1, 8)],
      out_specs=blk(BLK, 8),
      out_shape=jax.ShapeDtypeStruct((B, 8), f32),
  )(ua, ub, uh1, ux, uinv, roh8,
    wl2t, bl2, wr2t, wiha, wihb, wihr8, bih,
    wc1at, wc1bt, bc1, wc2t, bc2, wc3t8, bc3p)


def kernel(x, edge_index, user_ids, current_roles,
           Wl1, bl1, Wr1, Wl2, bl2, Wr2,
           W_ih, W_hh, b_ih, b_hh,
           Wc1, bc1, Wc2, bc2, Wc3, bc3):
  f32 = jnp.float32
  src2d = edge_index[0].reshape(ROWS, CHUNK)
  dst2d = edge_index[1].reshape(ROWS, CHUNK)
  uids2d = user_ids.reshape(NW, CHUNK)

  zeros_f = jnp.zeros((RPT, H), jnp.bfloat16)
  zeros_d = jnp.zeros((RPT, 16), f32)
  ones16 = jnp.zeros((CHUNK, 16), f32).at[:, 0].set(1.0)
  xbf = x.astype(jnp.bfloat16)

  s1, d1 = _sc_scatter(xbf, src2d, dst2d, zeros_f, zeros_d, ones16, True)
  s1a, s1b = s1[:N], s1[NP:NP + N]

  h1, inv16 = _tc_layer1(
      s1a, s1b, d1[:N], d1[NP:NP + N],
      x, Wl1.T, bl1.reshape(1, H), Wr1.T)

  us2p, uh1, ux, uinv = _sc_scatter_user(
      h1, src2d, dst2d, zeros_f, uids2d, xbf, inv16)

  roh8 = jax.nn.one_hot(current_roles, 8, dtype=f32)
  wihr8 = jnp.zeros((8, 4 * H), f32).at[:R].set(W_ih[:, 2 * H:].T)
  wc3t8 = jnp.zeros((H // 2, 8), f32).at[:, :R].set(Wc3.T)
  bc3p = jnp.zeros((1, 8), f32).at[:, :R].set(bc3)

  out8 = _tc_epilogue(
      us2p, us2p, uh1, ux, uinv, roh8,
      Wl2.T, bl2.reshape(1, H), Wr2.T,
      W_ih[:, :H].T, W_ih[:, H:2 * H].T, wihr8,
      (b_ih + b_hh).reshape(1, 4 * H),
      Wc1[:, :H].T, Wc1[:, H:].T, bc1.reshape(1, H),
      Wc2.T, bc2.reshape(1, H // 2), wc3t8, bc3p)
  return out8[:, :R]

# --- scband reference (transcript-rebuilt; emitter-appended) ---
"""Pipeline reference for scband-role-transition-predictor-41970420418031 (READ-ONLY COPY).

The authoritative reference and input builder live on the scoring server;
editing this copy changes nothing except your own understanding.
"""

import jax, jax.numpy as jnp
import numpy as np

N = 10000
E = 320000
D = 128
H = 128
B = 4096
R = 5
LSTM_IN = H + D + R  # 261


def setup_inputs(seed: int = 0) -> dict:
    key = jax.random.key(seed)
    ks = jax.random.split(key, 24)
    inp = {}
    inp["x"] = jax.random.normal(ks[0], (N, D), dtype=jnp.float32)
    inp["edge_index"] = jax.random.randint(ks[1], (2, E), 0, N, dtype=jnp.int32)
    inp["user_ids"] = jax.random.randint(ks[2], (B,), 0, N, dtype=jnp.int32)
    inp["current_roles"] = jax.random.randint(ks[3], (B,), 0, R, dtype=jnp.int32)
    s = 0.05
    # SAGEConv layer 1: lin_l (aggregated neighbors, with bias), lin_r (root, no bias)
    inp["Wl1"] = jax.random.normal(ks[4], (H, D), dtype=jnp.float32) * s
    inp["bl1"] = jnp.zeros((H,), dtype=jnp.float32)
    inp["Wr1"] = jax.random.normal(ks[5], (H, D), dtype=jnp.float32) * s
    # SAGEConv layer 2
    inp["Wl2"] = jax.random.normal(ks[6], (H, H), dtype=jnp.float32) * s
    inp["bl2"] = jnp.zeros((H,), dtype=jnp.float32)
    inp["Wr2"] = jax.random.normal(ks[7], (H, H), dtype=jnp.float32) * s
    # LSTM (single layer, single time step)
    inp["W_ih"] = jax.random.normal(ks[8], (4 * H, LSTM_IN), dtype=jnp.float32) * s
    inp["W_hh"] = jax.random.normal(ks[9], (4 * H, H), dtype=jnp.float32) * s
    inp["b_ih"] = jnp.zeros((4 * H,), dtype=jnp.float32)
    inp["b_hh"] = jnp.zeros((4 * H,), dtype=jnp.float32)
    # classifier
    inp["Wc1"] = jax.random.normal(ks[10], (H, 2 * H), dtype=jnp.float32) * s
    inp["bc1"] = jnp.zeros((H,), dtype=jnp.float32)
    inp["Wc2"] = jax.random.normal(ks[11], (H // 2, H), dtype=jnp.float32) * s
    inp["bc2"] = jnp.zeros((H // 2,), dtype=jnp.float32)
    inp["Wc3"] = jax.random.normal(ks[12], (R, H // 2), dtype=jnp.float32) * s
    inp["bc3"] = jnp.zeros((R,), dtype=jnp.float32)
    return inp


def _sage_conv(h, edge_index, Wl, bl, Wr):
    # PyG SAGEConv with mean aggregation: out = lin_l(mean_{j->i} x_j) + lin_r(x_i)
    src = edge_index[0]
    dst = edge_index[1]
    msg = jnp.take(h, src, axis=0)
    agg = jax.ops.segment_sum(msg, dst, num_segments=N)
    deg = jax.ops.segment_sum(jnp.ones((E,), dtype=h.dtype), dst, num_segments=N)
    agg = agg / jnp.maximum(deg, 1.0)[:, None]
    return agg @ Wl.T + bl + h @ Wr.T


def reference(x, edge_index, user_ids, current_roles,
              Wl1, bl1, Wr1, Wl2, bl2, Wr2,
              W_ih, W_hh, b_ih, b_hh,
              Wc1, bc1, Wc2, bc2, Wc3, bc3):
    # GraphSAGE (dropout is identity in eval)
    h = _sage_conv(x, edge_index, Wl1, bl1, Wr1)
    h = jax.nn.relu(h)
    h = _sage_conv(h, edge_index, Wl2, bl2, Wr2)
    # gather user embeddings / features
    ue = jnp.clip(jnp.take(h, user_ids, axis=0), -10.0, 10.0)
    uf = jnp.clip(jnp.take(x, user_ids, axis=0), -10.0, 10.0)
    combined = jnp.concatenate([ue, uf], axis=1)
    role_onehot = jax.nn.one_hot(current_roles, R, dtype=jnp.float32)
    combined = jnp.concatenate([combined, role_onehot], axis=1)
    combined = jnp.clip(combined, -10.0, 10.0)
    # LSTM single step with h0 = c0 = 0 (W_hh contributes 0 but kept for fidelity)
    h0 = jnp.zeros((combined.shape[0], H), dtype=combined.dtype)
    gates = combined @ W_ih.T + b_ih + h0 @ W_hh.T + b_hh
    i_g, f_g, g_g, o_g = jnp.split(gates, 4, axis=1)
    c = jax.nn.sigmoid(f_g) * 0.0 + jax.nn.sigmoid(i_g) * jnp.tanh(g_g)
    lstm_out = jax.nn.sigmoid(o_g) * jnp.tanh(c)
    lstm_out = jnp.clip(lstm_out, -10.0, 10.0)
    final = jnp.clip(jnp.concatenate([ue, lstm_out], axis=1), -10.0, 10.0)
    z = jax.nn.relu(final @ Wc1.T + bc1)
    z = jax.nn.relu(z @ Wc2.T + bc2)
    logits = z @ Wc3.T + bc3
    return logits


if False:  # reference __main__ guard neutralized (emitter)
    out = reference(**setup_inputs())
    print(out.shape)

if __name__ == "__main__":
    import jax
    _d = setup_inputs()
    print(jax.jit(kernel)(*tuple(_d.values())))

</pallas_src>

<mosaic_0001>
#map = affine_map<(d0, d1) -> (0, 0)>
module attributes {stable_mosaic.version = 14 : i64} {
  func.func @k(%arg0: i32, %arg1: i32, %arg2: memref<10000x128xbf16, #tpu.memory_space<hbm>>, %arg3: memref<2500x128xi32, #tpu.memory_space<hbm>>, %arg4: memref<2500x128xi32, #tpu.memory_space<hbm>>, %arg5: memref<632x128xbf16, #tpu.memory_space<hbm>>, %arg6: memref<32x128xi32, #tpu.memory_space<hbm>>, %arg7: memref<10000x128xbf16, #tpu.memory_space<hbm>>, %arg8: memref<10000x16xf32, #tpu.memory_space<hbm>>, %arg9: memref<8192x128xbf16, #tpu.memory_space<hbm>>, %arg10: memref<4096x128xbf16, #tpu.memory_space<hbm>>, %arg11: memref<4096x128xbf16, #tpu.memory_space<hbm>>, %arg12: memref<4096x16xf32, #tpu.memory_space<hbm>>, %arg13: memref<128xi32, #tpu.memory_space<vmem>>, %arg14: memref<128xi32, #tpu.memory_space<vmem>>, %arg15: memref<128xi32, #tpu.memory_space<vmem>>, %arg16: memref<128xi32, #tpu.memory_space<vmem>>, %arg17: memref<128x128xbf16, #tpu.memory_space<vmem>>, %arg18: memref<128x128xbf16, #tpu.memory_space<vmem>>, %arg19: memref<128x16xf32, #tpu.memory_space<vmem>>, %arg20: memref<10112x128xbf16, #tpu.memory_space<vmem_shared>>, %arg21: memref<!tpu.dma_semaphore, #tpu.memory_space<semaphore_mem>>, %arg22: memref<!tpu.dma_semaphore, #tpu.memory_space<semaphore_mem>>, %arg23: memref<!tpu.dma_semaphore, #tpu.memory_space<semaphore_mem>>, %arg24: memref<!tpu.dma_semaphore, #tpu.memory_space<semaphore_mem>>, %arg25: memref<!tpu.dma_semaphore, #tpu.memory_space<semaphore_mem>>, %arg26: memref<!tpu.dma_semaphore, #tpu.memory_space<semaphore_mem>>, %arg27: memref<!tpu.dma_semaphore, #tpu.memory_space<semaphore_mem>>, %arg28: memref<!tpu.dma_semaphore, #tpu.memory_space<semaphore_mem>>) attributes {dimension_semantics = [#tpu.dimension_semantics<core_parallel>, #tpu.dimension_semantics<subcore_parallel>], iteration_bounds = array<i64: 2, 16>, scalar_prefetch = 0 : i64, scratch_operands = 16 : i64, tpu.core_type = #tpu.core_type<sc_vector_subcore>, window_params = [{transform_indices = #map}, {transform_indices = #map}, {transform_indices = #map}, {transform_indices = #map}, {transform_indices = #map}, {transform_indices = #map}, {transform_indices = #map}, {transform_indices = #map}, {transform_indices = #map}, {transform_indices = #map}, {transform_indices = #map}]} {
    %mul3A = arith.constant 2 : i32
    %mul3A_0 = arith.muli %arg1, %mul3A : i32
    %add3A = arith.addi %mul3A_0, %arg0 : i32
    %mul3A_1 = arith.constant 78 : i32
    %mul3A_2 = arith.muli %mul3A_1, %add3A : i32
    %min3A = arith.constant 4 : i32
    %min3A_3 = arith.minsi %add3A, %min3A : i32
    %add3A_4 = arith.addi %mul3A_2, %min3A_3 : i32
    %lt3A = arith.constant 4 : i32
    %lt3A_5 = arith.cmpi slt, %add3A, %lt3A : i32
    %jit3A = arith.constant 1 : i32
    %jit3A_6 = arith.constant 0 : i32
    %select_n3A = arith.select %lt3A_5, %jit3A, %jit3A_6 : i32
    %add3A_7 = arith.constant 78 : i32
    %add3A_8 = arith.addi %add3A_7, %select_n3A : i32
    %mul3A_9 = arith.constant 632 : i32
    %mul3A_10 = arith.muli %arg1, %mul3A_9 : i32
    "tpu.region"() ({
      %run_scoped3A = tpu.sem_alloc : memref<!tpu.dma_semaphore, #tpu.memory_space<semaphore_mem>>
      %dma_start3A_66 = arith.constant 0 : i32
      %dma_start3A_67 = tpu.memref_slice %arg20[%mul3A_10, %dma_start3A_66] : memref<10112x128xbf16, #tpu.memory_space<vmem_shared>> -> memref<632x128xbf16, #tpu.memory_space<vmem_shared>>
      tpu.enqueue_dma source(%arg5 : memref<632x128xbf16, #tpu.memory_space<hbm>>) target(%dma_start3A_67 : memref<632x128xbf16, #tpu.memory_space<vmem_shared>>) target_semaphore(%run_scoped3A : memref<!tpu.dma_semaphore, #tpu.memory_space<semaphore_mem>>)
      %dma_wait3A_68 = arith.constant 0 : i32
      %dma_wait3A_69 = tpu.memref_slice %arg20[%mul3A_10, %dma_wait3A_68] : memref<10112x128xbf16, #tpu.memory_space<vmem_shared>> -> memref<632x128xbf16, #tpu.memory_space<vmem_shared>>
      tpu.wait_dma2 semaphore(%run_scoped3A : memref<!tpu.dma_semaphore, #tpu.memory_space<semaphore_mem>>) src(%arg5 : memref<632x128xbf16, #tpu.memory_space<hbm>>) dst(%dma_wait3A_69 : memref<632x128xbf16, #tpu.memory_space<vmem_shared>>)
      tpu.yield
    }) : () -> ()
    %barrier3A = arith.constant 0 : index
    tpu.barrier barrier_id(%barrier3A)
    %add3A_11 = arith.constant 0 : i32
    %add3A_12 = arith.addi %add3A_4, %add3A_11 : i32
    "tpu.region"() ({
      %run_scoped3A = tpu.sem_alloc : memref<!tpu.dma_semaphore, #tpu.memory_space<semaphore_mem>>
      %dma_start3A_66 = arith.constant 0 : i32
      %dma_start3A_67 = tpu.memref_slice %arg3[%add3A_12, %dma_start3A_66] : memref<2500x128xi32, #tpu.memory_space<hbm>> -> memref<1x128xi32, #tpu.memory_space<hbm>>
      %dma_start3A_68 = tpu.memref_squeeze %dma_start3A_67 : memref<1x128xi32, #tpu.memory_space<hbm>> -> memref<128xi32, #tpu.memory_space<hbm>>
      %dma_start3A_69 = arith.constant 0 : i32
      %dma_start3A_70 = tpu.memref_slice %arg3[%add3A_12, %dma_start3A_69] : memref<2500x128xi32, #tpu.memory_space<hbm>> -> memref<1x128xi32, #tpu.memory_space<hbm>>
      %dma_start3A_71 = tpu.memref_squeeze %dma_start3A_70 : memref<1x128xi32, #tpu.memory_space<hbm>> -> memref<128xi32, #tpu.memory_space<hbm>>
      tpu.enqueue_dma source(%dma_start3A_71 : memref<128xi32, #tpu.memory_space<hbm>>) target(%arg13 : memref<128xi32, #tpu.memory_space<vmem>>) target_semaphore(%run_scoped3A : memref<!tpu.dma_semaphore, #tpu.memory_space<semaphore_mem>>)
      %dma_wait3A_72 = arith.constant 0 : i32
      %dma_wait3A_73 = tpu.memref_slice %arg3[%add3A_12, %dma_wait3A_72] : memref<2500x128xi32, #tpu.memory_space<hbm>> -> memref<1x128xi32, #tpu.memory_space<hbm>>
      %dma_wait3A_74 = tpu.memref_squeeze %dma_wait3A_73 : memref<1x128xi32, #tpu.memory_space<hbm>> -> memref<128xi32, #tpu.memory_space<hbm>>
      %dma_wait3A_75 = arith.constant 0 : i32
      %dma_wait3A_76 = tpu.memref_slice %arg3[%add3A_12, %dma_wait3A_75] : memref<2500x128xi32, #tpu.memory_space<hbm>> -> memref<1x128xi32, #tpu.memory_space<hbm>>
      %dma_wait3A_77 = tpu.memref_squeeze %dma_wait3A_76 : memref<1x128xi32, #tpu.memory_space<hbm>> -> memref<128xi32, #tpu.memory_space<hbm>>
      tpu.wait_dma2 semaphore(%run_scoped3A : memref<!tpu.dma_semaphore, #tpu.memory_space<semaphore_mem>>) src(%dma_wait3A_77 : memref<128xi32, #tpu.memory_space<hbm>>) dst(%arg13 : memref<128xi32, #tpu.memory_space<vmem>>)
      tpu.yield
    }) : () -> ()
    %add3A_13 = arith.constant 0 : i32
    %add3A_14 = arith.addi %add3A_4, %add3A_13 : i32
    "tpu.region"() ({
      %run_scoped3A = tpu.sem_alloc : memref<!tpu.dma_semaphore, #tpu.memory_space<semaphore_mem>>
      %dma_start3A_66 = arith.constant 0 : i32
      %dma_start3A_67 = tpu.memref_slice %arg4[%add3A_14, %dma_start3A_66] : memref<2500x128xi32, #tpu.memory_space<hbm>> -> memref<1x128xi32, #tpu.memory_space<hbm>>
      %dma_start3A_68 = tpu.memref_squeeze %dma_start3A_67 : memref<1x128xi32, #tpu.memory_space<hbm>> -> memref<128xi32, #tpu.memory_space<hbm>>
      %dma_start3A_69 = arith.constant 0 : i32
      %dma_start3A_70 = tpu.memref_slice %arg4[%add3A_14, %dma_start3A_69] : memref<2500x128xi32, #tpu.memory_space<hbm>> -> memref<1x128xi32, #tpu.memory_space<hbm>>
      %dma_start3A_71 = tpu.memref_squeeze %dma_start3A_70 : memref<1x128xi32, #tpu.memory_space<hbm>> -> memref<128xi32, #tpu.memory_space<hbm>>
      tpu.enqueue_dma source(%dma_start3A_71 : memref<128xi32, #tpu.memory_space<hbm>>) target(%arg15 : memref<128xi32, #tpu.memory_space<vmem>>) target_semaphore(%run_scoped3A : memref<!tpu.dma_semaphore, #tpu.memory_space<semaphore_mem>>)
      %dma_wait3A_72 = arith.constant 0 : i32
      %dma_wait3A_73 = tpu.memref_slice %arg4[%add3A_14, %dma_wait3A_72] : memref<2500x128xi32, #tpu.memory_space<hbm>> -> memref<1x128xi32, #tpu.memory_space<hbm>>
      %dma_wait3A_74 = tpu.memref_squeeze %dma_wait3A_73 : memref<1x128xi32, #tpu.memory_space<hbm>> -> memref<128xi32, #tpu.memory_space<hbm>>
      %dma_wait3A_75 = arith.constant 0 : i32
      %dma_wait3A_76 = tpu.memref_slice %arg4[%add3A_14, %dma_wait3A_75] : memref<2500x128xi32, #tpu.memory_space<hbm>> -> memref<1x128xi32, #tpu.memory_space<hbm>>
      %dma_wait3A_77 = tpu.memref_squeeze %dma_wait3A_76 : memref<1x128xi32, #tpu.memory_space<hbm>> -> memref<128xi32, #tpu.memory_space<hbm>>
      tpu.wait_dma2 semaphore(%run_scoped3A : memref<!tpu.dma_semaphore, #tpu.memory_space<semaphore_mem>>) src(%dma_wait3A_77 : memref<128xi32, #tpu.memory_space<hbm>>) dst(%arg15 : memref<128xi32, #tpu.memory_space<vmem>>)
      tpu.yield
    }) : () -> ()
    %dma_start3A = arith.constant 0 : i32
    %dma_start3A_15 = arith.constant 0 : i32
    %dma_start3A_16 = tpu.memref_slice %arg2[%dma_start3A, %dma_start3A_15] : memref<10000x128xbf16, #tpu.memory_space<hbm>> -> memref<10000x128xbf16, #tpu.memory_space<hbm>>
    tpu.enqueue_indirect_dma source(%dma_start3A_16 : memref<10000x128xbf16, #tpu.memory_space<hbm>>) target(%arg17 : memref<128x128xbf16, #tpu.memory_space<vmem>>) offsets(%arg13 : memref<128xi32, #tpu.memory_space<vmem>>) semaphore(%arg21 : memref<!tpu.dma_semaphore, #tpu.memory_space<semaphore_mem>>)
    %add3A_17 = arith.constant 1 : i32
    %add3A_18 = arith.addi %add3A_4, %add3A_17 : i32
    "tpu.region"() ({
      %run_scoped3A = tpu.sem_alloc : memref<!tpu.dma_semaphore, #tpu.memory_space<semaphore_mem>>
      %dma_start3A_66 = arith.constant 0 : i32
      %dma_start3A_67 = tpu.memref_slice %arg3[%add3A_18, %dma_start3A_66] : memref<2500x128xi32, #tpu.memory_space<hbm>> -> memref<1x128xi32, #tpu.memory_space<hbm>>
      %dma_start3A_68 = tpu.memref_squeeze %dma_start3A_67 : memref<1x128xi32, #tpu.memory_space<hbm>> -> memref<128xi32, #tpu.memory_space<hbm>>
      %dma_start3A_69 = arith.constant 0 : i32
      %dma_start3A_70 = tpu.memref_slice %arg3[%add3A_18, %dma_start3A_69] : memref<2500x128xi32, #tpu.memory_space<hbm>> -> memref<1x128xi32, #tpu.memory_space<hbm>>
      %dma_start3A_71 = tpu.memref_squeeze %dma_start3A_70 : memref<1x128xi32, #tpu.memory_space<hbm>> -> memref<128xi32, #tpu.memory_space<hbm>>
      tpu.enqueue_dma source(%dma_start3A_71 : memref<128xi32, #tpu.memory_space<hbm>>) target(%arg14 : memref<128xi32, #tpu.memory_space<vmem>>) target_semaphore(%run_scoped3A : memref<!tpu.dma_semaphore, #tpu.memory_space<semaphore_mem>>)
      %dma_wait3A_72 = arith.constant 0 : i32
      %dma_wait3A_73 = tpu.memref_slice %arg3[%add3A_18, %dma_wait3A_72] : memref<2500x128xi32, #tpu.memory_space<hbm>> -> memref<1x128xi32, #tpu.memory_space<hbm>>
      %dma_wait3A_74 = tpu.memref_squeeze %dma_wait3A_73 : memref<1x128xi32, #tpu.memory_space<hbm>> -> memref<128xi32, #tpu.memory_space<hbm>>
      %dma_wait3A_75 = arith.constant 0 : i32
      %dma_wait3A_76 = tpu.memref_slice %arg3[%add3A_18, %dma_wait3A_75] : memref<2500x128xi32, #tpu.memory_space<hbm>> -> memref<1x128xi32, #tpu.memory_space<hbm>>
      %dma_wait3A_77 = tpu.memref_squeeze %dma_wait3A_76 : memref<1x128xi32, #tpu.memory_space<hbm>> -> memref<128xi32, #tpu.memory_space<hbm>>
      tpu.wait_dma2 semaphore(%run_scoped3A : memref<!tpu.dma_semaphore, #tpu.memory_space<semaphore_mem>>) src(%dma_wait3A_77 : memref<128xi32, #tpu.memory_space<hbm>>) dst(%arg14 : memref<128xi32, #tpu.memory_space<vmem>>)
      tpu.yield
    }) : () -> ()
    %add3A_19 = arith.constant 1 : i32
    %add3A_20 = arith.addi %add3A_4, %add3A_19 : i32
    "tpu.region"() ({
      %run_scoped3A = tpu.sem_alloc : memref<!tpu.dma_semaphore, #tpu.memory_space<semaphore_mem>>
      %dma_start3A_66 = arith.constant 0 : i32
      %dma_start3A_67 = tpu.memref_slice %arg4[%add3A_20, %dma_start3A_66] : memref<2500x128xi32, #tpu.memory_space<hbm>> -> memref<1x128xi32, #tpu.memory_space<hbm>>
      %dma_start3A_68 = tpu.memref_squeeze %dma_start3A_67 : memref<1x128xi32, #tpu.memory_space<hbm>> -> memref<128xi32, #tpu.memory_space<hbm>>
      %dma_start3A_69 = arith.constant 0 : i32
      %dma_start3A_70 = tpu.memref_slice %arg4[%add3A_20, %dma_start3A_69] : memref<2500x128xi32, #tpu.memory_space<hbm>> -> memref<1x128xi32, #tpu.memory_space<hbm>>
      %dma_start3A_71 = tpu.memref_squeeze %dma_start3A_70 : memref<1x128xi32, #tpu.memory_space<hbm>> -> memref<128xi32, #tpu.memory_space<hbm>>
      tpu.enqueue_dma source(%dma_start3A_71 : memref<128xi32, #tpu.memory_space<hbm>>) target(%arg16 : memref<128xi32, #tpu.memory_space<vmem>>) target_semaphore(%run_scoped3A : memref<!tpu.dma_semaphore, #tpu.memory_space<semaphore_mem>>)
      %dma_wait3A_72 = arith.constant 0 : i32
      %dma_wait3A_73 = tpu.memref_slice %arg4[%add3A_20, %dma_wait3A_72] : memref<2500x128xi32, #tpu.memory_space<hbm>> -> memref<1x128xi32, #tpu.memory_space<hbm>>
      %dma_wait3A_74 = tpu.memref_squeeze %dma_wait3A_73 : memref<1x128xi32, #tpu.memory_space<hbm>> -> memref<128xi32, #tpu.memory_space<hbm>>
      %dma_wait3A_75 = arith.constant 0 : i32
      %dma_wait3A_76 = tpu.memref_slice %arg4[%add3A_20, %dma_wait3A_75] : memref<2500x128xi32, #tpu.memory_space<hbm>> -> memref<1x128xi32, #tpu.memory_space<hbm>>
      %dma_wait3A_77 = tpu.memref_squeeze %dma_wait3A_76 : memref<1x128xi32, #tpu.memory_space<hbm>> -> memref<128xi32, #tpu.memory_space<hbm>>
      tpu.wait_dma2 semaphore(%run_scoped3A : memref<!tpu.dma_semaphore, #tpu.memory_space<semaphore_mem>>) src(%dma_wait3A_77 : memref<128xi32, #tpu.memory_space<hbm>>) dst(%arg16 : memref<128xi32, #tpu.memory_space<vmem>>)
      tpu.yield
    }) : () -> ()
    %dma_start3A_21 = arith.constant 0 : i32
    %dma_start3A_22 = arith.constant 0 : i32
    %dma_start3A_23 = tpu.memref_slice %arg2[%dma_start3A_21, %dma_start3A_22] : memref<10000x128xbf16, #tpu.memory_space<hbm>> -> memref<10000x128xbf16, #tpu.memory_space<hbm>>
    tpu.enqueue_indirect_dma source(%dma_start3A_23 : memref<10000x128xbf16, #tpu.memory_space<hbm>>) target(%arg18 : memref<128x128xbf16, #tpu.memory_space<vmem>>) offsets(%arg14 : memref<128xi32, #tpu.memory_space<vmem>>) semaphore(%arg22 : memref<!tpu.dma_semaphore, #tpu.memory_space<semaphore_mem>>)
    %scan3A = arith.constant 0 : i32
    %scan3A_24 = arith.constant 0 : i32
    %scan3A_25 = arith.constant 40 : i32
    %scan3A_26 = arith.addi %scan3A_24, %scan3A_25 : i32
    %scan3A_27 = arith.constant 1 : i32
    scf.for %scan3A_66 = %scan3A_24 to %scan3A_26 step %scan3A_27  : i32 {
      %mul3A_67 = arith.constant 2 : i32
      %mul3A_68 = arith.muli %scan3A_66, %mul3A_67 : i32
      %add3A_69 = arith.constant 0 : i32
      %add3A_70 = arith.addi %mul3A_68, %add3A_69 : i32
      %lt3A_71 = arith.cmpi slt, %add3A_70, %add3A_8 : i32
      %add3A_72 = arith.constant 2 : i32
      %add3A_73 = arith.addi %add3A_70, %add3A_72 : i32
      %lt3A_74 = arith.cmpi slt, %add3A_73, %add3A_8 : i32
      %convert_element_type3A_75 = arith.extui %lt3A_71 : i1 to i32
      %cond3A_76 = arith.constant 0 : i32
      %cond3A_77 = arith.cmpi ne, %convert_element_type3A_75, %cond3A_76 : i32
      scf.if %cond3A_77 {
        %dma_wait3A_107 = arith.constant 0 : i32
        %dma_wait3A_108 = arith.constant 0 : i32
        %dma_wait3A_109 = tpu.memref_slice %arg2[%dma_wait3A_107, %dma_wait3A_108] : memref<10000x128xbf16, #tpu.memory_space<hbm>> -> memref<10000x128xbf16, #tpu.memory_space<hbm>>
        tpu.wait_indirect_dma semaphore(%arg21 : memref<!tpu.dma_semaphore, #tpu.memory_space<semaphore_mem>>) src(%dma_wait3A_109 : memref<10000x128xbf16, #tpu.memory_space<hbm>>) dst(%arg17 : memref<128x128xbf16, #tpu.memory_space<vmem>>)
        %gt3A = arith.constant 0 : i32
        %gt3A_110 = arith.cmpi sgt, %scan3A_66, %gt3A : i32
        %convert_element_type3A_111 = arith.extui %gt3A_110 : i1 to i32
        %cond3A_112 = arith.constant 0 : i32
        %cond3A_113 = arith.cmpi ne, %convert_element_type3A_111, %cond3A_112 : i32
        scf.if %cond3A_113 {
          %dma_wait3A_117 = arith.constant 0 : i32
          %dma_wait3A_118 = arith.constant 0 : i32
          %dma_wait3A_119 = tpu.memref_slice %arg4[%dma_wait3A_117, %dma_wait3A_118] : memref<2500x128xi32, #tpu.memory_space<hbm>> -> memref<1x128xi32, #tpu.memory_space<hbm>>
          %dma_wait3A_120 = tpu.memref_squeeze %dma_wait3A_119 : memref<1x128xi32, #tpu.memory_space<hbm>> -> memref<128xi32, #tpu.memory_space<hbm>>
          %dma_wait3A_121 = arith.constant 0 : i32
          %dma_wait3A_122 = tpu.memref_slice %arg4[%dma_wait3A_117, %dma_wait3A_121] : memref<2500x128xi32, #tpu.memory_space<hbm>> -> memref<1x128xi32, #tpu.memory_space<hbm>>
          %dma_wait3A_123 = tpu.memref_squeeze %dma_wait3A_122 : memref<1x128xi32, #tpu.memory_space<hbm>> -> memref<128xi32, #tpu.memory_space<hbm>>
          tpu.wait_dma2 semaphore(%arg27 : memref<!tpu.dma_semaphore, #tpu.memory_space<semaphore_mem>>) src(%dma_wait3A_123 : memref<128xi32, #tpu.memory_space<hbm>>) dst(%arg15 : memref<128xi32, #tpu.memory_space<vmem>>)
        } else {
        }
        %dma_start3A_114 = arith.constant 0 : i32
        %dma_start3A_115 = arith.constant 0 : i32
        %dma_start3A_116 = tpu.memref_slice %arg20[%dma_start3A_114, %dma_start3A_115] : memref<10112x128xbf16, #tpu.memory_space<vmem_shared>> -> memref<10112x128xbf16, #tpu.memory_space<vmem_shared>>
        tpu.enqueue_indirect_dma source(%arg17 : memref<128x128xbf16, #tpu.memory_space<vmem>>) target(%dma_start3A_116 : memref<10112x128xbf16, #tpu.memory_space<vmem_shared>>) offsets(%arg15 : memref<128xi32, #tpu.memory_space<vmem>>) semaphore(%arg23 : memref<!tpu.dma_semaphore, #tpu.memory_space<semaphore_mem>>) {add = true}
      } else {
      }
      %convert_element_type3A_78 = arith.extui %lt3A_74 : i1 to i32
      %cond3A_79 = arith.constant 0 : i32
      %cond3A_80 = arith.cmpi ne, %convert_element_type3A_78, %cond3A_79 : i32
      scf.if %cond3A_80 {
        %add3A_107 = arith.addi %add3A_4, %add3A_70 : i32
        %add3A_108 = arith.constant 2 : i32
        %add3A_109 = arith.addi %add3A_107, %add3A_108 : i32
        %dma_start3A_110 = arith.constant 0 : i32
        %dma_start3A_111 = tpu.memref_slice %arg3[%add3A_109, %dma_start3A_110] : memref<2500x128xi32, #tpu.memory_space<hbm>> -> memref<1x128xi32, #tpu.memory_space<hbm>>
        %dma_start3A_112 = tpu.memref_squeeze %dma_start3A_111 : memref<1x128xi32, #tpu.memory_space<hbm>> -> memref<128xi32, #tpu.memory_space<hbm>>
        %dma_start3A_113 = arith.constant 0 : i32
        %dma_start3A_114 = tpu.memref_slice %arg3[%add3A_109, %dma_start3A_113] : memref<2500x128xi32, #tpu.memory_space<hbm>> -> memref<1x128xi32, #tpu.memory_space<hbm>>
        %dma_start3A_115 = tpu.memref_squeeze %dma_start3A_114 : memref<1x128xi32, #tpu.memory_space<hbm>> -> memref<128xi32, #tpu.memory_space<hbm>>
        tpu.enqueue_dma source(%dma_start3A_115 : memref<128xi32, #tpu.memory_space<hbm>>) target(%arg13 : memref<128xi32, #tpu.memory_space<vmem>>) target_semaphore(%arg25 : memref<!tpu.dma_semaphore, #tpu.memory_space<semaphore_mem>>)
      } else {
      }
      %convert_element_type3A_81 = arith.extui %lt3A_71 : i1 to i32
      %cond3A_82 = arith.constant 0 : i32
      %cond3A_83 = arith.cmpi ne, %convert_element_type3A_81, %cond3A_82 : i32
      scf.if %cond3A_83 {
        %dma_wait3A_107 = arith.constant 0 : i32
        %dma_wait3A_108 = arith.constant 0 : i32
        %dma_wait3A_109 = tpu.memref_slice %arg20[%dma_wait3A_107, %dma_wait3A_108] : memref<10112x128xbf16, #tpu.memory_space<vmem_shared>> -> memref<10112x128xbf16, #tpu.memory_space<vmem_shared>>
        tpu.wait_indirect_dma semaphore(%arg23 : memref<!tpu.dma_semaphore, #tpu.memory_space<semaphore_mem>>) src(%arg17 : memref<128x128xbf16, #tpu.memory_space<vmem>>) dst(%dma_wait3A_109 : memref<10112x128xbf16, #tpu.memory_space<vmem_shared>>)
      } else {
      }
      %convert_element_type3A_84 = arith.extui %lt3A_74 : i1 to i32
      %cond3A_85 = arith.constant 0 : i32
      %cond3A_86 = arith.cmpi ne, %convert_element_type3A_84, %cond3A_85 : i32
      scf.if %cond3A_86 {
        %add3A_107 = arith.addi %add3A_4, %add3A_70 : i32
        %add3A_108 = arith.constant 2 : i32
        %add3A_109 = arith.addi %add3A_107, %add3A_108 : i32
        %dma_start3A_110 = arith.constant 0 : i32
        %dma_start3A_111 = tpu.memref_slice %arg4[%add3A_109, %dma_start3A_110] : memref<2500x128xi32, #tpu.memory_space<hbm>> -> memref<1x128xi32, #tpu.memory_space<hbm>>
        %dma_start3A_112 = tpu.memref_squeeze %dma_start3A_111 : memref<1x128xi32, #tpu.memory_space<hbm>> -> memref<128xi32, #tpu.memory_space<hbm>>
        %dma_start3A_113 = arith.constant 0 : i32
        %dma_start3A_114 = tpu.memref_slice %arg4[%add3A_109, %dma_start3A_113] : memref<2500x128xi32, #tpu.memory_space<hbm>> -> memref<1x128xi32, #tpu.memory_space<hbm>>
        %dma_start3A_115 = tpu.memref_squeeze %dma_start3A_114 : memref<1x128xi32, #tpu.memory_space<hbm>> -> memref<128xi32, #tpu.memory_space<hbm>>
        tpu.enqueue_dma source(%dma_start3A_115 : memref<128xi32, #tpu.memory_space<hbm>>) target(%arg15 : memref<128xi32, #tpu.memory_space<vmem>>) target_semaphore(%arg27 : memref<!tpu.dma_semaphore, #tpu.memory_space<semaphore_mem>>)
        %dma_wait3A_116 = arith.constant 0 : i32
        %dma_wait3A_117 = arith.constant 0 : i32
        %dma_wait3A_118 = tpu.memref_slice %arg3[%dma_wait3A_116, %dma_wait3A_117] : memref<2500x128xi32, #tpu.memory_space<hbm>> -> memref<1x128xi32, #tpu.memory_space<hbm>>
        %dma_wait3A_119 = tpu.memref_squeeze %dma_wait3A_118 : memref<1x128xi32, #tpu.memory_space<hbm>> -> memref<128xi32, #tpu.memory_space<hbm>>
        %dma_wait3A_120 = arith.constant 0 : i32
        %dma_wait3A_121 = tpu.memref_slice %arg3[%dma_wait3A_116, %dma_wait3A_120] : memref<2500x128xi32, #tpu.memory_space<hbm>> -> memref<1x128xi32, #tpu.memory_space<hbm>>
        %dma_wait3A_122 = tpu.memref_squeeze %dma_wait3A_121 : memref<1x128xi32, #tpu.memory_space<hbm>> -> memref<128xi32, #tpu.memory_space<hbm>>
        tpu.wait_dma2 semaphore(%arg25 : memref<!tpu.dma_semaphore, #tpu.memory_space<semaphore_mem>>) src(%dma_wait3A_122 : memref<128xi32, #tpu.memory_space<hbm>>) dst(%arg13 : memref<128xi32, #tpu.memory_space<vmem>>)
        %dma_start3A_123 = arith.constant 0 : i32
        %dma_start3A_124 = arith.constant 0 : i32
        %dma_start3A_125 = tpu.memref_slice %arg2[%dma_start3A_123, %dma_start3A_124] : memref<10000x128xbf16, #tpu.memory_space<hbm>> -> memref<10000x128xbf16, #tpu.memory_space<hbm>>
        tpu.enqueue_indirect_dma source(%dma_start3A_125 : memref<10000x128xbf16, #tpu.memory_space<hbm>>) target(%arg17 : memref<128x128xbf16, #tpu.memory_space<vmem>>) offsets(%arg13 : memref<128xi32, #tpu.memory_space<vmem>>) semaphore(%arg21 : memref<!tpu.dma_semaphore, #tpu.memory_space<semaphore_mem>>)
      } else {
      }
      %mul3A_87 = arith.constant 2 : i32
      %mul3A_88 = arith.muli %scan3A_66, %mul3A_87 : i32
      %add3A_89 = arith.constant 1 : i32
      %add3A_90 = arith.addi %mul3A_88, %add3A_89 : i32
      %lt3A_91 = arith.cmpi slt, %add3A_90, %add3A_8 : i32
      %add3A_92 = arith.constant 2 : i32
      %add3A_93 = arith.addi %add3A_90, %add3A_92 : i32
      %lt3A_94 = arith.cmpi slt, %add3A_93, %add3A_8 : i32
      %convert_element_type3A_95 = arith.extui %lt3A_91 : i1 to i32
      %cond3A_96 = arith.constant 0 : i32
      %cond3A_97 = arith.cmpi ne, %convert_element_type3A_95, %cond3A_96 : i32
      scf.if %cond3A_97 {
        %dma_wait3A_107 = arith.constant 0 : i32
        %dma_wait3A_108 = arith.constant 0 : i32
        %dma_wait3A_109 = tpu.memref_slice %arg2[%dma_wait3A_107, %dma_wait3A_108] : memref<10000x128xbf16, #tpu.memory_space<hbm>> -> memref<10000x128xbf16, #tpu.memory_space<hbm>>
        tpu.wait_indirect_dma semaphore(%arg22 : memref<!tpu.dma_semaphore, #tpu.memory_space<semaphore_mem>>) src(%dma_wait3A_109 : memref<10000x128xbf16, #tpu.memory_space<hbm>>) dst(%arg18 : memref<128x128xbf16, #tpu.memory_space<vmem>>)
        %gt3A = arith.constant 0 : i32
        %gt3A_110 = arith.cmpi sgt, %scan3A_66, %gt3A : i32
        %convert_element_type3A_111 = arith.extui %gt3A_110 : i1 to i32
        %cond3A_112 = arith.constant 0 : i32
        %cond3A_113 = arith.cmpi ne, %convert_element_type3A_111, %cond3A_112 : i32
        scf.if %cond3A_113 {
          %dma_wait3A_117 = arith.constant 0 : i32
          %dma_wait3A_118 = arith.constant 0 : i32
          %dma_wait3A_119 = tpu.memref_slice %arg4[%dma_wait3A_117, %dma_wait3A_118] : memref<2500x128xi32, #tpu.memory_space<hbm>> -> memref<1x128xi32, #tpu.memory_space<hbm>>
          %dma_wait3A_120 = tpu.memref_squeeze %dma_wait3A_119 : memref<1x128xi32, #tpu.memory_space<hbm>> -> memref<128xi32, #tpu.memory_space<hbm>>
          %dma_wait3A_121 = arith.constant 0 : i32
          %dma_wait3A_122 = tpu.memref_slice %arg4[%dma_wait3A_117, %dma_wait3A_121] : memref<2500x128xi32, #tpu.memory_space<hbm>> -> memref<1x128xi32, #tpu.memory_space<hbm>>
          %dma_wait3A_123 = tpu.memref_squeeze %dma_wait3A_122 : memref<1x128xi32, #tpu.memory_space<hbm>> -> memref<128xi32, #tpu.memory_space<hbm>>
          tpu.wait_dma2 semaphore(%arg28 : memref<!tpu.dma_semaphore, #tpu.memory_space<semaphore_mem>>) src(%dma_wait3A_123 : memref<128xi32, #tpu.memory_space<hbm>>) dst(%arg16 : memref<128xi32, #tpu.memory_space<vmem>>)
        } else {
        }
        %dma_start3A_114 = arith.constant 0 : i32
        %dma_start3A_115 = arith.constant 0 : i32
        %dma_start3A_116 = tpu.memref_slice %arg20[%dma_start3A_114, %dma_start3A_115] : memref<10112x128xbf16, #tpu.memory_space<vmem_shared>> -> memref<10112x128xbf16, #tpu.memory_space<vmem_shared>>
        tpu.enqueue_indirect_dma source(%arg18 : memref<128x128xbf16, #tpu.memory_space<vmem>>) target(%dma_start3A_116 : memref<10112x128xbf16, #tpu.memory_space<vmem_shared>>) offsets(%arg16 : memref<128xi32, #tpu.memory_space<vmem>>) semaphore(%arg24 : memref<!tpu.dma_semaphore, #tpu.memory_space<semaphore_mem>>) {add = true}
      } else {
      }
      %convert_element_type3A_98 = arith.extui %lt3A_94 : i1 to i32
      %cond3A_99 = arith.constant 0 : i32
      %cond3A_100 = arith.cmpi ne, %convert_element_type3A_98, %cond3A_99 : i32
      scf.if %cond3A_100 {
        %add3A_107 = arith.addi %add3A_4, %add3A_90 : i32
        %add3A_108 = arith.constant 2 : i32
        %add3A_109 = arith.addi %add3A_107, %add3A_108 : i32
        %dma_start3A_110 = arith.constant 0 : i32
        %dma_start3A_111 = tpu.memref_slice %arg3[%add3A_109, %dma_start3A_110] : memref<2500x128xi32, #tpu.memory_space<hbm>> -> memref<1x128xi32, #tpu.memory_space<hbm>>
        %dma_start3A_112 = tpu.memref_squeeze %dma_start3A_111 : memref<1x128xi32, #tpu.memory_space<hbm>> -> memref<128xi32, #tpu.memory_space<hbm>>
        %dma_start3A_113 = arith.constant 0 : i32
        %dma_start3A_114 = tpu.memref_slice %arg3[%add3A_109, %dma_start3A_113] : memref<2500x128xi32, #tpu.memory_space<hbm>> -> memref<1x128xi32, #tpu.memory_space<hbm>>
        %dma_start3A_115 = tpu.memref_squeeze %dma_start3A_114 : memref<1x128xi32, #tpu.memory_space<hbm>> -> memref<128xi32, #tpu.memory_space<hbm>>
        tpu.enqueue_dma source(%dma_start3A_115 : memref<128xi32, #tpu.memory_space<hbm>>) target(%arg14 : memref<128xi32, #tpu.memory_space<vmem>>) target_semaphore(%arg26 : memref<!tpu.dma_semaphore, #tpu.memory_space<semaphore_mem>>)
      } else {
      }
      %convert_element_type3A_101 = arith.extui %lt3A_91 : i1 to i32
      %cond3A_102 = arith.constant 0 : i32
      %cond3A_103 = arith.cmpi ne, %convert_element_type3A_101, %cond3A_102 : i32
      scf.if %cond3A_103 {
        %dma_wait3A_107 = arith.constant 0 : i32
        %dma_wait3A_108 = arith.constant 0 : i32
        %dma_wait3A_109 = tpu.memref_slice %arg20[%dma_wait3A_107, %dma_wait3A_108] : memref<10112x128xbf16, #tpu.memory_space<vmem_shared>> -> memref<10112x128xbf16, #tpu.memory_space<vmem_shared>>
        tpu.wait_indirect_dma semaphore(%arg24 : memref<!tpu.dma_semaphore, #tpu.memory_space<semaphore_mem>>) src(%arg18 : memref<128x128xbf16, #tpu.memory_space<vmem>>) dst(%dma_wait3A_109 : memref<10112x128xbf16, #tpu.memory_space<vmem_shared>>)
      } else {
      }
      %convert_element_type3A_104 = arith.extui %lt3A_94 : i1 to i32
      %cond3A_105 = arith.constant 0 : i32
      %cond3A_106 = arith.cmpi ne, %convert_element_type3A_104, %cond3A_105 : i32
      scf.if %cond3A_106 {
        %add3A_107 = arith.addi %add3A_4, %add3A_90 : i32
        %add3A_108 = arith.constant 2 : i32
        %add3A_109 = arith.addi %add3A_107, %add3A_108 : i32
        %dma_start3A_110 = arith.constant 0 : i32
        %dma_start3A_111 = tpu.memref_slice %arg4[%add3A_109, %dma_start3A_110] : memref<2500x128xi32, #tpu.memory_space<hbm>> -> memref<1x128xi32, #tpu.memory_space<hbm>>
        %dma_start3A_112 = tpu.memref_squeeze %dma_start3A_111 : memref<1x128xi32, #tpu.memory_space<hbm>> -> memref<128xi32, #tpu.memory_space<hbm>>
        %dma_start3A_113 = arith.constant 0 : i32
        %dma_start3A_114 = tpu.memref_slice %arg4[%add3A_109, %dma_start3A_113] : memref<2500x128xi32, #tpu.memory_space<hbm>> -> memref<1x128xi32, #tpu.memory_space<hbm>>
        %dma_start3A_115 = tpu.memref_squeeze %dma_start3A_114 : memref<1x128xi32, #tpu.memory_space<hbm>> -> memref<128xi32, #tpu.memory_space<hbm>>
        tpu.enqueue_dma source(%dma_start3A_115 : memref<128xi32, #tpu.memory_space<hbm>>) target(%arg16 : memref<128xi32, #tpu.memory_space<vmem>>) target_semaphore(%arg28 : memref<!tpu.dma_semaphore, #tpu.memory_space<semaphore_mem>>)
        %dma_wait3A_116 = arith.constant 0 : i32
        %dma_wait3A_117 = arith.constant 0 : i32
        %dma_wait3A_118 = tpu.memref_slice %arg3[%dma_wait3A_116, %dma_wait3A_117] : memref<2500x128xi32, #tpu.memory_space<hbm>> -> memref<1x128xi32, #tpu.memory_space<hbm>>
        %dma_wait3A_119 = tpu.memref_squeeze %dma_wait3A_118 : memref<1x128xi32, #tpu.memory_space<hbm>> -> memref<128xi32, #tpu.memory_space<hbm>>
        %dma_wait3A_120 = arith.constant 0 : i32
        %dma_wait3A_121 = tpu.memref_slice %arg3[%dma_wait3A_116, %dma_wait3A_120] : memref<2500x128xi32, #tpu.memory_space<hbm>> -> memref<1x128xi32, #tpu.memory_space<hbm>>
        %dma_wait3A_122 = tpu.memref_squeeze %dma_wait3A_121 : memref<1x128xi32, #tpu.memory_space<hbm>> -> memref<128xi32, #tpu.memory_space<hbm>>
        tpu.wait_dma2 semaphore(%arg26 : memref<!tpu.dma_semaphore, #tpu.memory_space<semaphore_mem>>) src(%dma_wait3A_122 : memref<128xi32, #tpu.memory_space<hbm>>) dst(%arg14 : memref<128xi32, #tpu.memory_space<vmem>>)
        %dma_start3A_123 = arith.constant 0 : i32
        %dma_start3A_124 = arith.constant 0 : i32
        %dma_start3A_125 = tpu.memref_slice %arg2[%dma_start3A_123, %dma_start3A_124] : memref<10000x128xbf16, #tpu.memory_space<hbm>> -> memref<10000x128xbf16, #tpu.memory_space<hbm>>
        tpu.enqueue_indirect_dma source(%dma_start3A_125 : memref<10000x128xbf16, #tpu.memory_space<hbm>>) target(%arg18 : memref<128x128xbf16, #tpu.memory_space<vmem>>) offsets(%arg14 : memref<128xi32, #tpu.memory_space<vmem>>) semaphore(%arg22 : memref<!tpu.dma_semaphore, #tpu.memory_space<semaphore_mem>>)
      } else {
      }
    }
    %scan3A_28 = arith.constant 40 : i32
    %barrier3A_29 = arith.constant 0 : index
    tpu.barrier barrier_id(%barrier3A_29)
    %mul3A_30 = arith.constant 2 : i32
    %mul3A_31 = arith.muli %arg1, %mul3A_30 : i32
    %add3A_32 = arith.constant 0 : i32
    %add3A_33 = arith.addi %mul3A_31, %add3A_32 : i32
    "tpu.region"() ({
      %run_scoped3A = tpu.sem_alloc : memref<!tpu.dma_semaphore, #tpu.memory_space<semaphore_mem>>
      %dma_start3A_66 = arith.constant 0 : i32
      %dma_start3A_67 = tpu.memref_slice %arg6[%add3A_33, %dma_start3A_66] : memref<32x128xi32, #tpu.memory_space<hbm>> -> memref<1x128xi32, #tpu.memory_space<hbm>>
      %dma_start3A_68 = tpu.memref_squeeze %dma_start3A_67 : memref<1x128xi32, #tpu.memory_space<hbm>> -> memref<128xi32, #tpu.memory_space<hbm>>
      %dma_start3A_69 = arith.constant 0 : i32
      %dma_start3A_70 = tpu.memref_slice %arg6[%add3A_33, %dma_start3A_69] : memref<32x128xi32, #tpu.memory_space<hbm>> -> memref<1x128xi32, #tpu.memory_space<hbm>>
      %dma_start3A_71 = tpu.memref_squeeze %dma_start3A_70 : memref<1x128xi32, #tpu.memory_space<hbm>> -> memref<128xi32, #tpu.memory_space<hbm>>
      tpu.enqueue_dma source(%dma_start3A_71 : memref<128xi32, #tpu.memory_space<hbm>>) target(%arg13 : memref<128xi32, #tpu.memory_space<vmem>>) target_semaphore(%run_scoped3A : memref<!tpu.dma_semaphore, #tpu.memory_space<semaphore_mem>>)
      %dma_wait3A_72 = arith.constant 0 : i32
      %dma_wait3A_73 = tpu.memref_slice %arg6[%add3A_33, %dma_wait3A_72] : memref<32x128xi32, #tpu.memory_space<hbm>> -> memref<1x128xi32, #tpu.memory_space<hbm>>
      %dma_wait3A_74 = tpu.memref_squeeze %dma_wait3A_73 : memref<1x128xi32, #tpu.memory_space<hbm>> -> memref<128xi32, #tpu.memory_space<hbm>>
      %dma_wait3A_75 = arith.constant 0 : i32
      %dma_wait3A_76 = tpu.memref_slice %arg6[%add3A_33, %dma_wait3A_75] : memref<32x128xi32, #tpu.memory_space<hbm>> -> memref<1x128xi32, #tpu.memory_space<hbm>>
      %dma_wait3A_77 = tpu.memref_squeeze %dma_wait3A_76 : memref<1x128xi32, #tpu.memory_space<hbm>> -> memref<128xi32, #tpu.memory_space<hbm>>
      tpu.wait_dma2 semaphore(%run_scoped3A : memref<!tpu.dma_semaphore, #tpu.memory_space<semaphore_mem>>) src(%dma_wait3A_77 : memref<128xi32, #tpu.memory_space<hbm>>) dst(%arg13 : memref<128xi32, #tpu.memory_space<vmem>>)
      tpu.yield
    }) : () -> ()
    %dma_start3A_34 = arith.constant 0 : i32
    %dma_start3A_35 = arith.constant 0 : i32
    %dma_start3A_36 = tpu.memref_slice %arg20[%dma_start3A_34, %dma_start3A_35] : memref<10112x128xbf16, #tpu.memory_space<vmem_shared>> -> memref<10112x128xbf16, #tpu.memory_space<vmem_shared>>
    tpu.enqueue_indirect_dma source(%dma_start3A_36 : memref<10112x128xbf16, #tpu.memory_space<vmem_shared>>) target(%arg17 : memref<128x128xbf16, #tpu.memory_space<vmem>>) offsets(%arg13 : memref<128xi32, #tpu.memory_space<vmem>>) semaphore(%arg21 : memref<!tpu.dma_semaphore, #tpu.memory_space<semaphore_mem>>)
    %dma_wait3A = arith.constant 0 : i32
    %dma_wait3A_37 = arith.constant 0 : i32
    %dma_wait3A_38 = tpu.memref_slice %arg20[%dma_wait3A, %dma_wait3A_37] : memref<10112x128xbf16, #tpu.memory_space<vmem_shared>> -> memref<10112x128xbf16, #tpu.memory_space<vmem_shared>>
    tpu.wait_indirect_dma semaphore(%arg21 : memref<!tpu.dma_semaphore, #tpu.memory_space<semaphore_mem>>) src(%dma_wait3A_38 : memref<10112x128xbf16, #tpu.memory_space<vmem_shared>>) dst(%arg17 : memref<128x128xbf16, #tpu.memory_space<vmem>>)
    %mul3A_39 = arith.constant 4096 : i32
    %mul3A_40 = arith.muli %arg0, %mul3A_39 : i32
    %mul3A_41 = arith.constant 128 : i32
    %mul3A_42 = arith.muli %add3A_33, %mul3A_41 : i32
    %add3A_43 = arith.addi %mul3A_40, %mul3A_42 : i32
    "tpu.region"() ({
      %run_scoped3A = tpu.sem_alloc : memref<!tpu.dma_semaphore, #tpu.memory_space<semaphore_mem>>
      %dma_start3A_66 = arith.constant 0 : i32
      %dma_start3A_67 = tpu.memref_slice %arg9[%add3A_43, %dma_start3A_66] : memref<8192x128xbf16, #tpu.memory_space<hbm>> -> memref<128x128xbf16, #tpu.memory_space<hbm>>
      %dma_start3A_68 = arith.constant 0 : i32
      %dma_start3A_69 = tpu.memref_slice %arg9[%add3A_43, %dma_start3A_68] : memref<8192x128xbf16, #tpu.memory_space<hbm>> -> memref<128x128xbf16, #tpu.memory_space<hbm>>
      tpu.enqueue_dma source(%arg17 : memref<128x128xbf16, #tpu.memory_space<vmem>>) target(%dma_start3A_69 : memref<128x128xbf16, #tpu.memory_space<hbm>>) target_semaphore(%run_scoped3A : memref<!tpu.dma_semaphore, #tpu.memory_space<semaphore_mem>>)
      %dma_wait3A_70 = arith.constant 0 : i32
      %dma_wait3A_71 = tpu.memref_slice %arg9[%add3A_43, %dma_wait3A_70] : memref<8192x128xbf16, #tpu.memory_space<hbm>> -> memref<128x128xbf16, #tpu.memory_space<hbm>>
      %dma_wait3A_72 = arith.constant 0 : i32
      %dma_wait3A_73 = tpu.memref_slice %arg9[%add3A_43, %dma_wait3A_72] : memref<8192x128xbf16, #tpu.memory_space<hbm>> -> memref<128x128xbf16, #tpu.memory_space<hbm>>
      tpu.wait_dma2 semaphore(%run_scoped3A : memref<!tpu.dma_semaphore, #tpu.memory_space<semaphore_mem>>) src(%arg17 : memref<128x128xbf16, #tpu.memory_space<vmem>>) dst(%dma_wait3A_73 : memref<128x128xbf16, #tpu.memory_space<hbm>>)
      tpu.yield
    }) : () -> ()
    %eq3A = arith.constant 0 : i32
    %eq3A_44 = arith.cmpi eq, %arg0, %eq3A : i32
    %convert_element_type3A = arith.extui %eq3A_44 : i1 to i32
    %cond3A = arith.constant 0 : i32
    %cond3A_45 = arith.cmpi ne, %convert_element_type3A, %cond3A : i32
    scf.if %cond3A_45 {
      %dma_start3A_66 = arith.constant 0 : i32
      %dma_start3A_67 = arith.constant 0 : i32
      %dma_start3A_68 = tpu.memref_slice %arg2[%dma_start3A_66, %dma_start3A_67] : memref<10000x128xbf16, #tpu.memory_space<hbm>> -> memref<10000x128xbf16, #tpu.memory_space<hbm>>
      tpu.enqueue_indirect_dma source(%dma_start3A_68 : memref<10000x128xbf16, #tpu.memory_space<hbm>>) target(%arg18 : memref<128x128xbf16, #tpu.memory_space<vmem>>) offsets(%arg13 : memref<128xi32, #tpu.memory_space<vmem>>) semaphore(%arg22 : memref<!tpu.dma_semaphore, #tpu.memory_space<semaphore_mem>>)
      %dma_wait3A_69 = arith.constant 0 : i32
      %dma_wait3A_70 = arith.constant 0 : i32
      %dma_wait3A_71 = tpu.memref_slice %arg2[%dma_wait3A_69, %dma_wait3A_70] : memref<10000x128xbf16, #tpu.memory_space<hbm>> -> memref<10000x128xbf16, #tpu.memory_space<hbm>>
      tpu.wait_indirect_dma semaphore(%arg22 : memref<!tpu.dma_semaphore, #tpu.memory_space<semaphore_mem>>) src(%dma_wait3A_71 : memref<10000x128xbf16, #tpu.memory_space<hbm>>) dst(%arg18 : memref<128x128xbf16, #tpu.memory_space<vmem>>)
      %mul3A_72 = arith.constant 128 : i32
      %mul3A_73 = arith.muli %add3A_33, %mul3A_72 : i32
      "tpu.region"() ({
        %run_scoped3A = tpu.sem_alloc : memref<!tpu.dma_semaphore, #tpu.memory_space<semaphore_mem>>
        %dma_start3A_90 = arith.constant 0 : i32
        %dma_start3A_91 = tpu.memref_slice %arg10[%mul3A_73, %dma_start3A_90] : memref<4096x128xbf16, #tpu.memory_space<hbm>> -> memref<128x128xbf16, #tpu.memory_space<hbm>>
        %dma_start3A_92 = arith.constant 0 : i32
        %dma_start3A_93 = tpu.memref_slice %arg10[%mul3A_73, %dma_start3A_92] : memref<4096x128xbf16, #tpu.memory_space<hbm>> -> memref<128x128xbf16, #tpu.memory_space<hbm>>
        tpu.enqueue_dma source(%arg18 : memref<128x128xbf16, #tpu.memory_space<vmem>>) target(%dma_start3A_93 : memref<128x128xbf16, #tpu.memory_space<hbm>>) target_semaphore(%run_scoped3A : memref<!tpu.dma_semaphore, #tpu.memory_space<semaphore_mem>>)
        %dma_wait3A_94 = arith.constant 0 : i32
        %dma_wait3A_95 = tpu.memref_slice %arg10[%mul3A_73, %dma_wait3A_94] : memref<4096x128xbf16, #tpu.memory_space<hbm>> -> memref<128x128xbf16, #tpu.memory_space<hbm>>
        %dma_wait3A_96 = arith.constant 0 : i32
        %dma_wait3A_97 = tpu.memref_slice %arg10[%mul3A_73, %dma_wait3A_96] : memref<4096x128xbf16, #tpu.memory_space<hbm>> -> memref<128x128xbf16, #tpu.memory_space<hbm>>
        tpu.wait_dma2 semaphore(%run_scoped3A : memref<!tpu.dma_semaphore, #tpu.memory_space<semaphore_mem>>) src(%arg18 : memref<128x128xbf16, #tpu.memory_space<vmem>>) dst(%dma_wait3A_97 : memref<128x128xbf16, #tpu.memory_space<hbm>>)
        tpu.yield
      }) : () -> ()
      %dma_start3A_74 = arith.constant 0 : i32
      %dma_start3A_75 = arith.constant 0 : i32
      %dma_start3A_76 = tpu.memref_slice %arg7[%dma_start3A_74, %dma_start3A_75] : memref<10000x128xbf16, #tpu.memory_space<hbm>> -> memref<10000x128xbf16, #tpu.memory_space<hbm>>
      tpu.enqueue_indirect_dma source(%dma_start3A_76 : memref<10000x128xbf16, #tpu.memory_space<hbm>>) target(%arg18 : memref<128x128xbf16, #tpu.memory_space<vmem>>) offsets(%arg13 : memref<128xi32, #tpu.memory_space<vmem>>) semaphore(%arg22 : memref<!tpu.dma_semaphore, #tpu.memory_space<semaphore_mem>>)
      %dma_wait3A_77 = arith.constant 0 : i32
      %dma_wait3A_78 = arith.constant 0 : i32
      %dma_wait3A_79 = tpu.memref_slice %arg7[%dma_wait3A_77, %dma_wait3A_78] : memref<10000x128xbf16, #tpu.memory_space<hbm>> -> memref<10000x128xbf16, #tpu.memory_space<hbm>>
      tpu.wait_indirect_dma semaphore(%arg22 : memref<!tpu.dma_semaphore, #tpu.memory_space<semaphore_mem>>) src(%dma_wait3A_79 : memref<10000x128xbf16, #tpu.memory_space<hbm>>) dst(%arg18 : memref<128x128xbf16, #tpu.memory_space<vmem>>)
      %mul3A_80 = arith.constant 128 : i32
      %mul3A_81 = arith.muli %add3A_33, %mul3A_80 : i32
      "tpu.region"() ({
        %run_scoped3A = tpu.sem_alloc : memref<!tpu.dma_semaphore, #tpu.memory_space<semaphore_mem>>
        %dma_start3A_90 = arith.constant 0 : i32
        %dma_start3A_91 = tpu.memref_slice %arg11[%mul3A_81, %dma_start3A_90] : memref<4096x128xbf16, #tpu.memory_space<hbm>> -> memref<128x128xbf16, #tpu.memory_space<hbm>>
        %dma_start3A_92 = arith.constant 0 : i32
        %dma_start3A_93 = tpu.memref_slice %arg11[%mul3A_81, %dma_start3A_92] : memref<4096x128xbf16, #tpu.memory_space<hbm>> -> memref<128x128xbf16, #tpu.memory_space<hbm>>
        tpu.enqueue_dma source(%arg18 : memref<128x128xbf16, #tpu.memory_space<vmem>>) target(%dma_start3A_93 : memref<128x128xbf16, #tpu.memory_space<hbm>>) target_semaphore(%run_scoped3A : memref<!tpu.dma_semaphore, #tpu.memory_space<semaphore_mem>>)
        %dma_wait3A_94 = arith.constant 0 : i32
        %dma_wait3A_95 = tpu.memref_slice %arg11[%mul3A_81, %dma_wait3A_94] : memref<4096x128xbf16, #tpu.memory_space<hbm>> -> memref<128x128xbf16, #tpu.memory_space<hbm>>
        %dma_wait3A_96 = arith.constant 0 : i32
        %dma_wait3A_97 = tpu.memref_slice %arg11[%mul3A_81, %dma_wait3A_96] : memref<4096x128xbf16, #tpu.memory_space<hbm>> -> memref<128x128xbf16, #tpu.memory_space<hbm>>
        tpu.wait_dma2 semaphore(%run_scoped3A : memref<!tpu.dma_semaphore, #tpu.memory_space<semaphore_mem>>) src(%arg18 : memref<128x128xbf16, #tpu.memory_space<vmem>>) dst(%dma_wait3A_97 : memref<128x128xbf16, #tpu.memory_space<hbm>>)
        tpu.yield
      }) : () -> ()
      %dma_start3A_82 = arith.constant 0 : i32
      %dma_start3A_83 = arith.constant 0 : i32
      %dma_start3A_84 = tpu.memref_slice %arg8[%dma_start3A_82, %dma_start3A_83] : memref<10000x16xf32, #tpu.memory_space<hbm>> -> memref<10000x16xf32, #tpu.memory_space<hbm>>
      tpu.enqueue_indirect_dma source(%dma_start3A_84 : memref<10000x16xf32, #tpu.memory_space<hbm>>) target(%arg19 : memref<128x16xf32, #tpu.memory_space<vmem>>) offsets(%arg13 : memref<128xi32, #tpu.memory_space<vmem>>) semaphore(%arg22 : memref<!tpu.dma_semaphore, #tpu.memory_space<semaphore_mem>>)
      %dma_wait3A_85 = arith.constant 0 : i32
      %dma_wait3A_86 = arith.constant 0 : i32
      %dma_wait3A_87 = tpu.memref_slice %arg8[%dma_wait3A_85, %dma_wait3A_86] : memref<10000x16xf32, #tpu.memory_space<hbm>> -> memref<10000x16xf32, #tpu.memory_space<hbm>>
      tpu.wait_indirect_dma semaphore(%arg22 : memref<!tpu.dma_semaphore, #tpu.memory_space<semaphore_mem>>) src(%dma_wait3A_87 : memref<10000x16xf32, #tpu.memory_space<hbm>>) dst(%arg19 : memref<128x16xf32, #tpu.memory_space<vmem>>)
      %mul3A_88 = arith.constant 128 : i32
      %mul3A_89 = arith.muli %add3A_33, %mul3A_88 : i32
      "tpu.region"() ({
        %run_scoped3A = tpu.sem_alloc : memref<!tpu.dma_semaphore, #tpu.memory_space<semaphore_mem>>
        %dma_start3A_90 = arith.constant 0 : i32
        %dma_start3A_91 = tpu.memref_slice %arg12[%mul3A_89, %dma_start3A_90] : memref<4096x16xf32, #tpu.memory_space<hbm>> -> memref<128x16xf32, #tpu.memory_space<hbm>>
        %dma_start3A_92 = arith.constant 0 : i32
        %dma_start3A_93 = tpu.memref_slice %arg12[%mul3A_89, %dma_start3A_92] : memref<4096x16xf32, #tpu.memory_space<hbm>> -> memref<128x16xf32, #tpu.memory_space<hbm>>
        tpu.enqueue_dma source(%arg19 : memref<128x16xf32, #tpu.memory_space<vmem>>) target(%dma_start3A_93 : memref<128x16xf32, #tpu.memory_space<hbm>>) target_semaphore(%run_scoped3A : memref<!tpu.dma_semaphore, #tpu.memory_space<semaphore_mem>>)
        %dma_wait3A_94 = arith.constant 0 : i32
        %dma_wait3A_95 = tpu.memref_slice %arg12[%mul3A_89, %dma_wait3A_94] : memref<4096x16xf32, #tpu.memory_space<hbm>> -> memref<128x16xf32, #tpu.memory_space<hbm>>
        %dma_wait3A_96 = arith.constant 0 : i32
        %dma_wait3A_97 = tpu.memref_slice %arg12[%mul3A_89, %dma_wait3A_96] : memref<4096x16xf32, #tpu.memory_space<hbm>> -> memref<128x16xf32, #tpu.memory_space<hbm>>
        tpu.wait_dma2 semaphore(%run_scoped3A : memref<!tpu.dma_semaphore, #tpu.memory_space<semaphore_mem>>) src(%arg19 : memref<128x16xf32, #tpu.memory_space<vmem>>) dst(%dma_wait3A_97 : memref<128x16xf32, #tpu.memory_space<hbm>>)
        tpu.yield
      }) : () -> ()
    } else {
    }
    %mul3A_46 = arith.constant 2 : i32
    %mul3A_47 = arith.muli %arg1, %mul3A_46 : i32
    %add3A_48 = arith.constant 1 : i32
    %add3A_49 = arith.addi %mul3A_47, %add3A_48 : i32
    "tpu.region"() ({
      %run_scoped3A = tpu.sem_alloc : memref<!tpu.dma_semaphore, #tpu.memory_space<semaphore_mem>>
      %dma_start3A_66 = arith.constant 0 : i32
      %dma_start3A_67 = tpu.memref_slice %arg6[%add3A_49, %dma_start3A_66] : memref<32x128xi32, #tpu.memory_space<hbm>> -> memref<1x128xi32, #tpu.memory_space<hbm>>
      %dma_start3A_68 = tpu.memref_squeeze %dma_start3A_67 : memref<1x128xi32, #tpu.memory_space<hbm>> -> memref<128xi32, #tpu.memory_space<hbm>>
      %dma_start3A_69 = arith.constant 0 : i32
      %dma_start3A_70 = tpu.memref_slice %arg6[%add3A_49, %dma_start3A_69] : memref<32x128xi32, #tpu.memory_space<hbm>> -> memref<1x128xi32, #tpu.memory_space<hbm>>
      %dma_start3A_71 = tpu.memref_squeeze %dma_start3A_70 : memref<1x128xi32, #tpu.memory_space<hbm>> -> memref<128xi32, #tpu.memory_space<hbm>>
      tpu.enqueue_dma source(%dma_start3A_71 : memref<128xi32, #tpu.memory_space<hbm>>) target(%arg13 : memref<128xi32, #tpu.memory_space<vmem>>) target_semaphore(%run_scoped3A : memref<!tpu.dma_semaphore, #tpu.memory_space<semaphore_mem>>)
      %dma_wait3A_72 = arith.constant 0 : i32
      %dma_wait3A_73 = tpu.memref_slice %arg6[%add3A_49, %dma_wait3A_72] : memref<32x128xi32, #tpu.memory_space<hbm>> -> memref<1x128xi32, #tpu.memory_space<hbm>>
      %dma_wait3A_74 = tpu.memref_squeeze %dma_wait3A_73 : memref<1x128xi32, #tpu.memory_space<hbm>> -> memref<128xi32, #tpu.memory_space<hbm>>
      %dma_wait3A_75 = arith.constant 0 : i32
      %dma_wait3A_76 = tpu.memref_slice %arg6[%add3A_49, %dma_wait3A_75] : memref<32x128xi32, #tpu.memory_space<hbm>> -> memref<1x128xi32, #tpu.memory_space<hbm>>
      %dma_wait3A_77 = tpu.memref_squeeze %dma_wait3A_76 : memref<1x128xi32, #tpu.memory_space<hbm>> -> memref<128xi32, #tpu.memory_space<hbm>>
      tpu.wait_dma2 semaphore(%run_scoped3A : memref<!tpu.dma_semaphore, #tpu.memory_space<semaphore_mem>>) src(%dma_wait3A_77 : memref<128xi32, #tpu.memory_space<hbm>>) dst(%arg13 : memref<128xi32, #tpu.memory_space<vmem>>)
      tpu.yield
    }) : () -> ()
    %dma_start3A_50 = arith.constant 0 : i32
    %dma_start3A_51 = arith.constant 0 : i32
    %dma_start3A_52 = tpu.memref_slice %arg20[%dma_start3A_50, %dma_start3A_51] : memref<10112x128xbf16, #tpu.memory_space<vmem_shared>> -> memref<10112x128xbf16, #tpu.memory_space<vmem_shared>>
    tpu.enqueue_indirect_dma source(%dma_start3A_52 : memref<10112x128xbf16, #tpu.memory_space<vmem_shared>>) target(%arg17 : memref<128x128xbf16, #tpu.memory_space<vmem>>) offsets(%arg13 : memref<128xi32, #tpu.memory_space<vmem>>) semaphore(%arg21 : memref<!tpu.dma_semaphore, #tpu.memory_space<semaphore_mem>>)
    %dma_wait3A_53 = arith.constant 0 : i32
    %dma_wait3A_54 = arith.constant 0 : i32
    %dma_wait3A_55 = tpu.memref_slice %arg20[%dma_wait3A_53, %dma_wait3A_54] : memref<10112x128xbf16, #tpu.memory_space<vmem_shared>> -> memref<10112x128xbf16, #tpu.memory_space<vmem_shared>>
    tpu.wait_indirect_dma semaphore(%arg21 : memref<!tpu.dma_semaphore, #tpu.memory_space<semaphore_mem>>) src(%dma_wait3A_55 : memref<10112x128xbf16, #tpu.memory_space<vmem_shared>>) dst(%arg17 : memref<128x128xbf16, #tpu.memory_space<vmem>>)
    %mul3A_56 = arith.constant 4096 : i32
    %mul3A_57 = arith.muli %arg0, %mul3A_56 : i32
    %mul3A_58 = arith.constant 128 : i32
    %mul3A_59 = arith.muli %add3A_49, %mul3A_58 : i32
    %add3A_60 = arith.addi %mul3A_57, %mul3A_59 : i32
    "tpu.region"() ({
      %run_scoped3A = tpu.sem_alloc : memref<!tpu.dma_semaphore, #tpu.memory_space<semaphore_mem>>
      %dma_start3A_66 = arith.constant 0 : i32
      %dma_start3A_67 = tpu.memref_slice %arg9[%add3A_60, %dma_start3A_66] : memref<8192x128xbf16, #tpu.memory_space<hbm>> -> memref<128x128xbf16, #tpu.memory_space<hbm>>
      %dma_start3A_68 = arith.constant 0 : i32
      %dma_start3A_69 = tpu.memref_slice %arg9[%add3A_60, %dma_start3A_68] : memref<8192x128xbf16, #tpu.memory_space<hbm>> -> memref<128x128xbf16, #tpu.memory_space<hbm>>
      tpu.enqueue_dma source(%arg17 : memref<128x128xbf16, #tpu.memory_space<vmem>>) target(%dma_start3A_69 : memref<128x128xbf16, #tpu.memory_space<hbm>>) target_semaphore(%run_scoped3A : memref<!tpu.dma_semaphore, #tpu.memory_space<semaphore_mem>>)
      %dma_wait3A_70 = arith.constant 0 : i32
      %dma_wait3A_71 = tpu.memref_slice %arg9[%add3A_60, %dma_wait3A_70] : memref<8192x128xbf16, #tpu.memory_space<hbm>> -> memref<128x128xbf16, #tpu.memory_space<hbm>>
      %dma_wait3A_72 = arith.constant 0 : i32
      %dma_wait3A_73 = tpu.memref_slice %arg9[%add3A_60, %dma_wait3A_72] : memref<8192x128xbf16, #tpu.memory_space<hbm>> -> memref<128x128xbf16, #tpu.memory_space<hbm>>
      tpu.wait_dma2 semaphore(%run_scoped3A : memref<!tpu.dma_semaphore, #tpu.memory_space<semaphore_mem>>) src(%arg17 : memref<128x128xbf16, #tpu.memory_space<vmem>>) dst(%dma_wait3A_73 : memref<128x128xbf16, #tpu.memory_space<hbm>>)
      tpu.yield
    }) : () -> ()
    %eq3A_61 = arith.constant 0 : i32
    %eq3A_62 = arith.cmpi eq, %arg0, %eq3A_61 : i32
    %convert_element_type3A_63 = arith.extui %eq3A_62 : i1 to i32
    %cond3A_64 = arith.constant 0 : i32
    %cond3A_65 = arith.cmpi ne, %convert_element_type3A_63, %cond3A_64 : i32
    scf.if %cond3A_65 {
      %dma_start3A_66 = arith.constant 0 : i32
      %dma_start3A_67 = arith.constant 0 : i32
      %dma_start3A_68 = tpu.memref_slice %arg2[%dma_start3A_66, %dma_start3A_67] : memref<10000x128xbf16, #tpu.memory_space<hbm>> -> memref<10000x128xbf16, #tpu.memory_space<hbm>>
      tpu.enqueue_indirect_dma source(%dma_start3A_68 : memref<10000x128xbf16, #tpu.memory_space<hbm>>) target(%arg18 : memref<128x128xbf16, #tpu.memory_space<vmem>>) offsets(%arg13 : memref<128xi32, #tpu.memory_space<vmem>>) semaphore(%arg22 : memref<!tpu.dma_semaphore, #tpu.memory_space<semaphore_mem>>)
      %dma_wait3A_69 = arith.constant 0 : i32
      %dma_wait3A_70 = arith.constant 0 : i32
      %dma_wait3A_71 = tpu.memref_slice %arg2[%dma_wait3A_69, %dma_wait3A_70] : memref<10000x128xbf16, #tpu.memory_space<hbm>> -> memref<10000x128xbf16, #tpu.memory_space<hbm>>
      tpu.wait_indirect_dma semaphore(%arg22 : memref<!tpu.dma_semaphore, #tpu.memory_space<semaphore_mem>>) src(%dma_wait3A_71 : memref<10000x128xbf16, #tpu.memory_space<hbm>>) dst(%arg18 : memref<128x128xbf16, #tpu.memory_space<vmem>>)
      %mul3A_72 = arith.constant 128 : i32
      %mul3A_73 = arith.muli %add3A_49, %mul3A_72 : i32
      "tpu.region"() ({
        %run_scoped3A = tpu.sem_alloc : memref<!tpu.dma_semaphore, #tpu.memory_space<semaphore_mem>>
        %dma_start3A_90 = arith.constant 0 : i32
        %dma_start3A_91 = tpu.memref_slice %arg10[%mul3A_73, %dma_start3A_90] : memref<4096x128xbf16, #tpu.memory_space<hbm>> -> memref<128x128xbf16, #tpu.memory_space<hbm>>
        %dma_start3A_92 = arith.constant 0 : i32
        %dma_start3A_93 = tpu.memref_slice %arg10[%mul3A_73, %dma_start3A_92] : memref<4096x128xbf16, #tpu.memory_space<hbm>> -> memref<128x128xbf16, #tpu.memory_space<hbm>>
        tpu.enqueue_dma source(%arg18 : memref<128x128xbf16, #tpu.memory_space<vmem>>) target(%dma_start3A_93 : memref<128x128xbf16, #tpu.memory_space<hbm>>) target_semaphore(%run_scoped3A : memref<!tpu.dma_semaphore, #tpu.memory_space<semaphore_mem>>)
        %dma_wait3A_94 = arith.constant 0 : i32
        %dma_wait3A_95 = tpu.memref_slice %arg10[%mul3A_73, %dma_wait3A_94] : memref<4096x128xbf16, #tpu.memory_space<hbm>> -> memref<128x128xbf16, #tpu.memory_space<hbm>>
        %dma_wait3A_96 = arith.constant 0 : i32
        %dma_wait3A_97 = tpu.memref_slice %arg10[%mul3A_73, %dma_wait3A_96] : memref<4096x128xbf16, #tpu.memory_space<hbm>> -> memref<128x128xbf16, #tpu.memory_space<hbm>>
        tpu.wait_dma2 semaphore(%run_scoped3A : memref<!tpu.dma_semaphore, #tpu.memory_space<semaphore_mem>>) src(%arg18 : memref<128x128xbf16, #tpu.memory_space<vmem>>) dst(%dma_wait3A_97 : memref<128x128xbf16, #tpu.memory_space<hbm>>)
        tpu.yield
      }) : () -> ()
      %dma_start3A_74 = arith.constant 0 : i32
      %dma_start3A_75 = arith.constant 0 : i32
      %dma_start3A_76 = tpu.memref_slice %arg7[%dma_start3A_74, %dma_start3A_75] : memref<10000x128xbf16, #tpu.memory_space<hbm>> -> memref<10000x128xbf16, #tpu.memory_space<hbm>>
      tpu.enqueue_indirect_dma source(%dma_start3A_76 : memref<10000x128xbf16, #tpu.memory_space<hbm>>) target(%arg18 : memref<128x128xbf16, #tpu.memory_space<vmem>>) offsets(%arg13 : memref<128xi32, #tpu.memory_space<vmem>>) semaphore(%arg22 : memref<!tpu.dma_semaphore, #tpu.memory_space<semaphore_mem>>)
      %dma_wait3A_77 = arith.constant 0 : i32
      %dma_wait3A_78 = arith.constant 0 : i32
      %dma_wait3A_79 = tpu.memref_slice %arg7[%dma_wait3A_77, %dma_wait3A_78] : memref<10000x128xbf16, #tpu.memory_space<hbm>> -> memref<10000x128xbf16, #tpu.memory_space<hbm>>
      tpu.wait_indirect_dma semaphore(%arg22 : memref<!tpu.dma_semaphore, #tpu.memory_space<semaphore_mem>>) src(%dma_wait3A_79 : memref<10000x128xbf16, #tpu.memory_space<hbm>>) dst(%arg18 : memref<128x128xbf16, #tpu.memory_space<vmem>>)
      %mul3A_80 = arith.constant 128 : i32
      %mul3A_81 = arith.muli %add3A_49, %mul3A_80 : i32
      "tpu.region"() ({
        %run_scoped3A = tpu.sem_alloc : memref<!tpu.dma_semaphore, #tpu.memory_space<semaphore_mem>>
        %dma_start3A_90 = arith.constant 0 : i32
        %dma_start3A_91 = tpu.memref_slice %arg11[%mul3A_81, %dma_start3A_90] : memref<4096x128xbf16, #tpu.memory_space<hbm>> -> memref<128x128xbf16, #tpu.memory_space<hbm>>
        %dma_start3A_92 = arith.constant 0 : i32
        %dma_start3A_93 = tpu.memref_slice %arg11[%mul3A_81, %dma_start3A_92] : memref<4096x128xbf16, #tpu.memory_space<hbm>> -> memref<128x128xbf16, #tpu.memory_space<hbm>>
        tpu.enqueue_dma source(%arg18 : memref<128x128xbf16, #tpu.memory_space<vmem>>) target(%dma_start3A_93 : memref<128x128xbf16, #tpu.memory_space<hbm>>) target_semaphore(%run_scoped3A : memref<!tpu.dma_semaphore, #tpu.memory_space<semaphore_mem>>)
        %dma_wait3A_94 = arith.constant 0 : i32
        %dma_wait3A_95 = tpu.memref_slice %arg11[%mul3A_81, %dma_wait3A_94] : memref<4096x128xbf16, #tpu.memory_space<hbm>> -> memref<128x128xbf16, #tpu.memory_space<hbm>>
        %dma_wait3A_96 = arith.constant 0 : i32
        %dma_wait3A_97 = tpu.memref_slice %arg11[%mul3A_81, %dma_wait3A_96] : memref<4096x128xbf16, #tpu.memory_space<hbm>> -> memref<128x128xbf16, #tpu.memory_space<hbm>>
        tpu.wait_dma2 semaphore(%run_scoped3A : memref<!tpu.dma_semaphore, #tpu.memory_space<semaphore_mem>>) src(%arg18 : memref<128x128xbf16, #tpu.memory_space<vmem>>) dst(%dma_wait3A_97 : memref<128x128xbf16, #tpu.memory_space<hbm>>)
        tpu.yield
      }) : () -> ()
      %dma_start3A_82 = arith.constant 0 : i32
      %dma_start3A_83 = arith.constant 0 : i32
      %dma_start3A_84 = tpu.memref_slice %arg8[%dma_start3A_82, %dma_start3A_83] : memref<10000x16xf32, #tpu.memory_space<hbm>> -> memref<10000x16xf32, #tpu.memory_space<hbm>>
      tpu.enqueue_indirect_dma source(%dma_start3A_84 : memref<10000x16xf32, #tpu.memory_space<hbm>>) target(%arg19 : memref<128x16xf32, #tpu.memory_space<vmem>>) offsets(%arg13 : memref<128xi32, #tpu.memory_space<vmem>>) semaphore(%arg22 : memref<!tpu.dma_semaphore, #tpu.memory_space<semaphore_mem>>)
      %dma_wait3A_85 = arith.constant 0 : i32
      %dma_wait3A_86 = arith.constant 0 : i32
      %dma_wait3A_87 = tpu.memref_slice %arg8[%dma_wait3A_85, %dma_wait3A_86] : memref<10000x16xf32, #tpu.memory_space<hbm>> -> memref<10000x16xf32, #tpu.memory_space<hbm>>
      tpu.wait_indirect_dma semaphore(%arg22 : memref<!tpu.dma_semaphore, #tpu.memory_space<semaphore_mem>>) src(%dma_wait3A_87 : memref<10000x16xf32, #tpu.memory_space<hbm>>) dst(%arg19 : memref<128x16xf32, #tpu.memory_space<vmem>>)
      %mul3A_88 = arith.constant 128 : i32
      %mul3A_89 = arith.muli %add3A_49, %mul3A_88 : i32
      "tpu.region"() ({
        %run_scoped3A = tpu.sem_alloc : memref<!tpu.dma_semaphore, #tpu.memory_space<semaphore_mem>>
        %dma_start3A_90 = arith.constant 0 : i32
        %dma_start3A_91 = tpu.memref_slice %arg12[%mul3A_89, %dma_start3A_90] : memref<4096x16xf32, #tpu.memory_space<hbm>> -> memref<128x16xf32, #tpu.memory_space<hbm>>
        %dma_start3A_92 = arith.constant 0 : i32
        %dma_start3A_93 = tpu.memref_slice %arg12[%mul3A_89, %dma_start3A_92] : memref<4096x16xf32, #tpu.memory_space<hbm>> -> memref<128x16xf32, #tpu.memory_space<hbm>>
        tpu.enqueue_dma source(%arg19 : memref<128x16xf32, #tpu.memory_space<vmem>>) target(%dma_start3A_93 : memref<128x16xf32, #tpu.memory_space<hbm>>) target_semaphore(%run_scoped3A : memref<!tpu.dma_semaphore, #tpu.memory_space<semaphore_mem>>)
        %dma_wait3A_94 = arith.constant 0 : i32
        %dma_wait3A_95 = tpu.memref_slice %arg12[%mul3A_89, %dma_wait3A_94] : memref<4096x16xf32, #tpu.memory_space<hbm>> -> memref<128x16xf32, #tpu.memory_space<hbm>>
        %dma_wait3A_96 = arith.constant 0 : i32
        %dma_wait3A_97 = tpu.memref_slice %arg12[%mul3A_89, %dma_wait3A_96] : memref<4096x16xf32, #tpu.memory_space<hbm>> -> memref<128x16xf32, #tpu.memory_space<hbm>>
        tpu.wait_dma2 semaphore(%run_scoped3A : memref<!tpu.dma_semaphore, #tpu.memory_space<semaphore_mem>>) src(%arg19 : memref<128x16xf32, #tpu.memory_space<vmem>>) dst(%dma_wait3A_97 : memref<128x16xf32, #tpu.memory_space<hbm>>)
        tpu.yield
      }) : () -> ()
    } else {
    }
    return
  }
}

#map = affine_map<(d0, d1) -> (0, 0)>
module attributes {stable_mosaic.version = 14 : i64} {
  func.func @k(%arg0: i32, %arg1: i32, %arg2: memref<10000x128xbf16, #tpu.memory_space<hbm>>, %arg3: memref<2500x128xi32, #tpu.memory_space<hbm>>, %arg4: memref<2500x128xi32, #tpu.memory_space<hbm>>, %arg5: memref<632x128xbf16, #tpu.memory_space<hbm>>, %arg6: memref<632x16xf32, #tpu.memory_space<hbm>>, %arg7: memref<128x16xf32, #tpu.memory_space<hbm>>, %arg8: memref<20224x128xbf16, #tpu.memory_space<hbm>>, %arg9: memref<20224x16xf32, #tpu.memory_space<hbm>>, %arg10: memref<128xi32, #tpu.memory_space<vmem>>, %arg11: memref<128xi32, #tpu.memory_space<vmem>>, %arg12: memref<128xi32, #tpu.memory_space<vmem>>, %arg13: memref<128xi32, #tpu.memory_space<vmem>>, %arg14: memref<128x128xbf16, #tpu.memory_space<vmem>>, %arg15: memref<128x128xbf16, #tpu.memory_space<vmem>>, %arg16: memref<128x16xf32, #tpu.memory_space<vmem>>, %arg17: memref<10112x128xbf16, #tpu.memory_space<vmem_shared>>, %arg18: memref<10112x16xf32, #tpu.memory_space<vmem_shared>>, %arg19: memref<!tpu.dma_semaphore, #tpu.memory_space<semaphore_mem>>, %arg20: memref<!tpu.dma_semaphore, #tpu.memory_space<semaphore_mem>>, %arg21: memref<!tpu.dma_semaphore, #tpu.memory_space<semaphore_mem>>, %arg22: memref<!tpu.dma_semaphore, #tpu.memory_space<semaphore_mem>>, %arg23: memref<!tpu.dma_semaphore, #tpu.memory_space<semaphore_mem>>, %arg24: memref<!tpu.dma_semaphore, #tpu.memory_space<semaphore_mem>>, %arg25: memref<!tpu.dma_semaphore, #tpu.memory_space<semaphore_mem>>, %arg26: memref<!tpu.dma_semaphore, #tpu.memory_space<semaphore_mem>>) attributes {dimension_semantics = [#tpu.dimension_semantics<core_parallel>, #tpu.dimension_semantics<subcore_parallel>], iteration_bounds = array<i64: 2, 16>, scalar_prefetch = 0 : i64, scratch_operands = 17 : i64, tpu.core_type = #tpu.core_type<sc_vector_subcore>, window_params = [{transform_indices = #map}, {transform_indices = #map}, {transform_indices = #map}, {transform_indices = #map}, {transform_indices = #map}, {transform_indices = #map}, {transform_indices = #map}, {transform_indices = #map}]} {
    %mul3A = arith.constant 2 : i32
    %mul3A_0 = arith.muli %arg1, %mul3A : i32
    %add3A = arith.addi %mul3A_0, %arg0 : i32
    %mul3A_1 = arith.constant 78 : i32
    %mul3A_2 = arith.muli %mul3A_1, %add3A : i32
    %min3A = arith.constant 4 : i32
    %min3A_3 = arith.minsi %add3A, %min3A : i32
    %add3A_4 = arith.addi %mul3A_2, %min3A_3 : i32
    %lt3A = arith.constant 4 : i32
    %lt3A_5 = arith.cmpi slt, %add3A, %lt3A : i32
    %jit3A = arith.constant 1 : i32
    %jit3A_6 = arith.constant 0 : i32
    %select_n3A = arith.select %lt3A_5, %jit3A, %jit3A_6 : i32
    %add3A_7 = arith.constant 78 : i32
    %add3A_8 = arith.addi %add3A_7, %select_n3A : i32
    "tpu.region"() ({
      %run_scoped3A = tpu.sem_alloc : memref<!tpu.dma_semaphore, #tpu.memory_space<semaphore_mem>>
      tpu.enqueue_dma source(%arg7 : memref<128x16xf32, #tpu.memory_space<hbm>>) target(%arg16 : memref<128x16xf32, #tpu.memory_space<vmem>>) target_semaphore(%run_scoped3A : memref<!tpu.dma_semaphore, #tpu.memory_space<semaphore_mem>>)
      tpu.wait_dma2 semaphore(%run_scoped3A : memref<!tpu.dma_semaphore, #tpu.memory_space<semaphore_mem>>) src(%arg7 : memref<128x16xf32, #tpu.memory_space<hbm>>) dst(%arg16 : memref<128x16xf32, #tpu.memory_space<vmem>>)
      tpu.yield
    }) : () -> ()
    %mul3A_9 = arith.constant 632 : i32
    %mul3A_10 = arith.muli %arg1, %mul3A_9 : i32
    "tpu.region"() ({
      %run_scoped3A = tpu.sem_alloc : memref<!tpu.dma_semaphore, #tpu.memory_space<semaphore_mem>>
      %dma_start3A_46 = arith.constant 0 : i32
      %dma_start3A_47 = tpu.memref_slice %arg17[%mul3A_10, %dma_start3A_46] : memref<10112x128xbf16, #tpu.memory_space<vmem_shared>> -> memref<632x128xbf16, #tpu.memory_space<vmem_shared>>
      tpu.enqueue_dma source(%arg5 : memref<632x128xbf16, #tpu.memory_space<hbm>>) target(%dma_start3A_47 : memref<632x128xbf16, #tpu.memory_space<vmem_shared>>) target_semaphore(%run_scoped3A : memref<!tpu.dma_semaphore, #tpu.memory_space<semaphore_mem>>)
      %dma_wait3A = arith.constant 0 : i32
      %dma_wait3A_48 = tpu.memref_slice %arg17[%mul3A_10, %dma_wait3A] : memref<10112x128xbf16, #tpu.memory_space<vmem_shared>> -> memref<632x128xbf16, #tpu.memory_space<vmem_shared>>
      tpu.wait_dma2 semaphore(%run_scoped3A : memref<!tpu.dma_semaphore, #tpu.memory_space<semaphore_mem>>) src(%arg5 : memref<632x128xbf16, #tpu.memory_space<hbm>>) dst(%dma_wait3A_48 : memref<632x128xbf16, #tpu.memory_space<vmem_shared>>)
      tpu.yield
    }) : () -> ()
    %mul3A_11 = arith.constant 632 : i32
    %mul3A_12 = arith.muli %arg1, %mul3A_11 : i32
    "tpu.region"() ({
      %run_scoped3A = tpu.sem_alloc : memref<!tpu.dma_semaphore, #tpu.memory_space<semaphore_mem>>
      %dma_start3A_46 = arith.constant 0 : i32
      %dma_start3A_47 = tpu.memref_slice %arg18[%mul3A_12, %dma_start3A_46] : memref<10112x16xf32, #tpu.memory_space<vmem_shared>> -> memref<632x16xf32, #tpu.memory_space<vmem_shared>>
      tpu.enqueue_dma source(%arg6 : memref<632x16xf32, #tpu.memory_space<hbm>>) target(%dma_start3A_47 : memref<632x16xf32, #tpu.memory_space<vmem_shared>>) target_semaphore(%run_scoped3A : memref<!tpu.dma_semaphore, #tpu.memory_space<semaphore_mem>>)
      %dma_wait3A = arith.constant 0 : i32
      %dma_wait3A_48 = tpu.memref_slice %arg18[%mul3A_12, %dma_wait3A] : memref<10112x16xf32, #tpu.memory_space<vmem_shared>> -> memref<632x16xf32, #tpu.memory_space<vmem_shared>>
      tpu.wait_dma2 semaphore(%run_scoped3A : memref<!tpu.dma_semaphore, #tpu.memory_space<semaphore_mem>>) src(%arg6 : memref<632x16xf32, #tpu.memory_space<hbm>>) dst(%dma_wait3A_48 : memref<632x16xf32, #tpu.memory_space<vmem_shared>>)
      tpu.yield
    }) : () -> ()
    %barrier3A = arith.constant 0 : index
    tpu.barrier barrier_id(%barrier3A)
    %add3A_13 = arith.constant 0 : i32
    %add3A_14 = arith.addi %add3A_4, %add3A_13 : i32
    "tpu.region"() ({
      %run_scoped3A = tpu.sem_alloc : memref<!tpu.dma_semaphore, #tpu.memory_space<semaphore_mem>>
      %dma_start3A_46 = arith.constant 0 : i32
      %dma_start3A_47 = tpu.memref_slice %arg3[%add3A_14, %dma_start3A_46] : memref<2500x128xi32, #tpu.memory_space<hbm>> -> memref<1x128xi32, #tpu.memory_space<hbm>>
      %dma_start3A_48 = tpu.memref_squeeze %dma_start3A_47 : memref<1x128xi32, #tpu.memory_space<hbm>> -> memref<128xi32, #tpu.memory_space<hbm>>
      %dma_start3A_49 = arith.constant 0 : i32
      %dma_start3A_50 = tpu.memref_slice %arg3[%add3A_14, %dma_start3A_49] : memref<2500x128xi32, #tpu.memory_space<hbm>> -> memref<1x128xi32, #tpu.memory_space<hbm>>
      %dma_start3A_51 = tpu.memref_squeeze %dma_start3A_50 : memref<1x128xi32, #tpu.memory_space<hbm>> -> memref<128xi32, #tpu.memory_space<hbm>>
      tpu.enqueue_dma source(%dma_start3A_51 : memref<128xi32, #tpu.memory_space<hbm>>) target(%arg10 : memref<128xi32, #tpu.memory_space<vmem>>) target_semaphore(%run_scoped3A : memref<!tpu.dma_semaphore, #tpu.memory_space<semaphore_mem>>)
      %dma_wait3A = arith.constant 0 : i32
      %dma_wait3A_52 = tpu.memref_slice %arg3[%add3A_14, %dma_wait3A] : memref<2500x128xi32, #tpu.memory_space<hbm>> -> memref<1x128xi32, #tpu.memory_space<hbm>>
      %dma_wait3A_53 = tpu.memref_squeeze %dma_wait3A_52 : memref<1x128xi32, #tpu.memory_space<hbm>> -> memref<128xi32, #tpu.memory_space<hbm>>
      %dma_wait3A_54 = arith.constant 0 : i32
      %dma_wait3A_55 = tpu.memref_slice %arg3[%add3A_14, %dma_wait3A_54] : memref<2500x128xi32, #tpu.memory_space<hbm>> -> memref<1x128xi32, #tpu.memory_space<hbm>>
      %dma_wait3A_56 = tpu.memref_squeeze %dma_wait3A_55 : memref<1x128xi32, #tpu.memory_space<hbm>> -> memref<128xi32, #tpu.memory_space<hbm>>
      tpu.wait_dma2 semaphore(%run_scoped3A : memref<!tpu.dma_semaphore, #tpu.memory_space<semaphore_mem>>) src(%dma_wait3A_56 : memref<128xi32, #tpu.memory_space<hbm>>) dst(%arg10 : memref<128xi32, #tpu.memory_space<vmem>>)
      tpu.yield
    }) : () -> ()
    %add3A_15 = arith.constant 0 : i32
    %add3A_16 = arith.addi %add3A_4, %add3A_15 : i32
    "tpu.region"() ({
      %run_scoped3A = tpu.sem_alloc : memref<!tpu.dma_semaphore, #tpu.memory_space<semaphore_mem>>
      %dma_start3A_46 = arith.constant 0 : i32
      %dma_start3A_47 = tpu.memref_slice %arg4[%add3A_16, %dma_start3A_46] : memref<2500x128xi32, #tpu.memory_space<hbm>> -> memref<1x128xi32, #tpu.memory_space<hbm>>
      %dma_start3A_48 = tpu.memref_squeeze %dma_start3A_47 : memref<1x128xi32, #tpu.memory_space<hbm>> -> memref<128xi32, #tpu.memory_space<hbm>>
      %dma_start3A_49 = arith.constant 0 : i32
      %dma_start3A_50 = tpu.memref_slice %arg4[%add3A_16, %dma_start3A_49] : memref<2500x128xi32, #tpu.memory_space<hbm>> -> memref<1x128xi32, #tpu.memory_space<hbm>>
      %dma_start3A_51 = tpu.memref_squeeze %dma_start3A_50 : memref<1x128xi32, #tpu.memory_space<hbm>> -> memref<128xi32, #tpu.memory_space<hbm>>
      tpu.enqueue_dma source(%dma_start3A_51 : memref<128xi32, #tpu.memory_space<hbm>>) target(%arg12 : memref<128xi32, #tpu.memory_space<vmem>>) target_semaphore(%run_scoped3A : memref<!tpu.dma_semaphore, #tpu.memory_space<semaphore_mem>>)
      %dma_wait3A = arith.constant 0 : i32
      %dma_wait3A_52 = tpu.memref_slice %arg4[%add3A_16, %dma_wait3A] : memref<2500x128xi32, #tpu.memory_space<hbm>> -> memref<1x128xi32, #tpu.memory_space<hbm>>
      %dma_wait3A_53 = tpu.memref_squeeze %dma_wait3A_52 : memref<1x128xi32, #tpu.memory_space<hbm>> -> memref<128xi32, #tpu.memory_space<hbm>>
      %dma_wait3A_54 = arith.constant 0 : i32
      %dma_wait3A_55 = tpu.memref_slice %arg4[%add3A_16, %dma_wait3A_54] : memref<2500x128xi32, #tpu.memory_space<hbm>> -> memref<1x128xi32, #tpu.memory_space<hbm>>
      %dma_wait3A_56 = tpu.memref_squeeze %dma_wait3A_55 : memref<1x128xi32, #tpu.memory_space<hbm>> -> memref<128xi32, #tpu.memory_space<hbm>>
      tpu.wait_dma2 semaphore(%run_scoped3A : memref<!tpu.dma_semaphore, #tpu.memory_space<semaphore_mem>>) src(%dma_wait3A_56 : memref<128xi32, #tpu.memory_space<hbm>>) dst(%arg12 : memref<128xi32, #tpu.memory_space<vmem>>)
      tpu.yield
    }) : () -> ()
    %dma_start3A = arith.constant 0 : i32
    %dma_start3A_17 = arith.constant 0 : i32
    %dma_start3A_18 = tpu.memref_slice %arg2[%dma_start3A, %dma_start3A_17] : memref<10000x128xbf16, #tpu.memory_space<hbm>> -> memref<10000x128xbf16, #tpu.memory_space<hbm>>
    tpu.enqueue_indirect_dma source(%dma_start3A_18 : memref<10000x128xbf16, #tpu.memory_space<hbm>>) target(%arg14 : memref<128x128xbf16, #tpu.memory_space<vmem>>) offsets(%arg10 : memref<128xi32, #tpu.memory_space<vmem>>) semaphore(%arg19 : memref<!tpu.dma_semaphore, #tpu.memory_space<semaphore_mem>>)
    %add3A_19 = arith.constant 1 : i32
    %add3A_20 = arith.addi %add3A_4, %add3A_19 : i32
    "tpu.region"() ({
      %run_scoped3A = tpu.sem_alloc : memref<!tpu.dma_semaphore, #tpu.memory_space<semaphore_mem>>
      %dma_start3A_46 = arith.constant 0 : i32
      %dma_start3A_47 = tpu.memref_slice %arg3[%add3A_20, %dma_start3A_46] : memref<2500x128xi32, #tpu.memory_space<hbm>> -> memref<1x128xi32, #tpu.memory_space<hbm>>
      %dma_start3A_48 = tpu.memref_squeeze %dma_start3A_47 : memref<1x128xi32, #tpu.memory_space<hbm>> -> memref<128xi32, #tpu.memory_space<hbm>>
      %dma_start3A_49 = arith.constant 0 : i32
      %dma_start3A_50 = tpu.memref_slice %arg3[%add3A_20, %dma_start3A_49] : memref<2500x128xi32, #tpu.memory_space<hbm>> -> memref<1x128xi32, #tpu.memory_space<hbm>>
      %dma_start3A_51 = tpu.memref_squeeze %dma_start3A_50 : memref<1x128xi32, #tpu.memory_space<hbm>> -> memref<128xi32, #tpu.memory_space<hbm>>
      tpu.enqueue_dma source(%dma_start3A_51 : memref<128xi32, #tpu.memory_space<hbm>>) target(%arg11 : memref<128xi32, #tpu.memory_space<vmem>>) target_semaphore(%run_scoped3A : memref<!tpu.dma_semaphore, #tpu.memory_space<semaphore_mem>>)
      %dma_wait3A = arith.constant 0 : i32
      %dma_wait3A_52 = tpu.memref_slice %arg3[%add3A_20, %dma_wait3A] : memref<2500x128xi32, #tpu.memory_space<hbm>> -> memref<1x128xi32, #tpu.memory_space<hbm>>
      %dma_wait3A_53 = tpu.memref_squeeze %dma_wait3A_52 : memref<1x128xi32, #tpu.memory_space<hbm>> -> memref<128xi32, #tpu.memory_space<hbm>>
      %dma_wait3A_54 = arith.constant 0 : i32
      %dma_wait3A_55 = tpu.memref_slice %arg3[%add3A_20, %dma_wait3A_54] : memref<2500x128xi32, #tpu.memory_space<hbm>> -> memref<1x128xi32, #tpu.memory_space<hbm>>
      %dma_wait3A_56 = tpu.memref_squeeze %dma_wait3A_55 : memref<1x128xi32, #tpu.memory_space<hbm>> -> memref<128xi32, #tpu.memory_space<hbm>>
      tpu.wait_dma2 semaphore(%run_scoped3A : memref<!tpu.dma_semaphore, #tpu.memory_space<semaphore_mem>>) src(%dma_wait3A_56 : memref<128xi32, #tpu.memory_space<hbm>>) dst(%arg11 : memref<128xi32, #tpu.memory_space<vmem>>)
      tpu.yield
    }) : () -> ()
    %add3A_21 = arith.constant 1 : i32
    %add3A_22 = arith.addi %add3A_4, %add3A_21 : i32
    "tpu.region"() ({
      %run_scoped3A = tpu.sem_alloc : memref<!tpu.dma_semaphore, #tpu.memory_space<semaphore_mem>>
      %dma_start3A_46 = arith.constant 0 : i32
      %dma_start3A_47 = tpu.memref_slice %arg4[%add3A_22, %dma_start3A_46] : memref<2500x128xi32, #tpu.memory_space<hbm>> -> memref<1x128xi32, #tpu.memory_space<hbm>>
      %dma_start3A_48 = tpu.memref_squeeze %dma_start3A_47 : memref<1x128xi32, #tpu.memory_space<hbm>> -> memref<128xi32, #tpu.memory_space<hbm>>
      %dma_start3A_49 = arith.constant 0 : i32
      %dma_start3A_50 = tpu.memref_slice %arg4[%add3A_22, %dma_start3A_49] : memref<2500x128xi32, #tpu.memory_space<hbm>> -> memref<1x128xi32, #tpu.memory_space<hbm>>
      %dma_start3A_51 = tpu.memref_squeeze %dma_start3A_50 : memref<1x128xi32, #tpu.memory_space<hbm>> -> memref<128xi32, #tpu.memory_space<hbm>>
      tpu.enqueue_dma source(%dma_start3A_51 : memref<128xi32, #tpu.memory_space<hbm>>) target(%arg13 : memref<128xi32, #tpu.memory_space<vmem>>) target_semaphore(%run_scoped3A : memref<!tpu.dma_semaphore, #tpu.memory_space<semaphore_mem>>)
      %dma_wait3A = arith.constant 0 : i32
      %dma_wait3A_52 = tpu.memref_slice %arg4[%add3A_22, %dma_wait3A] : memref<2500x128xi32, #tpu.memory_space<hbm>> -> memref<1x128xi32, #tpu.memory_space<hbm>>
      %dma_wait3A_53 = tpu.memref_squeeze %dma_wait3A_52 : memref<1x128xi32, #tpu.memory_space<hbm>> -> memref<128xi32, #tpu.memory_space<hbm>>
      %dma_wait3A_54 = arith.constant 0 : i32
      %dma_wait3A_55 = tpu.memref_slice %arg4[%add3A_22, %dma_wait3A_54] : memref<2500x128xi32, #tpu.memory_space<hbm>> -> memref<1x128xi32, #tpu.memory_space<hbm>>
      %dma_wait3A_56 = tpu.memref_squeeze %dma_wait3A_55 : memref<1x128xi32, #tpu.memory_space<hbm>> -> memref<128xi32, #tpu.memory_space<hbm>>
      tpu.wait_dma2 semaphore(%run_scoped3A : memref<!tpu.dma_semaphore, #tpu.memory_space<semaphore_mem>>) src(%dma_wait3A_56 : memref<128xi32, #tpu.memory_space<hbm>>) dst(%arg13 : memref<128xi32, #tpu.memory_space<vmem>>)
      tpu.yield
    }) : () -> ()
    %dma_start3A_23 = arith.constant 0 : i32
    %dma_start3A_24 = arith.constant 0 : i32
    %dma_start3A_25 = tpu.memref_slice %arg2[%dma_start3A_23, %dma_start3A_24] : memref<10000x128xbf16, #tpu.memory_space<hbm>> -> memref<10000x128xbf16, #tpu.memory_space<hbm>>
    tpu.enqueue_indirect_dma source(%dma_start3A_25 : memref<10000x128xbf16, #tpu.memory_space<hbm>>) target(%arg15 : memref<128x128xbf16, #tpu.memory_space<vmem>>) offsets(%arg11 : memref<128xi32, #tpu.memory_space<vmem>>) semaphore(%arg20 : memref<!tpu.dma_semaphore, #tpu.memory_space<semaphore_mem>>)
    %scan3A = arith.constant 0 : i32
    %scan3A_26 = arith.constant 0 : i32
    %scan3A_27 = arith.constant 40 : i32
    %scan3A_28 = arith.addi %scan3A_26, %scan3A_27 : i32
    %scan3A_29 = arith.constant 1 : i32
    scf.for %scan3A_46 = %scan3A_26 to %scan3A_28 step %scan3A_29  : i32 {
      %mul3A_47 = arith.constant 2 : i32
      %mul3A_48 = arith.muli %scan3A_46, %mul3A_47 : i32
      %add3A_49 = arith.constant 0 : i32
      %add3A_50 = arith.addi %mul3A_48, %add3A_49 : i32
      %lt3A_51 = arith.cmpi slt, %add3A_50, %add3A_8 : i32
      %add3A_52 = arith.constant 2 : i32
      %add3A_53 = arith.addi %add3A_50, %add3A_52 : i32
      %lt3A_54 = arith.cmpi slt, %add3A_53, %add3A_8 : i32
      %convert_element_type3A = arith.extui %lt3A_51 : i1 to i32
      %cond3A = arith.constant 0 : i32
      %cond3A_55 = arith.cmpi ne, %convert_element_type3A, %cond3A : i32
      scf.if %cond3A_55 {
        %dma_wait3A = arith.constant 0 : i32
        %dma_wait3A_85 = arith.constant 0 : i32
        %dma_wait3A_86 = tpu.memref_slice %arg2[%dma_wait3A, %dma_wait3A_85] : memref<10000x128xbf16, #tpu.memory_space<hbm>> -> memref<10000x128xbf16, #tpu.memory_space<hbm>>
        tpu.wait_indirect_dma semaphore(%arg19 : memref<!tpu.dma_semaphore, #tpu.memory_space<semaphore_mem>>) src(%dma_wait3A_86 : memref<10000x128xbf16, #tpu.memory_space<hbm>>) dst(%arg14 : memref<128x128xbf16, #tpu.memory_space<vmem>>)
        %gt3A = arith.constant 0 : i32
        %gt3A_87 = arith.cmpi sgt, %scan3A_46, %gt3A : i32
        %convert_element_type3A_88 = arith.extui %gt3A_87 : i1 to i32
        %cond3A_89 = arith.constant 0 : i32
        %cond3A_90 = arith.cmpi ne, %convert_element_type3A_88, %cond3A_89 : i32
        scf.if %cond3A_90 {
          %dma_wait3A_94 = arith.constant 0 : i32
          %dma_wait3A_95 = arith.constant 0 : i32
          %dma_wait3A_96 = tpu.memref_slice %arg4[%dma_wait3A_94, %dma_wait3A_95] : memref<2500x128xi32, #tpu.memory_space<hbm>> -> memref<1x128xi32, #tpu.memory_space<hbm>>
          %dma_wait3A_97 = tpu.memref_squeeze %dma_wait3A_96 : memref<1x128xi32, #tpu.memory_space<hbm>> -> memref<128xi32, #tpu.memory_space<hbm>>
          %dma_wait3A_98 = arith.constant 0 : i32
          %dma_wait3A_99 = tpu.memref_slice %arg4[%dma_wait3A_94, %dma_wait3A_98] : memref<2500x128xi32, #tpu.memory_space<hbm>> -> memref<1x128xi32, #tpu.memory_space<hbm>>
          %dma_wait3A_100 = tpu.memref_squeeze %dma_wait3A_99 : memref<1x128xi32, #tpu.memory_space<hbm>> -> memref<128xi32, #tpu.memory_space<hbm>>
          tpu.wait_dma2 semaphore(%arg25 : memref<!tpu.dma_semaphore, #tpu.memory_space<semaphore_mem>>) src(%dma_wait3A_100 : memref<128xi32, #tpu.memory_space<hbm>>) dst(%arg12 : memref<128xi32, #tpu.memory_space<vmem>>)
        } else {
        }
        %dma_start3A_91 = arith.constant 0 : i32
        %dma_start3A_92 = arith.constant 0 : i32
        %dma_start3A_93 = tpu.memref_slice %arg17[%dma_start3A_91, %dma_start3A_92] : memref<10112x128xbf16, #tpu.memory_space<vmem_shared>> -> memref<10112x128xbf16, #tpu.memory_space<vmem_shared>>
        tpu.enqueue_indirect_dma source(%arg14 : memref<128x128xbf16, #tpu.memory_space<vmem>>) target(%dma_start3A_93 : memref<10112x128xbf16, #tpu.memory_space<vmem_shared>>) offsets(%arg12 : memref<128xi32, #tpu.memory_space<vmem>>) semaphore(%arg21 : memref<!tpu.dma_semaphore, #tpu.memory_space<semaphore_mem>>) {add = true}
        "tpu.region"() ({
          %run_scoped3A = tpu.sem_alloc : memref<!tpu.dma_semaphore, #tpu.memory_space<semaphore_mem>>
          %dma_start3A_94 = arith.constant 0 : i32
          %dma_start3A_95 = arith.constant 0 : i32
          %dma_start3A_96 = tpu.memref_slice %arg18[%dma_start3A_94, %dma_start3A_95] : memref<10112x16xf32, #tpu.memory_space<vmem_shared>> -> memref<10112x16xf32, #tpu.memory_space<vmem_shared>>
          tpu.enqueue_indirect_dma source(%arg16 : memref<128x16xf32, #tpu.memory_space<vmem>>) target(%dma_start3A_96 : memref<10112x16xf32, #tpu.memory_space<vmem_shared>>) offsets(%arg12 : memref<128xi32, #tpu.memory_space<vmem>>) semaphore(%run_scoped3A : memref<!tpu.dma_semaphore, #tpu.memory_space<semaphore_mem>>) {add = true}
          %dma_wait3A_97 = arith.constant 0 : i32
          %dma_wait3A_98 = arith.constant 0 : i32
          %dma_wait3A_99 = tpu.memref_slice %arg18[%dma_wait3A_97, %dma_wait3A_98] : memref<10112x16xf32, #tpu.memory_space<vmem_shared>> -> memref<10112x16xf32, #tpu.memory_space<vmem_shared>>
          tpu.wait_indirect_dma semaphore(%run_scoped3A : memref<!tpu.dma_semaphore, #tpu.memory_space<semaphore_mem>>) src(%arg16 : memref<128x16xf32, #tpu.memory_space<vmem>>) dst(%dma_wait3A_99 : memref<10112x16xf32, #tpu.memory_space<vmem_shared>>)
          tpu.yield
        }) : () -> ()
      } else {
      }
      %convert_element_type3A_56 = arith.extui %lt3A_54 : i1 to i32
      %cond3A_57 = arith.constant 0 : i32
      %cond3A_58 = arith.cmpi ne, %convert_element_type3A_56, %cond3A_57 : i32
      scf.if %cond3A_58 {
        %add3A_85 = arith.addi %add3A_4, %add3A_50 : i32
        %add3A_86 = arith.constant 2 : i32
        %add3A_87 = arith.addi %add3A_85, %add3A_86 : i32
        %dma_start3A_88 = arith.constant 0 : i32
        %dma_start3A_89 = tpu.memref_slice %arg3[%add3A_87, %dma_start3A_88] : memref<2500x128xi32, #tpu.memory_space<hbm>> -> memref<1x128xi32, #tpu.memory_space<hbm>>
        %dma_start3A_90 = tpu.memref_squeeze %dma_start3A_89 : memref<1x128xi32, #tpu.memory_space<hbm>> -> memref<128xi32, #tpu.memory_space<hbm>>
        %dma_start3A_91 = arith.constant 0 : i32
        %dma_start3A_92 = tpu.memref_slice %arg3[%add3A_87, %dma_start3A_91] : memref<2500x128xi32, #tpu.memory_space<hbm>> -> memref<1x128xi32, #tpu.memory_space<hbm>>
        %dma_start3A_93 = tpu.memref_squeeze %dma_start3A_92 : memref<1x128xi32, #tpu.memory_space<hbm>> -> memref<128xi32, #tpu.memory_space<hbm>>
        tpu.enqueue_dma source(%dma_start3A_93 : memref<128xi32, #tpu.memory_space<hbm>>) target(%arg10 : memref<128xi32, #tpu.memory_space<vmem>>) target_semaphore(%arg23 : memref<!tpu.dma_semaphore, #tpu.memory_space<semaphore_mem>>)
      } else {
      }
      %convert_element_type3A_59 = arith.extui %lt3A_51 : i1 to i32
      %cond3A_60 = arith.constant 0 : i32
      %cond3A_61 = arith.cmpi ne, %convert_element_type3A_59, %cond3A_60 : i32
      scf.if %cond3A_61 {
        %dma_wait3A = arith.constant 0 : i32
        %dma_wait3A_85 = arith.constant 0 : i32
        %dma_wait3A_86 = tpu.memref_slice %arg17[%dma_wait3A, %dma_wait3A_85] : memref<10112x128xbf16, #tpu.memory_space<vmem_shared>> -> memref<10112x128xbf16, #tpu.memory_space<vmem_shared>>
        tpu.wait_indirect_dma semaphore(%arg21 : memref<!tpu.dma_semaphore, #tpu.memory_space<semaphore_mem>>) src(%arg14 : memref<128x128xbf16, #tpu.memory_space<vmem>>) dst(%dma_wait3A_86 : memref<10112x128xbf16, #tpu.memory_space<vmem_shared>>)
      } else {
      }
      %convert_element_type3A_62 = arith.extui %lt3A_54 : i1 to i32
      %cond3A_63 = arith.constant 0 : i32
      %cond3A_64 = arith.cmpi ne, %convert_element_type3A_62, %cond3A_63 : i32
      scf.if %cond3A_64 {
        %add3A_85 = arith.addi %add3A_4, %add3A_50 : i32
        %add3A_86 = arith.constant 2 : i32
        %add3A_87 = arith.addi %add3A_85, %add3A_86 : i32
        %dma_start3A_88 = arith.constant 0 : i32
        %dma_start3A_89 = tpu.memref_slice %arg4[%add3A_87, %dma_start3A_88] : memref<2500x128xi32, #tpu.memory_space<hbm>> -> memref<1x128xi32, #tpu.memory_space<hbm>>
        %dma_start3A_90 = tpu.memref_squeeze %dma_start3A_89 : memref<1x128xi32, #tpu.memory_space<hbm>> -> memref<128xi32, #tpu.memory_space<hbm>>
        %dma_start3A_91 = arith.constant 0 : i32
        %dma_start3A_92 = tpu.memref_slice %arg4[%add3A_87, %dma_start3A_91] : memref<2500x128xi32, #tpu.memory_space<hbm>> -> memref<1x128xi32, #tpu.memory_space<hbm>>
        %dma_start3A_93 = tpu.memref_squeeze %dma_start3A_92 : memref<1x128xi32, #tpu.memory_space<hbm>> -> memref<128xi32, #tpu.memory_space<hbm>>
        tpu.enqueue_dma source(%dma_start3A_93 : memref<128xi32, #tpu.memory_space<hbm>>) target(%arg12 : memref<128xi32, #tpu.memory_space<vmem>>) target_semaphore(%arg25 : memref<!tpu.dma_semaphore, #tpu.memory_space<semaphore_mem>>)
        %dma_wait3A = arith.constant 0 : i32
        %dma_wait3A_94 = arith.constant 0 : i32
        %dma_wait3A_95 = tpu.memref_slice %arg3[%dma_wait3A, %dma_wait3A_94] : memref<2500x128xi32, #tpu.memory_space<hbm>> -> memref<1x128xi32, #tpu.memory_space<hbm>>
        %dma_wait3A_96 = tpu.memref_squeeze %dma_wait3A_95 : memref<1x128xi32, #tpu.memory_space<hbm>> -> memref<128xi32, #tpu.memory_space<hbm>>
        %dma_wait3A_97 = arith.constant 0 : i32
        %dma_wait3A_98 = tpu.memref_slice %arg3[%dma_wait3A, %dma_wait3A_97] : memref<2500x128xi32, #tpu.memory_space<hbm>> -> memref<1x128xi32, #tpu.memory_space<hbm>>
        %dma_wait3A_99 = tpu.memref_squeeze %dma_wait3A_98 : memref<1x128xi32, #tpu.memory_space<hbm>> -> memref<128xi32, #tpu.memory_space<hbm>>
        tpu.wait_dma2 semaphore(%arg23 : memref<!tpu.dma_semaphore, #tpu.memory_space<semaphore_mem>>) src(%dma_wait3A_99 : memref<128xi32, #tpu.memory_space<hbm>>) dst(%arg10 : memref<128xi32, #tpu.memory_space<vmem>>)
        %dma_start3A_100 = arith.constant 0 : i32
        %dma_start3A_101 = arith.constant 0 : i32
        %dma_start3A_102 = tpu.memref_slice %arg2[%dma_start3A_100, %dma_start3A_101] : memref<10000x128xbf16, #tpu.memory_space<hbm>> -> memref<10000x128xbf16, #tpu.memory_space<hbm>>
        tpu.enqueue_indirect_dma source(%dma_start3A_102 : memref<10000x128xbf16, #tpu.memory_space<hbm>>) target(%arg14 : memref<128x128xbf16, #tpu.memory_space<vmem>>) offsets(%arg10 : memref<128xi32, #tpu.memory_space<vmem>>) semaphore(%arg19 : memref<!tpu.dma_semaphore, #tpu.memory_space<semaphore_mem>>)
      } else {
      }
      %mul3A_65 = arith.constant 2 : i32
      %mul3A_66 = arith.muli %scan3A_46, %mul3A_65 : i32
      %add3A_67 = arith.constant 1 : i32
      %add3A_68 = arith.addi %mul3A_66, %add3A_67 : i32
      %lt3A_69 = arith.cmpi slt, %add3A_68, %add3A_8 : i32
      %add3A_70 = arith.constant 2 : i32
      %add3A_71 = arith.addi %add3A_68, %add3A_70 : i32
      %lt3A_72 = arith.cmpi slt, %add3A_71, %add3A_8 : i32
      %convert_element_type3A_73 = arith.extui %lt3A_69 : i1 to i32
      %cond3A_74 = arith.constant 0 : i32
      %cond3A_75 = arith.cmpi ne, %convert_element_type3A_73, %cond3A_74 : i32
      scf.if %cond3A_75 {
        %dma_wait3A = arith.constant 0 : i32
        %dma_wait3A_85 = arith.constant 0 : i32
        %dma_wait3A_86 = tpu.memref_slice %arg2[%dma_wait3A, %dma_wait3A_85] : memref<10000x128xbf16, #tpu.memory_space<hbm>> -> memref<10000x128xbf16, #tpu.memory_space<hbm>>
        tpu.wait_indirect_dma semaphore(%arg20 : memref<!tpu.dma_semaphore, #tpu.memory_space<semaphore_mem>>) src(%dma_wait3A_86 : memref<10000x128xbf16, #tpu.memory_space<hbm>>) dst(%arg15 : memref<128x128xbf16, #tpu.memory_space<vmem>>)
        %gt3A = arith.constant 0 : i32
        %gt3A_87 = arith.cmpi sgt, %scan3A_46, %gt3A : i32
        %convert_element_type3A_88 = arith.extui %gt3A_87 : i1 to i32
        %cond3A_89 = arith.constant 0 : i32
        %cond3A_90 = arith.cmpi ne, %convert_element_type3A_88, %cond3A_89 : i32
        scf.if %cond3A_90 {
          %dma_wait3A_94 = arith.constant 0 : i32
          %dma_wait3A_95 = arith.constant 0 : i32
          %dma_wait3A_96 = tpu.memref_slice %arg4[%dma_wait3A_94, %dma_wait3A_95] : memref<2500x128xi32, #tpu.memory_space<hbm>> -> memref<1x128xi32, #tpu.memory_space<hbm>>
          %dma_wait3A_97 = tpu.memref_squeeze %dma_wait3A_96 : memref<1x128xi32, #tpu.memory_space<hbm>> -> memref<128xi32, #tpu.memory_space<hbm>>
          %dma_wait3A_98 = arith.constant 0 : i32
          %dma_wait3A_99 = tpu.memref_slice %arg4[%dma_wait3A_94, %dma_wait3A_98] : memref<2500x128xi32, #tpu.memory_space<hbm>> -> memref<1x128xi32, #tpu.memory_space<hbm>>
          %dma_wait3A_100 = tpu.memref_squeeze %dma_wait3A_99 : memref<1x128xi32, #tpu.memory_space<hbm>> -> memref<128xi32, #tpu.memory_space<hbm>>
          tpu.wait_dma2 semaphore(%arg26 : memref<!tpu.dma_semaphore, #tpu.memory_space<semaphore_mem>>) src(%dma_wait3A_100 : memref<128xi32, #tpu.memory_space<hbm>>) dst(%arg13 : memref<128xi32, #tpu.memory_space<vmem>>)
        } else {
        }
        %dma_start3A_91 = arith.constant 0 : i32
        %dma_start3A_92 = arith.constant 0 : i32
        %dma_start3A_93 = tpu.memref_slice %arg17[%dma_start3A_91, %dma_start3A_92] : memref<10112x128xbf16, #tpu.memory_space<vmem_shared>> -> memref<10112x128xbf16, #tpu.memory_space<vmem_shared>>
        tpu.enqueue_indirect_dma source(%arg15 : memref<128x128xbf16, #tpu.memory_space<vmem>>) target(%dma_start3A_93 : memref<10112x128xbf16, #tpu.memory_space<vmem_shared>>) offsets(%arg13 : memref<128xi32, #tpu.memory_space<vmem>>) semaphore(%arg22 : memref<!tpu.dma_semaphore, #tpu.memory_space<semaphore_mem>>) {add = true}
        "tpu.region"() ({
          %run_scoped3A = tpu.sem_alloc : memref<!tpu.dma_semaphore, #tpu.memory_space<semaphore_mem>>
          %dma_start3A_94 = arith.constant 0 : i32
          %dma_start3A_95 = arith.constant 0 : i32
          %dma_start3A_96 = tpu.memref_slice %arg18[%dma_start3A_94, %dma_start3A_95] : memref<10112x16xf32, #tpu.memory_space<vmem_shared>> -> memref<10112x16xf32, #tpu.memory_space<vmem_shared>>
          tpu.enqueue_indirect_dma source(%arg16 : memref<128x16xf32, #tpu.memory_space<vmem>>) target(%dma_start3A_96 : memref<10112x16xf32, #tpu.memory_space<vmem_shared>>) offsets(%arg13 : memref<128xi32, #tpu.memory_space<vmem>>) semaphore(%run_scoped3A : memref<!tpu.dma_semaphore, #tpu.memory_space<semaphore_mem>>) {add = true}
          %dma_wait3A_97 = arith.constant 0 : i32
          %dma_wait3A_98 = arith.constant 0 : i32
          %dma_wait3A_99 = tpu.memref_slice %arg18[%dma_wait3A_97, %dma_wait3A_98] : memref<10112x16xf32, #tpu.memory_space<vmem_shared>> -> memref<10112x16xf32, #tpu.memory_space<vmem_shared>>
          tpu.wait_indirect_dma semaphore(%run_scoped3A : memref<!tpu.dma_semaphore, #tpu.memory_space<semaphore_mem>>) src(%arg16 : memref<128x16xf32, #tpu.memory_space<vmem>>) dst(%dma_wait3A_99 : memref<10112x16xf32, #tpu.memory_space<vmem_shared>>)
          tpu.yield
        }) : () -> ()
      } else {
      }
      %convert_element_type3A_76 = arith.extui %lt3A_72 : i1 to i32
      %cond3A_77 = arith.constant 0 : i32
      %cond3A_78 = arith.cmpi ne, %convert_element_type3A_76, %cond3A_77 : i32
      scf.if %cond3A_78 {
        %add3A_85 = arith.addi %add3A_4, %add3A_68 : i32
        %add3A_86 = arith.constant 2 : i32
        %add3A_87 = arith.addi %add3A_85, %add3A_86 : i32
        %dma_start3A_88 = arith.constant 0 : i32
        %dma_start3A_89 = tpu.memref_slice %arg3[%add3A_87, %dma_start3A_88] : memref<2500x128xi32, #tpu.memory_space<hbm>> -> memref<1x128xi32, #tpu.memory_space<hbm>>
        %dma_start3A_90 = tpu.memref_squeeze %dma_start3A_89 : memref<1x128xi32, #tpu.memory_space<hbm>> -> memref<128xi32, #tpu.memory_space<hbm>>
        %dma_start3A_91 = arith.constant 0 : i32
        %dma_start3A_92 = tpu.memref_slice %arg3[%add3A_87, %dma_start3A_91] : memref<2500x128xi32, #tpu.memory_space<hbm>> -> memref<1x128xi32, #tpu.memory_space<hbm>>
        %dma_start3A_93 = tpu.memref_squeeze %dma_start3A_92 : memref<1x128xi32, #tpu.memory_space<hbm>> -> memref<128xi32, #tpu.memory_space<hbm>>
        tpu.enqueue_dma source(%dma_start3A_93 : memref<128xi32, #tpu.memory_space<hbm>>) target(%arg11 : memref<128xi32, #tpu.memory_space<vmem>>) target_semaphore(%arg24 : memref<!tpu.dma_semaphore, #tpu.memory_space<semaphore_mem>>)
      } else {
      }
      %convert_element_type3A_79 = arith.extui %lt3A_69 : i1 to i32
      %cond3A_80 = arith.constant 0 : i32
      %cond3A_81 = arith.cmpi ne, %convert_element_type3A_79, %cond3A_80 : i32
      scf.if %cond3A_81 {
        %dma_wait3A = arith.constant 0 : i32
        %dma_wait3A_85 = arith.constant 0 : i32
        %dma_wait3A_86 = tpu.memref_slice %arg17[%dma_wait3A, %dma_wait3A_85] : memref<10112x128xbf16, #tpu.memory_space<vmem_shared>> -> memref<10112x128xbf16, #tpu.memory_space<vmem_shared>>
        tpu.wait_indirect_dma semaphore(%arg22 : memref<!tpu.dma_semaphore, #tpu.memory_space<semaphore_mem>>) src(%arg15 : memref<128x128xbf16, #tpu.memory_space<vmem>>) dst(%dma_wait3A_86 : memref<10112x128xbf16, #tpu.memory_space<vmem_shared>>)
      } else {
      }
      %convert_element_type3A_82 = arith.extui %lt3A_72 : i1 to i32
      %cond3A_83 = arith.constant 0 : i32
      %cond3A_84 = arith.cmpi ne, %convert_element_type3A_82, %cond3A_83 : i32
      scf.if %cond3A_84 {
        %add3A_85 = arith.addi %add3A_4, %add3A_68 : i32
        %add3A_86 = arith.constant 2 : i32
        %add3A_87 = arith.addi %add3A_85, %add3A_86 : i32
        %dma_start3A_88 = arith.constant 0 : i32
        %dma_start3A_89 = tpu.memref_slice %arg4[%add3A_87, %dma_start3A_88] : memref<2500x128xi32, #tpu.memory_space<hbm>> -> memref<1x128xi32, #tpu.memory_space<hbm>>
        %dma_start3A_90 = tpu.memref_squeeze %dma_start3A_89 : memref<1x128xi32, #tpu.memory_space<hbm>> -> memref<128xi32, #tpu.memory_space<hbm>>
        %dma_start3A_91 = arith.constant 0 : i32
        %dma_start3A_92 = tpu.memref_slice %arg4[%add3A_87, %dma_start3A_91] : memref<2500x128xi32, #tpu.memory_space<hbm>> -> memref<1x128xi32, #tpu.memory_space<hbm>>
        %dma_start3A_93 = tpu.memref_squeeze %dma_start3A_92 : memref<1x128xi32, #tpu.memory_space<hbm>> -> memref<128xi32, #tpu.memory_space<hbm>>
        tpu.enqueue_dma source(%dma_start3A_93 : memref<128xi32, #tpu.memory_space<hbm>>) target(%arg13 : memref<128xi32, #tpu.memory_space<vmem>>) target_semaphore(%arg26 : memref<!tpu.dma_semaphore, #tpu.memory_space<semaphore_mem>>)
        %dma_wait3A = arith.constant 0 : i32
        %dma_wait3A_94 = arith.constant 0 : i32
        %dma_wait3A_95 = tpu.memref_slice %arg3[%dma_wait3A, %dma_wait3A_94] : memref<2500x128xi32, #tpu.memory_space<hbm>> -> memref<1x128xi32, #tpu.memory_space<hbm>>
        %dma_wait3A_96 = tpu.memref_squeeze %dma_wait3A_95 : memref<1x128xi32, #tpu.memory_space<hbm>> -> memref<128xi32, #tpu.memory_space<hbm>>
        %dma_wait3A_97 = arith.constant 0 : i32
        %dma_wait3A_98 = tpu.memref_slice %arg3[%dma_wait3A, %dma_wait3A_97] : memref<2500x128xi32, #tpu.memory_space<hbm>> -> memref<1x128xi32, #tpu.memory_space<hbm>>
        %dma_wait3A_99 = tpu.memref_squeeze %dma_wait3A_98 : memref<1x128xi32, #tpu.memory_space<hbm>> -> memref<128xi32, #tpu.memory_space<hbm>>
        tpu.wait_dma2 semaphore(%arg24 : memref<!tpu.dma_semaphore, #tpu.memory_space<semaphore_mem>>) src(%dma_wait3A_99 : memref<128xi32, #tpu.memory_space<hbm>>) dst(%arg11 : memref<128xi32, #tpu.memory_space<vmem>>)
        %dma_start3A_100 = arith.constant 0 : i32
        %dma_start3A_101 = arith.constant 0 : i32
        %dma_start3A_102 = tpu.memref_slice %arg2[%dma_start3A_100, %dma_start3A_101] : memref<10000x128xbf16, #tpu.memory_space<hbm>> -> memref<10000x128xbf16, #tpu.memory_space<hbm>>
        tpu.enqueue_indirect_dma source(%dma_start3A_102 : memref<10000x128xbf16, #tpu.memory_space<hbm>>) target(%arg15 : memref<128x128xbf16, #tpu.memory_space<vmem>>) offsets(%arg11 : memref<128xi32, #tpu.memory_space<vmem>>) semaphore(%arg20 : memref<!tpu.dma_semaphore, #tpu.memory_space<semaphore_mem>>)
      } else {
      }
    }
    %scan3A_30 = arith.constant 40 : i32
    %barrier3A_31 = arith.constant 0 : index
    tpu.barrier barrier_id(%barrier3A_31)
    %mul3A_32 = arith.constant 632 : i32
    %mul3A_33 = arith.muli %arg1, %mul3A_32 : i32
    %mul3A_34 = arith.constant 10112 : i32
    %mul3A_35 = arith.muli %arg0, %mul3A_34 : i32
    %mul3A_36 = arith.constant 632 : i32
    %mul3A_37 = arith.muli %arg1, %mul3A_36 : i32
    %add3A_38 = arith.addi %mul3A_35, %mul3A_37 : i32
    "tpu.region"() ({
      %run_scoped3A = tpu.sem_alloc : memref<!tpu.dma_semaphore, #tpu.memory_space<semaphore_mem>>
      %dma_start3A_46 = arith.constant 0 : i32
      %dma_start3A_47 = tpu.memref_slice %arg8[%add3A_38, %dma_start3A_46] : memref<20224x128xbf16, #tpu.memory_space<hbm>> -> memref<632x128xbf16, #tpu.memory_space<hbm>>
      %dma_start3A_48 = arith.constant 0 : i32
      %dma_start3A_49 = tpu.memref_slice %arg17[%mul3A_33, %dma_start3A_48] : memref<10112x128xbf16, #tpu.memory_space<vmem_shared>> -> memref<632x128xbf16, #tpu.memory_space<vmem_shared>>
      tpu.enqueue_dma source(%dma_start3A_49 : memref<632x128xbf16, #tpu.memory_space<vmem_shared>>) target(%dma_start3A_47 : memref<632x128xbf16, #tpu.memory_space<hbm>>) target_semaphore(%run_scoped3A : memref<!tpu.dma_semaphore, #tpu.memory_space<semaphore_mem>>)
      %dma_wait3A = arith.constant 0 : i32
      %dma_wait3A_50 = tpu.memref_slice %arg8[%add3A_38, %dma_wait3A] : memref<20224x128xbf16, #tpu.memory_space<hbm>> -> memref<632x128xbf16, #tpu.memory_space<hbm>>
      %dma_wait3A_51 = arith.constant 0 : i32
      %dma_wait3A_52 = tpu.memref_slice %arg17[%mul3A_33, %dma_wait3A_51] : memref<10112x128xbf16, #tpu.memory_space<vmem_shared>> -> memref<632x128xbf16, #tpu.memory_space<vmem_shared>>
      tpu.wait_dma2 semaphore(%run_scoped3A : memref<!tpu.dma_semaphore, #tpu.memory_space<semaphore_mem>>) src(%dma_wait3A_52 : memref<632x128xbf16, #tpu.memory_space<vmem_shared>>) dst(%dma_wait3A_50 : memref<632x128xbf16, #tpu.memory_space<hbm>>)
      tpu.yield
    }) : () -> ()
    %mul3A_39 = arith.constant 632 : i32
    %mul3A_40 = arith.muli %arg1, %mul3A_39 : i32
    %mul3A_41 = arith.constant 10112 : i32
    %mul3A_42 = arith.muli %arg0, %mul3A_41 : i32
    %mul3A_43 = arith.constant 632 : i32
    %mul3A_44 = arith.muli %arg1, %mul3A_43 : i32
    %add3A_45 = arith.addi %mul3A_42, %mul3A_44 : i32
    "tpu.region"() ({
      %run_scoped3A = tpu.sem_alloc : memref<!tpu.dma_semaphore, #tpu.memory_space<semaphore_mem>>
      %dma_start3A_46 = arith.constant 0 : i32
      %dma_start3A_47 = tpu.memref_slice %arg9[%add3A_45, %dma_start3A_46] : memref<20224x16xf32, #tpu.memory_space<hbm>> -> memref<632x16xf32, #tpu.memory_space<hbm>>
      %dma_start3A_48 = arith.constant 0 : i32
      %dma_start3A_49 = tpu.memref_slice %arg18[%mul3A_40, %dma_start3A_48] : memref<10112x16xf32, #tpu.memory_space<vmem_shared>> -> memref<632x16xf32, #tpu.memory_space<vmem_shared>>
      tpu.enqueue_dma source(%dma_start3A_49 : memref<632x16xf32, #tpu.memory_space<vmem_shared>>) target(%dma_start3A_47 : memref<632x16xf32, #tpu.memory_space<hbm>>) target_semaphore(%run_scoped3A : memref<!tpu.dma_semaphore, #tpu.memory_space<semaphore_mem>>)
      %dma_wait3A = arith.constant 0 : i32
      %dma_wait3A_50 = tpu.memref_slice %arg9[%add3A_45, %dma_wait3A] : memref<20224x16xf32, #tpu.memory_space<hbm>> -> memref<632x16xf32, #tpu.memory_space<hbm>>
      %dma_wait3A_51 = arith.constant 0 : i32
      %dma_wait3A_52 = tpu.memref_slice %arg18[%mul3A_40, %dma_wait3A_51] : memref<10112x16xf32, #tpu.memory_space<vmem_shared>> -> memref<632x16xf32, #tpu.memory_space<vmem_shared>>
      tpu.wait_dma2 semaphore(%run_scoped3A : memref<!tpu.dma_semaphore, #tpu.memory_space<semaphore_mem>>) src(%dma_wait3A_52 : memref<632x16xf32, #tpu.memory_space<vmem_shared>>) dst(%dma_wait3A_50 : memref<632x16xf32, #tpu.memory_space<hbm>>)
      tpu.yield
    }) : () -> ()
    return
  }
}

module attributes {stable_mosaic.version = 14 : i64} {
  func.func @body(%arg0: i32, %arg1: memref<1000x128xbf16, #tpu.memory_space<vmem>>, %arg2: memref<1000x128xbf16, #tpu.memory_space<vmem>>, %arg3: memref<1000x16xf32, #tpu.memory_space<vmem>>, %arg4: memref<1000x16xf32, #tpu.memory_space<vmem>>, %arg5: memref<1000x128xf32, #tpu.memory_space<vmem>>, %arg6: memref<128x128xf32, #tpu.memory_space<vmem>>, %arg7: memref<1x128xf32, #tpu.memory_space<vmem>>, %arg8: memref<128x128xf32, #tpu.memory_space<vmem>>, %arg9: memref<1000x128xbf16, #tpu.memory_space<vmem>>, %arg10: memref<1000x16xf32, #tpu.memory_space<vmem>>) attributes {dimension_semantics = [#tpu.dimension_semantics<arbitrary>], iteration_bounds = array<i64: 10>, scalar_prefetch = 0 : i64, scratch_operands = 0 : i64, tpu.core_type = #tpu.core_type<tc>, window_params = [{transform_indices = @transform_0, window_bounds = array<i64: 1000, 128>}, {transform_indices = @transform_1, window_bounds = array<i64: 1000, 128>}, {transform_indices = @transform_2, window_bounds = array<i64: 1000, 16>}, {transform_indices = @transform_3, window_bounds = array<i64: 1000, 16>}, {transform_indices = @transform_4, window_bounds = array<i64: 1000, 128>}, {pipeline_mode = #tpu.pipeline_mode<synchronous>, transform_indices = @transform_5, window_bounds = array<i64: 128, 128>}, {pipeline_mode = #tpu.pipeline_mode<synchronous>, transform_indices = @transform_6, window_bounds = array<i64: 1, 128>}, {pipeline_mode = #tpu.pipeline_mode<synchronous>, transform_indices = @transform_7, window_bounds = array<i64: 128, 128>}, {transform_indices = @transform_8, window_bounds = array<i64: 1000, 128>}, {transform_indices = @transform_9, window_bounds = array<i64: 1000, 16>}]} {
    %get3A = arith.constant 0 : index
    %get3A_0 = arith.constant 0 : index
    %get3A_1 = vector.load %arg1[%get3A, %get3A_0] : memref<1000x128xbf16, #tpu.memory_space<vmem>>, vector<1000x128xbf16>
    %convert_element_type3A = arith.extf %get3A_1 : vector<1000x128xbf16> to vector<1000x128xf32>
    %get3A_2 = arith.constant 0 : index
    %get3A_3 = arith.constant 0 : index
    %get3A_4 = vector.load %arg2[%get3A_2, %get3A_3] : memref<1000x128xbf16, #tpu.memory_space<vmem>>, vector<1000x128xbf16>
    %convert_element_type3A_5 = arith.extf %get3A_4 : vector<1000x128xbf16> to vector<1000x128xf32>
    %add3A = arith.addf %convert_element_type3A, %convert_element_type3A_5 : vector<1000x128xf32>
    %get3A_6 = arith.constant 0 : index
    %get3A_7 = arith.constant 0 : index
    %get3A_8 = vector.load %arg3[%get3A_6, %get3A_7] : memref<1000x16xf32, #tpu.memory_space<vmem>>, vector<1000x16xf32>
    %slice3A = vector.extract_strided_slice %get3A_8 {offsets = [0, 0], sizes = [1000, 1], strides = [1, 1]} : vector<1000x16xf32> to vector<1000x1xf32>
    %get3A_9 = arith.constant 0 : index
    %get3A_10 = arith.constant 0 : index
    %get3A_11 = vector.load %arg4[%get3A_9, %get3A_10] : memref<1000x16xf32, #tpu.memory_space<vmem>>, vector<1000x16xf32>
    %slice3A_12 = vector.extract_strided_slice %get3A_11 {offsets = [0, 0], sizes = [1000, 1], strides = [1, 1]} : vector<1000x16xf32> to vector<1000x1xf32>
    %add3A_13 = arith.addf %slice3A, %slice3A_12 : vector<1000x1xf32>
    %max3A = arith.constant 1.000000e+00 : f32
    %max3A_14 = vector.broadcast %max3A : f32 to vector<1000x1xf32>
    %max3A_15 = arith.maximumf %add3A_13, %max3A_14 : vector<1000x1xf32>
    %div3A = arith.constant 1.000000e+00 : f32
    %div3A_16 = vector.broadcast %div3A : f32 to vector<1000x1xf32>
    %div3A_17 = arith.divf %div3A_16, %max3A_15 : vector<1000x1xf32>
    %mul3A = vector.broadcast %div3A_17 : vector<1000x1xf32> to vector<1000x128xf32>
    %mul3A_18 = arith.mulf %add3A, %mul3A : vector<1000x128xf32>
    %get3A_19 = arith.constant 0 : index
    %get3A_20 = arith.constant 0 : index
    %get3A_21 = vector.load %arg6[%get3A_19, %get3A_20] : memref<128x128xf32, #tpu.memory_space<vmem>>, vector<128x128xf32>
    %dot_general3A = arith.constant dense<0.000000e+00> : vector<1000x128xf32>
    %dot_general3A_22 = tpu.matmul %mul3A_18, %get3A_21, %dot_general3A {dimension_numbers = #tpu.dot_dimension_numbers<[1], [0], [0], [1], [0, 0, 1, 1], [], []>, transpose_lhs_hint = false} : vector<1000x128xf32>, vector<128x128xf32>, vector<1000x128xf32> -> vector<1000x128xf32>
    %get3A_23 = arith.constant 0 : index
    %get3A_24 = arith.constant 0 : index
    %get3A_25 = vector.load %arg7[%get3A_23, %get3A_24] : memref<1x128xf32, #tpu.memory_space<vmem>>, vector<1x128xf32>
    %add3A_26 = vector.broadcast %get3A_25 : vector<1x128xf32> to vector<1000x128xf32>
    %add3A_27 = arith.addf %dot_general3A_22, %add3A_26 : vector<1000x128xf32>
    %get3A_28 = arith.constant 0 : index
    %get3A_29 = arith.constant 0 : index
    %get3A_30 = vector.load %arg5[%get3A_28, %get3A_29] : memref<1000x128xf32, #tpu.memory_space<vmem>>, vector<1000x128xf32>
    %get3A_31 = arith.constant 0 : index
    %get3A_32 = arith.constant 0 : index
    %get3A_33 = vector.load %arg8[%get3A_31, %get3A_32] : memref<128x128xf32, #tpu.memory_space<vmem>>, vector<128x128xf32>
    %dot_general3A_34 = arith.constant dense<0.000000e+00> : vector<1000x128xf32>
    %dot_general3A_35 = tpu.matmul %get3A_30, %get3A_33, %dot_general3A_34 {dimension_numbers = #tpu.dot_dimension_numbers<[1], [0], [0], [1], [0, 0, 1, 1], [], []>, transpose_lhs_hint = false} : vector<1000x128xf32>, vector<128x128xf32>, vector<1000x128xf32> -> vector<1000x128xf32>
    %add3A_36 = arith.addf %add3A_27, %dot_general3A_35 : vector<1000x128xf32>
    %max3A_37 = arith.constant 0.000000e+00 : f32
    %max3A_38 = vector.broadcast %max3A_37 : f32 to vector<1000x128xf32>
    %max3A_39 = arith.maximumf %add3A_36, %max3A_38 : vector<1000x128xf32>
    %convert_element_type3A_40 = arith.truncf %max3A_39 : vector<1000x128xf32> to vector<1000x128xbf16>
    %swap3A = arith.constant 0 : index
    %swap3A_41 = arith.constant 0 : index
    %swap3A_42 = vector.load %arg9[%swap3A, %swap3A_41] : memref<1000x128xbf16, #tpu.memory_space<vmem>>, vector<1000x128xbf16>
    tpu.vector_store %arg9[%swap3A, %swap3A_41], %convert_element_type3A_40 {strides = array<i32>} : memref<1000x128xbf16, #tpu.memory_space<vmem>>, vector<1000x128xbf16>,
    %broadcast_in_dim3A = vector.shape_cast %div3A_17 : vector<1000x1xf32> to vector<1000x1xf32>
    %broadcast_in_dim3A_43 = vector.broadcast %broadcast_in_dim3A : vector<1000x1xf32> to vector<1000x16xf32>
    %swap3A_44 = arith.constant 0 : index
    %swap3A_45 = arith.constant 0 : index
    %swap3A_46 = vector.load %arg10[%swap3A_44, %swap3A_45] : memref<1000x16xf32, #tpu.memory_space<vmem>>, vector<1000x16xf32>
    tpu.vector_store %arg10[%swap3A_44, %swap3A_45], %broadcast_in_dim3A_43 {strides = array<i32>} : memref<1000x16xf32, #tpu.memory_space<vmem>>, vector<1000x16xf32>,
    return
  }
  func.func @transform_0(%arg0: i32) -> (i32, i32) {
    %c0_i32 = arith.constant 0 : i32
    %c0_i32_0 = arith.constant 0 : i32
    return %arg0, %c0_i32 : i32, i32
  }
  func.func @transform_1(%arg0: i32) -> (i32, i32) {
    %c0_i32 = arith.constant 0 : i32
    %c0_i32_0 = arith.constant 0 : i32
    return %arg0, %c0_i32 : i32, i32
  }
  func.func @transform_2(%arg0: i32) -> (i32, i32) {
    %c0_i32 = arith.constant 0 : i32
    %c0_i32_0 = arith.constant 0 : i32
    return %arg0, %c0_i32 : i32, i32
  }
  func.func @transform_3(%arg0: i32) -> (i32, i32) {
    %c0_i32 = arith.constant 0 : i32
    %c0_i32_0 = arith.constant 0 : i32
    return %arg0, %c0_i32 : i32, i32
  }
  func.func @transform_4(%arg0: i32) -> (i32, i32) {
    %c0_i32 = arith.constant 0 : i32
    %c0_i32_0 = arith.constant 0 : i32
    return %arg0, %c0_i32 : i32, i32
  }
  func.func @transform_5(%arg0: i32) -> (i32, i32) {
    %c0_i32 = arith.constant 0 : i32
    %c0_i32_0 = arith.constant 0 : i32
    %c0_i32_1 = arith.constant 0 : i32
    return %c0_i32, %c0_i32_0 : i32, i32
  }
  func.func @transform_6(%arg0: i32) -> (i32, i32) {
    %c0_i32 = arith.constant 0 : i32
    %c0_i32_0 = arith.constant 0 : i32
    %c0_i32_1 = arith.constant 0 : i32
    return %c0_i32, %c0_i32_0 : i32, i32
  }
  func.func @transform_7(%arg0: i32) -> (i32, i32) {
    %c0_i32 = arith.constant 0 : i32
    %c0_i32_0 = arith.constant 0 : i32
    %c0_i32_1 = arith.constant 0 : i32
    return %c0_i32, %c0_i32_0 : i32, i32
  }
  func.func @transform_8(%arg0: i32) -> (i32, i32) {
    %c0_i32 = arith.constant 0 : i32
    %c0_i32_0 = arith.constant 0 : i32
    return %arg0, %c0_i32 : i32, i32
  }
  func.func @transform_9(%arg0: i32) -> (i32, i32) {
    %c0_i32 = arith.constant 0 : i32
    %c0_i32_0 = arith.constant 0 : i32
    return %arg0, %c0_i32 : i32, i32
  }
}

module attributes {stable_mosaic.version = 14 : i64} {
  func.func @body(%arg0: i32, %arg1: memref<512x128xbf16, #tpu.memory_space<vmem>>, %arg2: memref<512x128xbf16, #tpu.memory_space<vmem>>, %arg3: memref<512x128xbf16, #tpu.memory_space<vmem>>, %arg4: memref<512x128xbf16, #tpu.memory_space<vmem>>, %arg5: memref<512x16xf32, #tpu.memory_space<vmem>>, %arg6: memref<512x8xf32, #tpu.memory_space<vmem>>, %arg7: memref<128x128xf32, #tpu.memory_space<vmem>>, %arg8: memref<1x128xf32, #tpu.memory_space<vmem>>, %arg9: memref<128x128xf32, #tpu.memory_space<vmem>>, %arg10: memref<128x512xf32, #tpu.memory_space<vmem>>, %arg11: memref<128x512xf32, #tpu.memory_space<vmem>>, %arg12: memref<8x512xf32, #tpu.memory_space<vmem>>, %arg13: memref<1x512xf32, #tpu.memory_space<vmem>>, %arg14: memref<128x128xf32, #tpu.memory_space<vmem>>, %arg15: memref<128x128xf32, #tpu.memory_space<vmem>>, %arg16: memref<1x128xf32, #tpu.memory_space<vmem>>, %arg17: memref<128x64xf32, #tpu.memory_space<vmem>>, %arg18: memref<1x64xf32, #tpu.memory_space<vmem>>, %arg19: memref<64x8xf32, #tpu.memory_space<vmem>>, %arg20: memref<1x8xf32, #tpu.memory_space<vmem>>, %arg21: memref<512x8xf32, #tpu.memory_space<vmem>>) attributes {dimension_semantics = [#tpu.dimension_semantics<arbitrary>], iteration_bounds = array<i64: 8>, scalar_prefetch = 0 : i64, scratch_operands = 0 : i64, tpu.core_type = #tpu.core_type<tc>, window_params = [{transform_indices = @transform_0, window_bounds = array<i64: 512, 128>}, {transform_indices = @transform_1, window_bounds = array<i64: 512, 128>}, {transform_indices = @transform_2, window_bounds = array<i64: 512, 128>}, {transform_indices = @transform_3, window_bounds = array<i64: 512, 128>}, {transform_indices = @transform_4, window_bounds = array<i64: 512, 16>}, {transform_indices = @transform_5, window_bounds = array<i64: 512, 8>}, {pipeline_mode = #tpu.pipeline_mode<synchronous>, transform_indices = @transform_6, window_bounds = array<i64: 128, 128>}, {pipeline_mode = #tpu.pipeline_mode<synchronous>, transform_indices = @transform_7, window_bounds = array<i64: 1, 128>}, {pipeline_mode = #tpu.pipeline_mode<synchronous>, transform_indices = @transform_8, window_bounds = array<i64: 128, 128>}, {pipeline_mode = #tpu.pipeline_mode<synchronous>, transform_indices = @transform_9, window_bounds = array<i64: 128, 512>}, {pipeline_mode = #tpu.pipeline_mode<synchronous>, transform_indices = @transform_10, window_bounds = array<i64: 128, 512>}, {pipeline_mode = #tpu.pipeline_mode<synchronous>, transform_indices = @transform_11, window_bounds = array<i64: 8, 512>}, {pipeline_mode = #tpu.pipeline_mode<synchronous>, transform_indices = @transform_12, window_bounds = array<i64: 1, 512>}, {pipeline_mode = #tpu.pipeline_mode<synchronous>, transform_indices = @transform_13, window_bounds = array<i64: 128, 128>}, {pipeline_mode = #tpu.pipeline_mode<synchronous>, transform_indices = @transform_14, window_bounds = array<i64: 128, 128>}, {pipeline_mode = #tpu.pipeline_mode<synchronous>, transform_indices = @transform_15, window_bounds = array<i64: 1, 128>}, {pipeline_mode = #tpu.pipeline_mode<synchronous>, transform_indices = @transform_16, window_bounds = array<i64: 128, 64>}, {pipeline_mode = #tpu.pipeline_mode<synchronous>, transform_indices = @transform_17, window_bounds = array<i64: 1, 64>}, {pipeline_mode = #tpu.pipeline_mode<synchronous>, transform_indices = @transform_18, window_bounds = array<i64: 64, 8>}, {pipeline_mode = #tpu.pipeline_mode<synchronous>, transform_indices = @transform_19, window_bounds = array<i64: 1, 8>}, {transform_indices = @transform_20, window_bounds = array<i64: 512, 8>}]} {
    %get3A = arith.constant 0 : index
    %get3A_0 = arith.constant 0 : index
    %get3A_1 = vector.load %arg1[%get3A, %get3A_0] : memref<512x128xbf16, #tpu.memory_space<vmem>>, vector<512x128xbf16>
    %convert_element_type3A = arith.extf %get3A_1 : vector<512x128xbf16> to vector<512x128xf32>
    %get3A_2 = arith.constant 0 : index
    %get3A_3 = arith.constant 0 : index
    %get3A_4 = vector.load %arg2[%get3A_2, %get3A_3] : memref<512x128xbf16, #tpu.memory_space<vmem>>, vector<512x128xbf16>
    %convert_element_type3A_5 = arith.extf %get3A_4 : vector<512x128xbf16> to vector<512x128xf32>
    %add3A = arith.addf %convert_element_type3A, %convert_element_type3A_5 : vector<512x128xf32>
    %get3A_6 = arith.constant 0 : index
    %get3A_7 = arith.constant 0 : index
    %get3A_8 = vector.load %arg5[%get3A_6, %get3A_7] : memref<512x16xf32, #tpu.memory_space<vmem>>, vector<512x16xf32>
    %slice3A = vector.extract_strided_slice %get3A_8 {offsets = [0, 0], sizes = [512, 1], strides = [1, 1]} : vector<512x16xf32> to vector<512x1xf32>
    %mul3A = vector.broadcast %slice3A : vector<512x1xf32> to vector<512x128xf32>
    %mul3A_9 = arith.mulf %add3A, %mul3A : vector<512x128xf32>
    %get3A_10 = arith.constant 0 : index
    %get3A_11 = arith.constant 0 : index
    %get3A_12 = vector.load %arg7[%get3A_10, %get3A_11] : memref<128x128xf32, #tpu.memory_space<vmem>>, vector<128x128xf32>
    %dot_general3A = arith.constant dense<0.000000e+00> : vector<512x128xf32>
    %dot_general3A_13 = tpu.matmul %mul3A_9, %get3A_12, %dot_general3A {dimension_numbers = #tpu.dot_dimension_numbers<[1], [0], [0], [1], [0, 0, 1, 1], [], []>, transpose_lhs_hint = false} : vector<512x128xf32>, vector<128x128xf32>, vector<512x128xf32> -> vector<512x128xf32>
    %get3A_14 = arith.constant 0 : index
    %get3A_15 = arith.constant 0 : index
    %get3A_16 = vector.load %arg8[%get3A_14, %get3A_15] : memref<1x128xf32, #tpu.memory_space<vmem>>, vector<1x128xf32>
    %add3A_17 = vector.broadcast %get3A_16 : vector<1x128xf32> to vector<512x128xf32>
    %add3A_18 = arith.addf %dot_general3A_13, %add3A_17 : vector<512x128xf32>
    %get3A_19 = arith.constant 0 : index
    %get3A_20 = arith.constant 0 : index
    %get3A_21 = vector.load %arg3[%get3A_19, %get3A_20] : memref<512x128xbf16, #tpu.memory_space<vmem>>, vector<512x128xbf16>
    %convert_element_type3A_22 = arith.extf %get3A_21 : vector<512x128xbf16> to vector<512x128xf32>
    %get3A_23 = arith.constant 0 : index
    %get3A_24 = arith.constant 0 : index
    %get3A_25 = vector.load %arg9[%get3A_23, %get3A_24] : memref<128x128xf32, #tpu.memory_space<vmem>>, vector<128x128xf32>
    %dot_general3A_26 = arith.constant dense<0.000000e+00> : vector<512x128xf32>
    %dot_general3A_27 = tpu.matmul %convert_element_type3A_22, %get3A_25, %dot_general3A_26 {dimension_numbers = #tpu.dot_dimension_numbers<[1], [0], [0], [1], [0, 0, 1, 1], [], []>, transpose_lhs_hint = false} : vector<512x128xf32>, vector<128x128xf32>, vector<512x128xf32> -> vector<512x128xf32>
    %add3A_28 = arith.addf %add3A_18, %dot_general3A_27 : vector<512x128xf32>
    %jit3A = arith.constant -1.000000e+01 : f32
    %jit3A_29 = arith.constant 1.000000e+01 : f32
    %max3A = vector.broadcast %jit3A : f32 to vector<512x128xf32>
    %max3A_30 = arith.maximumf %max3A, %add3A_28 : vector<512x128xf32>
    %min3A = vector.broadcast %jit3A_29 : f32 to vector<512x128xf32>
    %min3A_31 = arith.minimumf %min3A, %max3A_30 : vector<512x128xf32>
    %get3A_32 = arith.constant 0 : index
    %get3A_33 = arith.constant 0 : index
    %get3A_34 = vector.load %arg4[%get3A_32, %get3A_33] : memref<512x128xbf16, #tpu.memory_space<vmem>>, vector<512x128xbf16>
    %convert_element_type3A_35 = arith.extf %get3A_34 : vector<512x128xbf16> to vector<512x128xf32>
    %jit3A_36 = arith.constant -1.000000e+01 : f32
    %jit3A_37 = arith.constant 1.000000e+01 : f32
    %max3A_38 = vector.broadcast %jit3A_36 : f32 to vector<512x128xf32>
    %max3A_39 = arith.maximumf %max3A_38, %convert_element_type3A_35 : vector<512x128xf32>
    %min3A_40 = vector.broadcast %jit3A_37 : f32 to vector<512x128xf32>
    %min3A_41 = arith.minimumf %min3A_40, %max3A_39 : vector<512x128xf32>
    %get3A_42 = arith.constant 0 : index
    %get3A_43 = arith.constant 0 : index
    %get3A_44 = vector.load %arg10[%get3A_42, %get3A_43] : memref<128x512xf32, #tpu.memory_space<vmem>>, vector<128x512xf32>
    %dot_general3A_45 = arith.constant dense<0.000000e+00> : vector<512x512xf32>
    %dot_general3A_46 = tpu.matmul %min3A_31, %get3A_44, %dot_general3A_45 {dimension_numbers = #tpu.dot_dimension_numbers<[1], [0], [0], [1], [0, 0, 1, 1], [], []>, transpose_lhs_hint = false} : vector<512x128xf32>, vector<128x512xf32>, vector<512x512xf32> -> vector<512x512xf32>
    %get3A_47 = arith.constant 0 : index
    %get3A_48 = arith.constant 0 : index
    %get3A_49 = vector.load %arg11[%get3A_47, %get3A_48] : memref<128x512xf32, #tpu.memory_space<vmem>>, vector<128x512xf32>
    %dot_general3A_50 = arith.constant dense<0.000000e+00> : vector<512x512xf32>
    %dot_general3A_51 = tpu.matmul %min3A_41, %get3A_49, %dot_general3A_50 {dimension_numbers = #tpu.dot_dimension_numbers<[1], [0], [0], [1], [0, 0, 1, 1], [], []>, transpose_lhs_hint = false} : vector<512x128xf32>, vector<128x512xf32>, vector<512x512xf32> -> vector<512x512xf32>
    %add3A_52 = arith.addf %dot_general3A_46, %dot_general3A_51 : vector<512x512xf32>
    %get3A_53 = arith.constant 0 : index
    %get3A_54 = arith.constant 0 : index
    %get3A_55 = vector.load %arg6[%get3A_53, %get3A_54] : memref<512x8xf32, #tpu.memory_space<vmem>>, vector<512x8xf32>
    %get3A_56 = arith.constant 0 : index
    %get3A_57 = arith.constant 0 : index
    %get3A_58 = vector.load %arg12[%get3A_56, %get3A_57] : memref<8x512xf32, #tpu.memory_space<vmem>>, vector<8x512xf32>
    %dot_general3A_59 = arith.constant dense<0.000000e+00> : vector<512x512xf32>
    %dot_general3A_60 = tpu.matmul %get3A_55, %get3A_58, %dot_general3A_59 {dimension_numbers = #tpu.dot_dimension_numbers<[1], [0], [0], [1], [0, 0, 1, 1], [], []>, transpose_lhs_hint = false} : vector<512x8xf32>, vector<8x512xf32>, vector<512x512xf32> -> vector<512x512xf32>
    %add3A_61 = arith.addf %add3A_52, %dot_general3A_60 : vector<512x512xf32>
    %get3A_62 = arith.constant 0 : index
    %get3A_63 = arith.constant 0 : index
    %get3A_64 = vector.load %arg13[%get3A_62, %get3A_63] : memref<1x512xf32, #tpu.memory_space<vmem>>, vector<1x512xf32>
    %add3A_65 = vector.broadcast %get3A_64 : vector<1x512xf32> to vector<512x512xf32>
    %add3A_66 = arith.addf %add3A_61, %add3A_65 : vector<512x512xf32>
    %slice3A_67 = vector.extract_strided_slice %add3A_66 {offsets = [0, 0], sizes = [512, 128], strides = [1, 1]} : vector<512x512xf32> to vector<512x128xf32>
    %slice3A_68 = vector.extract_strided_slice %add3A_66 {offsets = [0, 256], sizes = [512, 128], strides = [1, 1]} : vector<512x512xf32> to vector<512x128xf32>
    %slice3A_69 = vector.extract_strided_slice %add3A_66 {offsets = [0, 384], sizes = [512, 128], strides = [1, 1]} : vector<512x512xf32> to vector<512x128xf32>
    %logistic3A = arith.negf %slice3A_67 : vector<512x128xf32>
    %logistic3A_70 = math.exp %logistic3A : vector<512x128xf32>
    %logistic3A_71 = arith.constant 1.000000e+00 : f32
    %logistic3A_72 = vector.broadcast %logistic3A_71 : f32 to vector<512x128xf32>
    %logistic3A_73 = arith.addf %logistic3A_72, %logistic3A_70 : vector<512x128xf32>
    %logistic3A_74 = arith.divf %logistic3A_72, %logistic3A_73 : vector<512x128xf32>
    %tanh3A = math.tanh %slice3A_68 : vector<512x128xf32>
    %mul3A_75 = arith.mulf %logistic3A_74, %tanh3A : vector<512x128xf32>
    %logistic3A_76 = arith.negf %slice3A_69 : vector<512x128xf32>
    %logistic3A_77 = math.exp %logistic3A_76 : vector<512x128xf32>
    %logistic3A_78 = arith.constant 1.000000e+00 : f32
    %logistic3A_79 = vector.broadcast %logistic3A_78 : f32 to vector<512x128xf32>
    %logistic3A_80 = arith.addf %logistic3A_79, %logistic3A_77 : vector<512x128xf32>
    %logistic3A_81 = arith.divf %logistic3A_79, %logistic3A_80 : vector<512x128xf32>
    %tanh3A_82 = math.tanh %mul3A_75 : vector<512x128xf32>
    %mul3A_83 = arith.mulf %logistic3A_81, %tanh3A_82 : vector<512x128xf32>
    %jit3A_84 = arith.constant -1.000000e+01 : f32
    %jit3A_85 = arith.constant 1.000000e+01 : f32
    %max3A_86 = vector.broadcast %jit3A_84 : f32 to vector<512x128xf32>
    %max3A_87 = arith.maximumf %max3A_86, %mul3A_83 : vector<512x128xf32>
    %min3A_88 = vector.broadcast %jit3A_85 : f32 to vector<512x128xf32>
    %min3A_89 = arith.minimumf %min3A_88, %max3A_87 : vector<512x128xf32>
    %get3A_90 = arith.constant 0 : index
    %get3A_91 = arith.constant 0 : index
    %get3A_92 = vector.load %arg14[%get3A_90, %get3A_91] : memref<128x128xf32, #tpu.memory_space<vmem>>, vector<128x128xf32>
    %dot_general3A_93 = arith.constant dense<0.000000e+00> : vector<512x128xf32>
    %dot_general3A_94 = tpu.matmul %min3A_31, %get3A_92, %dot_general3A_93 {dimension_numbers = #tpu.dot_dimension_numbers<[1], [0], [0], [1], [0, 0, 1, 1], [], []>, transpose_lhs_hint = false} : vector<512x128xf32>, vector<128x128xf32>, vector<512x128xf32> -> vector<512x128xf32>
    %get3A_95 = arith.constant 0 : index
    %get3A_96 = arith.constant 0 : index
    %get3A_97 = vector.load %arg15[%get3A_95, %get3A_96] : memref<128x128xf32, #tpu.memory_space<vmem>>, vector<128x128xf32>
    %dot_general3A_98 = arith.constant dense<0.000000e+00> : vector<512x128xf32>
    %dot_general3A_99 = tpu.matmul %min3A_89, %get3A_97, %dot_general3A_98 {dimension_numbers = #tpu.dot_dimension_numbers<[1], [0], [0], [1], [0, 0, 1, 1], [], []>, transpose_lhs_hint = false} : vector<512x128xf32>, vector<128x128xf32>, vector<512x128xf32> -> vector<512x128xf32>
    %add3A_100 = arith.addf %dot_general3A_94, %dot_general3A_99 : vector<512x128xf32>
    %get3A_101 = arith.constant 0 : index
    %get3A_102 = arith.constant 0 : index
    %get3A_103 = vector.load %arg16[%get3A_101, %get3A_102] : memref<1x128xf32, #tpu.memory_space<vmem>>, vector<1x128xf32>
    %add3A_104 = vector.broadcast %get3A_103 : vector<1x128xf32> to vector<512x128xf32>
    %add3A_105 = arith.addf %add3A_100, %add3A_104 : vector<512x128xf32>
    %max3A_106 = arith.constant 0.000000e+00 : f32
    %max3A_107 = vector.broadcast %max3A_106 : f32 to vector<512x128xf32>
    %max3A_108 = arith.maximumf %add3A_105, %max3A_107 : vector<512x128xf32>
    %get3A_109 = arith.constant 0 : index
    %get3A_110 = arith.constant 0 : index
    %get3A_111 = vector.load %arg17[%get3A_109, %get3A_110] : memref<128x64xf32, #tpu.memory_space<vmem>>, vector<128x64xf32>
    %dot_general3A_112 = arith.constant dense<0.000000e+00> : vector<512x64xf32>
    %dot_general3A_113 = tpu.matmul %max3A_108, %get3A_111, %dot_general3A_112 {dimension_numbers = #tpu.dot_dimension_numbers<[1], [0], [0], [1], [0, 0, 1, 1], [], []>, transpose_lhs_hint = false} : vector<512x128xf32>, vector<128x64xf32>, vector<512x64xf32> -> vector<512x64xf32>
    %get3A_114 = arith.constant 0 : index
    %get3A_115 = arith.constant 0 : index
    %get3A_116 = vector.load %arg18[%get3A_114, %get3A_115] : memref<1x64xf32, #tpu.memory_space<vmem>>, vector<1x64xf32>
    %add3A_117 = vector.broadcast %get3A_116 : vector<1x64xf32> to vector<512x64xf32>
    %add3A_118 = arith.addf %dot_general3A_113, %add3A_117 : vector<512x64xf32>
    %max3A_119 = arith.constant 0.000000e+00 : f32
    %max3A_120 = vector.broadcast %max3A_119 : f32 to vector<512x64xf32>
    %max3A_121 = arith.maximumf %add3A_118, %max3A_120 : vector<512x64xf32>
    %get3A_122 = arith.constant 0 : index
    %get3A_123 = arith.constant 0 : index
    %get3A_124 = vector.load %arg19[%get3A_122, %get3A_123] : memref<64x8xf32, #tpu.memory_space<vmem>>, vector<64x8xf32>
    %dot_general3A_125 = arith.constant dense<0.000000e+00> : vector<512x8xf32>
    %dot_general3A_126 = tpu.matmul %max3A_121, %get3A_124, %dot_general3A_125 {dimension_numbers = #tpu.dot_dimension_numbers<[1], [0], [0], [1], [0, 0, 1, 1], [], []>, transpose_lhs_hint = false} : vector<512x64xf32>, vector<64x8xf32>, vector<512x8xf32> -> vector<512x8xf32>
    %get3A_127 = arith.constant 0 : index
    %get3A_128 = arith.constant 0 : index
    %get3A_129 = vector.load %arg20[%get3A_127, %get3A_128] : memref<1x8xf32, #tpu.memory_space<vmem>>, vector<1x8xf32>
    %add3A_130 = vector.broadcast %get3A_129 : vector<1x8xf32> to vector<512x8xf32>
    %add3A_131 = arith.addf %dot_general3A_126, %add3A_130 : vector<512x8xf32>
    %swap3A = arith.constant 0 : index
    %swap3A_132 = arith.constant 0 : index
    %swap3A_133 = vector.load %arg21[%swap3A, %swap3A_132] : memref<512x8xf32, #tpu.memory_space<vmem>>, vector<512x8xf32>
    tpu.vector_store %arg21[%swap3A, %swap3A_132], %add3A_131 {strides = array<i32>} : memref<512x8xf32, #tpu.memory_space<vmem>>, vector<512x8xf32>,
    return
  }
  func.func @transform_0(%arg0: i32) -> (i32, i32) {
    %c0_i32 = arith.constant 0 : i32
    %c0_i32_0 = arith.constant 0 : i32
    return %arg0, %c0_i32 : i32, i32
  }
  func.func @transform_1(%arg0: i32) -> (i32, i32) {
    %add3A = arith.constant 8 : i32
    %add3A_0 = arith.addi %arg0, %add3A : i32
    %c0_i32 = arith.constant 0 : i32
    %c0_i32_1 = arith.constant 0 : i32
    return %add3A_0, %c0_i32 : i32, i32
  }
  func.func @transform_2(%arg0: i32) -> (i32, i32) {
    %c0_i32 = arith.constant 0 : i32
    %c0_i32_0 = arith.constant 0 : i32
    return %arg0, %c0_i32 : i32, i32
  }
  func.func @transform_3(%arg0: i32) -> (i32, i32) {
    %c0_i32 = arith.constant 0 : i32
    %c0_i32_0 = arith.constant 0 : i32
    return %arg0, %c0_i32 : i32, i32
  }
  func.func @transform_4(%arg0: i32) -> (i32, i32) {
    %c0_i32 = arith.constant 0 : i32
    %c0_i32_0 = arith.constant 0 : i32
    return %arg0, %c0_i32 : i32, i32
  }
  func.func @transform_5(%arg0: i32) -> (i32, i32) {
    %c0_i32 = arith.constant 0 : i32
    %c0_i32_0 = arith.constant 0 : i32
    return %arg0, %c0_i32 : i32, i32
  }
  func.func @transform_6(%arg0: i32) -> (i32, i32) {
    %c0_i32 = arith.constant 0 : i32
    %c0_i32_0 = arith.constant 0 : i32
    %c0_i32_1 = arith.constant 0 : i32
    return %c0_i32, %c0_i32_0 : i32, i32
  }
  func.func @transform_7(%arg0: i32) -> (i32, i32) {
    %c0_i32 = arith.constant 0 : i32
    %c0_i32_0 = arith.constant 0 : i32
    %c0_i32_1 = arith.constant 0 : i32
    return %c0_i32, %c0_i32_0 : i32, i32
  }
  func.func @transform_8(%arg0: i32) -> (i32, i32) {
    %c0_i32 = arith.constant 0 : i32
    %c0_i32_0 = arith.constant 0 : i32
    %c0_i32_1 = arith.constant 0 : i32
    return %c0_i32, %c0_i32_0 : i32, i32
  }
  func.func @transform_9(%arg0: i32) -> (i32, i32) {
    %c0_i32 = arith.constant 0 : i32
    %c0_i32_0 = arith.constant 0 : i32
    %c0_i32_1 = arith.constant 0 : i32
    return %c0_i32, %c0_i32_0 : i32, i32
  }
  func.func @transform_10(%arg0: i32) -> (i32, i32) {
    %c0_i32 = arith.constant 0 : i32
    %c0_i32_0 = arith.constant 0 : i32
    %c0_i32_1 = arith.constant 0 : i32
    return %c0_i32, %c0_i32_0 : i32, i32
  }
  func.func @transform_11(%arg0: i32) -> (i32, i32) {
    %c0_i32 = arith.constant 0 : i32
    %c0_i32_0 = arith.constant 0 : i32
    %c0_i32_1 = arith.constant 0 : i32
    return %c0_i32, %c0_i32_0 : i32, i32
  }
  func.func @transform_12(%arg0: i32) -> (i32, i32) {
    %c0_i32 = arith.constant 0 : i32
    %c0_i32_0 = arith.constant 0 : i32
    %c0_i32_1 = arith.constant 0 : i32
    return %c0_i32, %c0_i32_0 : i32, i32
  }
  func.func @transform_13(%arg0: i32) -> (i32, i32) {
    %c0_i32 = arith.constant 0 : i32
    %c0_i32_0 = arith.constant 0 : i32
    %c0_i32_1 = arith.constant 0 : i32
    return %c0_i32, %c0_i32_0 : i32, i32
  }
  func.func @transform_14(%arg0: i32) -> (i32, i32) {
    %c0_i32 = arith.constant 0 : i32
    %c0_i32_0 = arith.constant 0 : i32
    %c0_i32_1 = arith.constant 0 : i32
    return %c0_i32, %c0_i32_0 : i32, i32
  }
  func.func @transform_15(%arg0: i32) -> (i32, i32) {
    %c0_i32 = arith.constant 0 : i32
    %c0_i32_0 = arith.constant 0 : i32
    %c0_i32_1 = arith.constant 0 : i32
    return %c0_i32, %c0_i32_0 : i32, i32
  }
  func.func @transform_16(%arg0: i32) -> (i32, i32) {
    %c0_i32 = arith.constant 0 : i32
    %c0_i32_0 = arith.constant 0 : i32
    %c0_i32_1 = arith.constant 0 : i32
    return %c0_i32, %c0_i32_0 : i32, i32
  }
  func.func @transform_17(%arg0: i32) -> (i32, i32) {
    %c0_i32 = arith.constant 0 : i32
    %c0_i32_0 = arith.constant 0 : i32
    %c0_i32_1 = arith.constant 0 : i32
    return %c0_i32, %c0_i32_0 : i32, i32
  }
  func.func @transform_18(%arg0: i32) -> (i32, i32) {
    %c0_i32 = arith.constant 0 : i32
    %c0_i32_0 = arith.constant 0 : i32
    %c0_i32_1 = arith.constant 0 : i32
    return %c0_i32, %c0_i32_0 : i32, i32
  }
  func.func @transform_19(%arg0: i32) -> (i32, i32) {
    %c0_i32 = arith.constant 0 : i32
    %c0_i32_0 = arith.constant 0 : i32
    %c0_i32_1 = arith.constant 0 : i32
    return %c0_i32, %c0_i32_0 : i32, i32
  }
  func.func @transform_20(%arg0: i32) -> (i32, i32) {
    %c0_i32 = arith.constant 0 : i32
    %c0_i32_0 = arith.constant 0 : i32
    return %arg0, %c0_i32 : i32, i32
  }
}

</mosaic_0001>

<sc_bundles>
// kernel: kernel.6.cloned.1.call-start
scs
__scs_entry_jumppad:
0x0: {  	(pc) =	sbr.rel $0x88, $3  }
0x1: {  	(tag) =	ssettag $0x0;
	lr =	simm.s32 $0x1  }
0x2: {  	[smem:$0x3F8E] =	sst lr;
	_ =	strace $0xD0000000  }
0x3: {  	_ = 	snop  }
0x4: {  	_ = 	snop  }
0x5: {  	_ = 	snop  }
0x6: {  	_ = 	snop  }
0x7: {  	_ = 	snop  }
__scs_overlays_trampoline_lowered:
0x8: {  	[smem:$0x3F9D] =	sst s0  }
0x9: {  	[smem:$0x3F9E] =	sst s1  }
0xa: {  	[smem:$0x3F9F] =	sst s2  }
0xb: {  	[smem:$0x3FA0] =	sst s3  }
0xc: {  	[smem:$0x3FA1] =	sst s4  }
0xd: {  	[smem:$0x3FA2] =	sst s5  }
0xe: {  	[smem:$0x3FA3] =	sst s6  }
0xf: {  	[smem:$0x3FA4] =	sst s7  }
0x10: {  	[smem:$0x3FA5] =	sst s8  }
0x11: {  	[smem:$0x3FA6] =	sst s9;
	s0 =	simm.s32 @!p0 $0x0  }
0x12: {  	s1 =	sld [smem:$0x3F8C];
	s0 =	simm.s32 @p0 $0x1  }
0x13: {  	[smem:$0x3FA7] =	sst s0;
	s0 =	simm.s32 @!p1 $0x0  }
0x14: {  	s2 =	sld [smem:$0x3F8B];
	s0 =	simm.s32 @p1 $0x1  }
0x15: {  	[smem:$0x3FA8] =	sst s0;
	s0 =	simm.s32 @!p2 $0x0  }
0x16: {  	s3 =	sld [smem:$0x3FDB];
	s0 =	simm.s32 @p2 $0x1  }
0x17: {  	s4 =	simm.s32 $0x1BF5;
	[smem:$0x3FAA] =	sst s0  }
0x18: {  	s0 =	sld [smem:$0x3F8D];
	_ =	swait.ge [sflag:s4], $0x0  }
0x19: {  	s7 =	sld [smem:$0x3F8E]  }
0x1a: {  	s8 =	sadd.s32 $0xFFFFE003, lr  }
0x1b: {  	s9 =	sadd.s32 $0xFFFFFEF7, lr;
	s5 =	simm.s32 $0xFFFFFFFF;
	p2 =	slt.u32 s8, $0xFFFFF086  }
0x1c: {  	p1 =	slt.u32 s9, $0xF7A;
	s5 =	simm.s32 @!p2 $0x0  }
0x1d: {  	s5 =	simm.s32 @p1 $0x1;
	p0 =	seq.s32 s7, s2  }
0x1e: {  	s7 =	smul.u32 @!p0 $0xF7A, s2;
	p2 =	seq.s32 @!p0 s5, $0x0  }
0x1f: {  	s9 =	smul.u32 $0xF7A, s1;
	s8 =	simm.s32 @!p0 $0x1BF5;
	p2 =	por !p2, p0  }
0x20: {  	[sflag:s8] =	ssyncset.s32 @!p0 $0xFFFFF086;
	s6 =	sadd.s32 @!p0 s3, s7;
	s7 =	simm.s32 @!p0 $0x108  }
0x21: {  	s3 =	sadd.s32 s3, s9;
	s6 =	sadd.s32 @!p0 $0x88, s6;
	s7 =	simm.s32 @p2 $0x1082  }
0x22: {  	[simem:s7], [sflag:s8] =	dma.local @!p0 [hbm:s6], $0xF7A  }
0x23: {  	s9 =	sor.u32 $0xD0000000, s2;
	s6 =	simm.s32 $0x108;
	_ =	swait.ge @!p0 [sflag:s8], $0x0  }
0x24: {  	s3 =	sadd.s32 $0x88, s3;
	s6 =	simm.s32 @!p1 $0x1082;
	[sflag:s4] =	ssyncset.s32 $0xFFFFF086  }
0x25: {  	[simem:s6], [sflag:s4] =	dma.local [hbm:s3], $0xF7A  }
0x26: {  	[smem:$0x3F8E] =	sst s1;
	(tag) =	ssettag s2;
	_ =	strace s9  }
0x27: {  	s1 =	sld [smem:$0x3F9E]  }
0x28: {  	s2 =	sld [smem:$0x3F9F]  }
0x29: {  	s4 =	sld [smem:$0x3FA1]  }
0x2a: {  	p0 =	seq.s32 s5, $0x0;
	s5 =	sld [smem:$0x3FA2]  }
0x2b: {  	s6 =	sld [smem:$0x3FA3]  }
0x2c: {  	s7 =	sld [smem:$0x3FA4]  }
0x2d: {  	s3 =	simm.s32 $0x108;
	s8 =	sld [smem:$0x3FA5]  }
0x2e: {  	s3 =	simm.s32 @!p0 $0x1082;
	s9 =	sld [smem:$0x3FA6]  }
0x2f: {  	lr =	sadd.s32 s0, s3;
	s0 =	sld [smem:$0x3F9D]  }
0x30: {  	s3 =	sld [smem:$0x3FA0]  }
0x31: {  	[smem:$0x3FA9] =	sst s10  }
0x32: {  	s10 =	sld [smem:$0x3FA7];
	_ =	sdelay $0x3  }
0x33: {  	p0 =	seq.s32 s10, $0x1;
	s10 =	sld [smem:$0x3FA9];
	_ =	sdelay $0x3  }
0x34: {  	[smem:$0x3FA9] =	sst s10  }
0x35: {  	s10 =	sld [smem:$0x3FA8];
	_ =	sdelay $0x3  }
0x36: {  	p1 =	seq.s32 s10, $0x1;
	s10 =	sld [smem:$0x3FA9];
	_ =	sdelay $0x3  }
0x37: {  	[smem:$0x3FA9] =	sst s10  }
0x38: {  	s10 =	sld [smem:$0x3FAA]  }
0x39: {  	_ = 	snop;
	(pc) =	sbr.ind lr, $3  }
0x3a: {  	_ = 	snop  }
0x3b: {  	_ = 	snop  }
0x3c: {  	p2 =	seq.s32 s10, $0x1;
	s10 =	sld [smem:$0x3FA9]  }
0x3d: {  	_ =	shalt  }
0x3e: {  	_ =	shalt  }
0x3f: {  	_ =	shalt  }
0x40: {  	_ =	shalt  }
0x41: {  	_ =	shalt  }
0x42: {  	_ =	shalt  }
0x43: {  	_ =	shalt  }
0x44: {  	_ =	shalt  }
0x45: {  	_ =	shalt  }
0x46: {  	_ =	shalt  }
0x47: {  	_ =	shalt  }
0x48: {  	_ =	shalt  }
0x49: {  	_ =	shalt  }
0x4a: {  	_ =	shalt  }
0x4b: {  	_ =	shalt  }
0x4c: {  	_ =	shalt  }
0x4d: {  	_ =	shalt  }
0x4e: {  	_ =	shalt  }
0x4f: {  	_ =	shalt  }
0x50: {  	_ =	shalt  }
0x51: {  	_ =	shalt  }
0x52: {  	_ =	shalt  }
0x53: {  	_ =	shalt  }
0x54: {  	_ =	shalt  }
0x55: {  	_ =	shalt  }
0x56: {  	_ =	shalt  }
0x57: {  	_ =	shalt  }
0x58: {  	_ =	shalt  }
0x59: {  	_ =	shalt  }
0x5a: {  	_ =	shalt  }
0x5b: {  	_ =	shalt  }
0x5c: {  	_ =	shalt  }
0x5d: {  	_ =	shalt  }
0x5e: {  	_ =	shalt  }
0x5f: {  	_ =	shalt  }
0x60: {  	_ =	shalt  }
0x61: {  	_ =	shalt  }
0x62: {  	_ =	shalt  }
0x63: {  	_ =	shalt  }
0x64: {  	_ =	shalt  }
0x65: {  	_ =	shalt  }
0x66: {  	_ =	shalt  }
0x67: {  	_ =	shalt  }
0x68: {  	_ =	shalt  }
0x69: {  	_ =	shalt  }
0x6a: {  	_ =	shalt  }
0x6b: {  	_ =	shalt  }
0x6c: {  	_ =	shalt  }
0x6d: {  	_ =	shalt  }
0x6e: {  	_ =	shalt  }
0x6f: {  	_ =	shalt  }
0x70: {  	_ =	shalt  }
0x71: {  	_ =	shalt  }
0x72: {  	_ =	shalt  }
0x73: {  	_ =	shalt  }
0x74: {  	_ =	shalt  }
0x75: {  	_ =	shalt  }
0x76: {  	_ =	shalt  }
0x77: {  	_ =	shalt  }
0x78: {  	_ =	shalt  }
0x79: {  	_ =	shalt  }
0x7a: {  	_ =	shalt  }
0x7b: {  	_ =	shalt  }
0x7c: {  	_ =	shalt  }
0x7d: {  	_ =	shalt  }
0x7e: {  	_ =	shalt  }
0x7f: {  	_ =	shalt  }
0x80: {  	_ =	shalt  }
0x81: {  	_ =	shalt  }
0x82: {  	_ =	shalt  }
0x83: {  	_ =	shalt  }
0x84: {  	_ =	shalt  }
0x85: {  	_ =	shalt  }
0x86: {  	_ =	shalt  }
0x87: {  	_ =	shalt  }
.Lfunc_end0:
.L_simem_size_0:
called_computation_lowered:
.L_overlay_start_0:
0x88: {  	s2 =	sld [smem:$0x3FD9]  }
0x89: {  	s3 =	sld [smem:$0x3FFE];
	_ =	sdelay $0x1  }
0x8a: {  	s1 =	srdreg.scid  }
0x8b: {  	s0 =	sand.u32 $0x1, s1  }
0x8c: {  	s17 =	sshll.u32 s0, $0xA;
	s2 =	sadd.s32 s3, s2  }
0x8d: {  	s2 =	sadd.s32 s2, s17  }
0x8e: {  	[smem:$0x3FB5] =	sst s2  }
0x8f: {  	_ = 	snop  }
0x90: {  	s2 =	sld [smem:$0x3FD0];
	(tm) =	ssettm $0x1  }
0x91: {  	s18 =	sld [smem:$0x3FFB];
	_ =	sdelay $0x3  }
0x92: {  	_ =	strace s18  }
0x93: {  	s3 =	sld [smem:$0x3FFC];
	_ =	sdelay $0x3  }
0x94: {  	_ =	strace s3  }
0x95: {  	s3 =	sld [smem:$0x3FFD];
	_ =	sdelay $0x3  }
0x96: {  	_ =	strace s3  }
0x97: {  	_ =	strace $0x8FFFFFFF  }
0x98: {  	s19 =	sld [smem:$0x3FDB];
	_ =	sdelay $0x1  }
0x99: {  	s4 =	simm.s32 $_scs_section_size  }
0x9a: {  	s5 =	simm.s32 $_size__tile_overlayer_lowered;
	s6 =	simm.s32 $_tile_overlayer_lowered  }
0x9b: {  	s22 =	simm.s32 $0x1BFF;
	s21 =	sshll.u32 s6, $0x1;
	s3 =	sadd.s32 s4, s19  }
0x9c: {  	s7 =	simm.s32 $0x0;
	s20 =	sshll.u32 s5, $0x1;
	s5 =	sadd.s32 s21, s3  }
0x9d: {  	[timem:s7], [sflag:s22] =	dma.local [hbm:s5], s20  }
0x9e: {  	_ =	swait.ge [sflag:s22], s20  }
0x9f: {  	s4 =	ssub.s32 $0x0, s20;
	[sflag:s22] =	ssyncset.done $0x0  }
0xa0: {  	[sflag:s22] =	ssyncadd.s32 s4;
	_ =	sdelay $0x1  }
0xa1: {  	s23 =	simm.s32 $0x1B8B  }
0xa2: {  	_ =	swait.ge [sflag:s23], $0x1  }
0xa3: {  	[sflag:s23] =	ssyncset.done $0x0  }
0xa4: {  	s25 =	simm.s32 $0x1B8E;
	s24 =	sld [smem:$0x3FFE];
	[sflag:s23] =	ssyncadd.s32 $0xFFFFFFFF  }
0xa5: {  	s26 =	simm.s32 $execute0_lowered;
	[smem:$0x3FD2] =	sst s25  }
0xa6: {  	s5 =	sshll.u32 s26, $0x1;
	_ =	strace $0x80000046;
	[dreg:$0x1] =	wrdreg $0xFFFFFFFF  }
0xa7: {  	s28 =	simm.s32 $_size_execute0_lowered;
	s3 =	sadd.s32 s3, s5;
	[dreg:$0x0] =	wrdreg $0x0  }
0xa8: {  	s5 =	sshll.u32 s28, $0x1;
	[dreg:$0x2] =	wrdreg s3  }
0xa9: {  	[dreg:$0x3] =	wrdreg s5  }
0xaa: {  	[dreg:$0x4] =	wrdreg $0xC0  }
0xab: {  	_ =	task [dreg:s7], $0x5FFFF  }
0xac: {  	[dreg:$0x1] =	wrdreg $0xFFFFFFFF  }
0xad: {  	[dreg:$0x0] =	wrdreg $0x60  }
0xae: {  	[dreg:$0x2] =	wrdreg s24  }
0xaf: {  	[dreg:$0x3] =	wrdreg s2  }
0xb0: {  	[dreg:$0x4] =	wrdreg $0x4A000  }
0xb1: {  	[dreg:$0x5] =	wrdreg $0xE8000  }
0xb2: {  	[dreg:$0x6] =	wrdreg $0x9  }
0xb3: {  	_ =	task.clear_ibuf [dreg:s7], $0x7FFFF;
	_ =	strace $0x90000046  }
0xb4: {  	s29 =	simm.s32 $0x9;
	_ =	strace $0x80000048  }
0xb5: {  	_ =	swait.ge [sflag:s29], $0x1  }
0xb6: {  	[sflag:s29] =	ssyncadd.s32 $0xFFFFFFFF  }
0xb7: {  	_ =	strace $0x90000048  }
0xb8: {  	_ =	sfence  }
0xb9: {  	s30 =	sld [smem:$0x0];
	_ =	sdelay $0x2  }
0xba: {  	s31 =	sshll.u32 s1, $0xD;
	s1 =	sshrl.u32 s1, $0x2  }
0xbb: {  	s3 =	sand.u32 $0x4000, s31;
	s1 =	sadd.s32 s1, s30  }
0xbc: {  	s0 =	sor.u32 s3, s0;
	s1 =	sshll.u32 s1, $0x11  }
0xbd: {  	s0 =	sor.u32 s1, s0  }
0xbe: {  	s0 =	sadd.s32 $0x8F2B, s0  }
0xbf: {  	[sflag:s0] =	ssyncadd.remote.s32 $0x1  }
0xc0: {  	_ =	sfence.sel $0xFFFF  }
0xc1: {  	[dreg:$0x0] =	wrdreg $0xFFFFFFFF;
	(pc) =	sbr.abs _section_cstart, $3  }
0xc2: {  	[dreg:$0x1] =	wrdreg $0xFFFFFFFF  }
0xc3: {  	_ =	task.clear_ibuf [dreg:s7], $0x2FFFF;
	_ =	strace $0x9FFFFFFF  }
0xc4: {  	(tm) =	ssettm $0x7FFFFFFF  }
0xc5: {  	_ =	shalt  }
tec
execute0_lowered:
.L_overlay_start_1:
0x0: {  	(tag) =	ssettag $0x1  }
0x1: {  	s0 =	rddreg [dreg:$0x0]  }
0x2: {  	s3 =	rddreg [dreg:$0x2]  }
0x3: {  	s4 =	rddreg [dreg:$0x3]  }
0x4: {  	s1 =	srdreg.scid;
	s8 =	stileid.u32;
	s5 =	simm.s32 $0x0  }
0x5: {  	s29 =	simm.s32 $0x0;
	s1 =	sand.u32 $0x1, s1;
	s2 =	smul.u32 $0x278, s8  }
0x6: {  	[smem:$0x7FF] =	sst s5;
	s6 =	sadd.s32 $0x16C00, s0;
	s18 =	sadd.s32 $0xCE00, s0  }
0x7: {  	s19 =	sadd.s32 $0x3000, s0;
	s21 =	sadd.s32 $0x2A600, s0;
	s25 =	smul.u32 $0x27800, s8  }
0x8: {  	s22 =	sadd.s32 $0x2BA00, s0;
	s23 =	sshll.u32 s8, $0x1;
	s12 =	smul.u32 $0x9E00, s8  }
0x9: {  	p0 =	slt.u32 s8, $0x2;
	s7 =	smul.u32 $0x2780, s1;
	_ =	strace $0x80000047  }
0xa: {  	[dreg:$0x7] =	wrdreg s21;
	s10 =	ssub.s32 $0x2, s1;
	s21 =	smul.u32 $0x9C0, s8  }
0xb: {  	[dreg:$0x8] =	wrdreg s22;
	s22 =	simm.s32 $0x9;
	s24 =	sshrl.u32 s10, $0x1  }
0xc: {  	s12 =	sshrl.u32 s12, $0x2;
	s2 =	sadd.s32 s2, s7;
	s30 =	sadd.s32 s21, s19  }
0xd: {  	s21 =	sadd.s32 s21, s18;
	s9 =	sshll.u32 s2, $0x3;
	s2 =	sshll.u32 s2, $0x1  }
0xe: {  	s16 =	sadd.s32 s9, s0;
	s9 =	sor.u32 s1, s23;
	s0 =	sadd.s32 s2, s0  }
0xf: {  	s2 =	ssub.s32 s10, s24;
	s10 =	sshrl.u32 s25, $0x2;
	s1 =	smul.u32 $0x4E0, s1  }
0x10: {  	s24 =	simm.s32 $0x80;
	s11 =	smul.u32 $0x4E, s9;
	s20 =	smin.u32 s9, $0x4  }
0x11: {  	s9 =	simm.s32 $0x4F;
	s26 =	sadd.s32 s10, s3;
	s16 =	sadd.s32 $0x2BC00, s16  }
0x12: {  	s9 =	simm.s32 @!p0 $0x4E;
	[dreg:$0x9] =	wrdreg s26;
	s31 =	sadd.s32 s1, s21  }
0x13: {  	s11 =	sadd.s32 s20, s11;
	s17 =	sadd.s32 $0xFFFFFFFE, s9;
	s28 =	sadd.s32 $0xFFFFFFFD, s9  }
0x14: {  	s20 =	sshll.u32 s20, $0x4;
	s13 =	sshll.u32 s11, $0x4;
	[dreg:$0x5] =	wrdreg s17  }
0x15: {  	s11 =	sadd.s32 s12, s4;
	[dreg:$0x6] =	wrdreg s28;
	s17 =	sadd.s32 $0x53400, s0  }
0x16: {  	s0 =	sadd.s32 s1, s30;
	s12 =	sadd.s32 s18, s13;
	s15 =	sadd.s32 $0x10, s13  }
0x17: {  	s13 =	sadd.s32 s19, s13;
	s14 =	sadd.s32 s18, s15;
	s15 =	sadd.s32 s19, s15  }
0x18: {  	s18 =	smax.u32 s2, $0x1;
	s19 =	sadd.s32 s20, s0;
	s20 =	sadd.s32 s20, s31  }
.LBB2_1:
0x19: {  	s0 =	rddreg [dreg:$0x8];
	s1 =	simm.s32 $0x4200;
	s26 =	stileid.u32  }
0x1a: {  	[tilespmem:s1], [sflag:$0x9] =	stream.linear.gather [hbm4b:s0+s5], $0x800, $0x38;
	[tilespmem:$0x10F80] =	vst v63  }
0x1b: {  	s0 =	sshll.u32 s26, $0x6;
	_ =	swait.ge [sflag:s22], $0x800  }
0x1c: {  	s30 =	sor.u32 $0x1C09, s0;
	[sflag:s22] =	ssyncset.done $0x0;
	s1 =	rddreg [dreg:$0x9]  }
0x1d: {  	s2 =	rddreg [dreg:$0x7];
	[sflag:s22] =	ssyncadd.s32 $0xFFFFF800;
	s31 =	sshrl.u32 s1, $0x3  }
0x1e: {  	[spmem:s31], [sflag:s30] =	dma.local [hbm:s2], $0x13C0  }
0x1f: {  	_ =	swait.ge [sflag:s22], $0x13C0  }
0x20: {  	[sflag:s22] =	ssyncset.done $0x0  }
0x21: {  	[sflag:s22] =	ssyncadd.s32 $0xFFFFEC40  }
0x22: {  	s0 =	sshrl.u32 s11, $0x3;
	s7 =	rddreg [dreg:$0x1]  }
0x23: {  	[spmem:s0], [sflag:s30] =	dma.local [hbm:s7], $0x4F0  }
0x24: {  	_ =	swait.ge [sflag:s22], $0x4F0  }
0x25: {  	[sflag:s22] =	ssyncset.done $0x0  }
0x26: {  	[sflag:s22] =	ssyncadd.s32 $0xFFFFFB10  }
0x27: {  	[bflag:$0x0] =	sbarrier.arrive $0xFFFF  }
0x28: {  	[tilespmem:s5], [sflag:$0x9] =	stream.linear.gather [hbm4b:s12+s5], $0x80, $0x38;
	[tilespmem:$0x10F80] =	vst v63  }
0x29: {  	_ =	swait.ge [sflag:s22], $0x80  }
0x2a: {  	[sflag:s22] =	ssyncset.done $0x0  }
0x2b: {  	s8 =	simm.s32 $0x100;
	[sflag:s22] =	ssyncadd.s32 $0xFFFFFF80  }
0x2c: {  	[tilespmem:s8], [sflag:$0x9] =	stream.linear.gather [hbm4b:s13+s5], $0x80, $0x38;
	[tilespmem:$0x10F80] =	vst v63  }
0x2d: {  	_ =	swait.ge [sflag:s22], $0x80  }
0x2e: {  	[sflag:s22] =	ssyncset.done $0x0  }
0x2f: {  	s10 =	simm.s32 $0x200;
	[sflag:s22] =	ssyncadd.s32 $0xFFFFFF80  }
0x30: {  	[tilespmem:s10], [sflag:$0x1] =	stream.indirect.gather [hbm4b:s6+s24], $0x40, s5, s24, $0xb8;
	[tilespmem:$0x10F80] =	vst v63  }
0x31: {  	_ = 	snop  }
0x32: {  	[tilespmem:s24], [sflag:$0x9] =	stream.linear.gather [hbm4b:s14+s5], $0x80, $0x38;
	[tilespmem:$0x10F80] =	vst v63  }
0x33: {  	_ =	swait.ge [sflag:s22], $0x80  }
0x34: {  	[sflag:s22] =	ssyncset.done $0x0  }
0x35: {  	s21 =	simm.s32 $0x180;
	[sflag:s22] =	ssyncadd.s32 $0xFFFFFF80  }
0x36: {  	[tilespmem:s21], [sflag:$0x9] =	stream.linear.gather [hbm4b:s15+s5], $0x80, $0x38;
	[tilespmem:$0x10F80] =	vst v63  }
0x37: {  	_ =	swait.ge [sflag:s22], $0x80  }
0x38: {  	p0 =	sle.u32 s9, $0x0;
	[sflag:s22] =	ssyncset.done $0x0  }
0x39: {  	s23 =	simm.s32 $0x2200;
	s1 =	simm.s32 @!p0 $0x1;
	[sflag:s22] =	ssyncadd.s32 $0xFFFFFF80  }
0x3a: {  	[tilespmem:s23], [sflag:$0x2] =	stream.indirect.gather [hbm4b:s6+s24], $0x40, s24, s24, $0xb8;
	[tilespmem:$0x10F80] =	vst v63  }
0x3b: {  	p1 =	por @!p0 $0x1, $0x1;
	_ =	swait.ge @!p0 [sflag:s1], $0x2000  }
0x3c: {  	p1 =	por p1, p0;
	[sflag:s1] =	ssyncset.done @!p0 $0x0  }
0x3d: {  	s2 =	simm.s32 @!p1 $0x7;
	[sflag:s1] =	ssyncadd.s32 @!p0 $0xFFFFE000  }
0x3e: {  	_ =	swait.ge @!p1 [sflag:s2], $0x80  }
0x3f: {  	s21 =	simm.s32 @!p0 $0x80;
	[sflag:s2] =	ssyncset.done @!p1 $0x0  }
0x40: {  	s23 =	simm.s32 @!p0 $0x100;
	s1 =	simm.s32 @!p0 $0x200;
	[sflag:s2] =	ssyncadd.s32 @!p1 $0xFFFFFF80  }
0x41: {  	[spmem:s3] =	stream.indirect.scatter.add.bf16 @!p0 [tilespmem:s1], [sflag:$0x3], $0x40, s23, s21, $0xb8;
	[tilespmem:$0x10F80] =	vst v63  }
0x42: {  	s2 =	simm.s32 @!p0 $0x9;
	s1 =	simm.s32 @!p0 $0x4200  }
0x43: {  	[spmem:s4] =	stream.indirect.scatter.add.f32 @!p0 [tilespmem:s1], [sflag:$0x9], $0x10, s23, s21, $0xb8;
	[tilespmem:$0x10F80] =	vst v63  }
0x44: {  	_ =	swait.ge @!p0 [sflag:s2], $0x800  }
0x45: {  	s25 =	rddreg [dreg:$0x5]  }
0x46: {  	[sflag:s2] =	ssyncset.done @!p0 $0x0;
	p1 =	sle.u32 s25, $0x0  }
0x47: {  	[sflag:s2] =	ssyncadd.s32 @!p0 $0xFFFFF800;
	s1 =	sadd.s32 @!p1 $0x0, s20  }
0x48: {  	s2 =	simm.s32 @!p0 $0x3;
	s21 =	simm.s32 @!p1 $0x0;
	s1 =	sadd.s32 @!p1 $0x20, s1  }
0x49: {  	[tilespmem:s21], [sflag:$0x5] =	stream.linear.gather @!p1 [hbm4b:s1+s21], $0x80, $0x38;
	[tilespmem:$0x10F80] =	vst v63  }
0x4a: {  	_ =	swait.ge @!p0 [sflag:s2], $0x2000  }
0x4b: {  	s23 =	simm.s32 @!p1 $0x100;
	s1 =	sadd.s32 @!p1 $0x0, s19;
	[sflag:s2] =	ssyncset.done @!p0 $0x0  }
0x4c: {  	s25 =	simm.s32 @!p1 $0x5;
	s1 =	sadd.s32 @!p1 $0x20, s1;
	[sflag:s2] =	ssyncadd.s32 @!p0 $0xFFFFE000  }
0x4d: {  	[tilespmem:s23], [sflag:$0x7] =	stream.linear.gather @!p1 [hbm4b:s1+s21], $0x80, $0x38;
	[tilespmem:$0x10F80] =	vst v63  }
0x4e: {  	_ =	swait.ge @!p1 [sflag:s25], $0x80  }
0x4f: {  	p0 =	sle.u32 s9, $0x1;
	s2 =	simm.s32 @!p1 $0x80;
	[sflag:s25] =	ssyncset.done @!p1 $0x0  }
0x50: {  	s1 =	simm.s32 @!p1 $0x200;
	s23 =	simm.s32 @!p0 $0x2;
	[sflag:s25] =	ssyncadd.s32 @!p1 $0xFFFFFF80  }
0x51: {  	[tilespmem:s1], [sflag:$0x1] =	stream.indirect.gather @!p1 [hbm4b:s6+s2], $0x40, s21, s2, $0xb8;
	[tilespmem:$0x10F80] =	vst v63  }
0x52: {  	p1 =	por @!p0 $0x1, $0x1;
	_ =	swait.ge @!p0 [sflag:s23], $0x2000  }
0x53: {  	p1 =	por p1, p0;
	[sflag:s23] =	ssyncset.done @!p0 $0x0  }
0x54: {  	s1 =	simm.s32 @!p1 $0x8;
	[sflag:s23] =	ssyncadd.s32 @!p0 $0xFFFFE000  }
0x55: {  	_ =	swait.ge @!p1 [sflag:s1], $0x80  }
0x56: {  	s2 =	simm.s32 @!p0 $0x2200;
	[sflag:s1] =	ssyncset.done @!p1 $0x0  }
0x57: {  	s21 =	simm.s32 @!p0 $0x80;
	s23 =	simm.s32 @!p0 $0x180;
	[sflag:s1] =	ssyncadd.s32 @!p1 $0xFFFFFF80  }
0x58: {  	[spmem:s3] =	stream.indirect.scatter.add.bf16 @!p0 [tilespmem:s2], [sflag:$0x4], $0x40, s23, s21, $0xb8;
	[tilespmem:$0x10F80] =	vst v63  }
0x59: {  	s1 =	simm.s32 @!p0 $0x4200;
	s2 =	simm.s32 @!p0 $0x9  }
0x5a: {  	[spmem:s4] =	stream.indirect.scatter.add.f32 @!p0 [tilespmem:s1], [sflag:$0x9], $0x10, s23, s21, $0xb8;
	[tilespmem:$0x10F80] =	vst v63  }
0x5b: {  	_ =	swait.ge @!p0 [sflag:s2], $0x800  }
0x5c: {  	s26 =	rddreg [dreg:$0x6]  }
0x5d: {  	p1 =	sle.u32 s9, $0x2;
	[sflag:s2] =	ssyncset.done @!p0 $0x0;
	p2 =	sle.u32 s26, $0x0  }
0x5e: {  	[sflag:s2] =	ssyncadd.s32 @!p0 $0xFFFFF800;
	s2 =	simm.s32 @!p0 $0x4;
	s1 =	sadd.s32 @!p2 $0x0, s20  }
0x5f: {  	s21 =	simm.s32 @!p2 $0x0;
	s26 =	simm.s32 @!p2 $0x80;
	s1 =	sadd.s32 @!p2 $0x30, s1  }
0x60: {  	[tilespmem:s26], [sflag:$0x6] =	stream.linear.gather @!p2 [hbm4b:s1+s21], $0x80, $0x38;
	[tilespmem:$0x10F80] =	vst v63  }
0x61: {  	s23 =	sadd.s32 @!p2 $0x0, s19;
	s25 =	simm.s32 @!p2 $0x180;
	_ =	swait.ge @!p0 [sflag:s2], $0x2000  }
0x62: {  	s28 =	simm.s32 @!p2 $0x2200;
	s23 =	sadd.s32 @!p2 $0x30, s23;
	[sflag:s2] =	ssyncset.done @!p0 $0x0  }
0x63: {  	s1 =	simm.s32 $0x20;
	[sflag:s2] =	ssyncadd.s32 @!p0 $0xFFFFE000;
	s2 =	simm.s32 @!p2 $0x6  }
0x64: {  	[tilespmem:s25], [sflag:$0x8] =	stream.linear.gather @!p2 [hbm4b:s23+s21], $0x80, $0x38;
	[tilespmem:$0x10F80] =	vst v63  }
0x65: {  	s23 =	simm.s32 $0x40;
	s21 =	simm.s32 $0x2;
	_ =	swait.ge @!p2 [sflag:s2], $0x80  }
.LBB2_2:
0x66: {  	[sflag:s2] =	ssyncset.done @!p2 $0x0  }
0x67: {  	s7 =	simm.s32 @!p1 $0x1;
	[sflag:s2] =	ssyncadd.s32 @!p2 $0xFFFFFF80  }
0x68: {  	[tilespmem:s28], [sflag:$0x2] =	stream.indirect.gather @!p2 [hbm4b:s6+s26], $0x40, s26, s26, $0xb8;
	[tilespmem:$0x10F80] =	vst v63  }
0x69: {  	p3 =	seq.s32 @!p1 s1, $0x0;
	_ =	swait.ge @!p1 [sflag:s7], $0x2000  }
0x6a: {  	p2 =	por p3, p1;
	[sflag:s7] =	ssyncset.done @!p1 $0x0  }
0x6b: {  	s2 =	simm.s32 @!p2 $0x7;
	[sflag:s7] =	ssyncadd.s32 @!p1 $0xFFFFE000  }
0x6c: {  	_ =	swait.ge @!p2 [sflag:s2], $0x80  }
0x6d: {  	s26 =	simm.s32 @!p1 $0x80;
	[sflag:s2] =	ssyncset.done @!p2 $0x0  }
0x6e: {  	s28 =	simm.s32 @!p1 $0x100;
	s7 =	simm.s32 @!p1 $0x200;
	[sflag:s2] =	ssyncadd.s32 @!p2 $0xFFFFFF80  }
0x6f: {  	[spmem:s3] =	stream.indirect.scatter.add.bf16 @!p1 [tilespmem:s7], [sflag:$0x3], $0x40, s28, s26, $0xb8;
	[tilespmem:$0x10F80] =	vst v63  }
0x70: {  	s2 =	simm.s32 @!p1 $0x4200;
	s7 =	simm.s32 @!p1 $0x9  }
0x71: {  	[spmem:s4] =	stream.indirect.scatter.add.f32 @!p1 [tilespmem:s2], [sflag:$0x9], $0x10, s28, s26, $0xb8;
	[tilespmem:$0x10F80] =	vst v63  }
0x72: {  	_ =	swait.ge @!p1 [sflag:s7], $0x800  }
0x73: {  	s8 =	rddreg [dreg:$0x5]  }
0x74: {  	[sflag:s7] =	ssyncset.done @!p1 $0x0;
	p2 =	sge.u32 s21, s8  }
0x75: {  	[sflag:s7] =	ssyncadd.s32 @!p1 $0xFFFFF800;
	s7 =	sadd.s32 @!p2 s1, s20  }
0x76: {  	s2 =	simm.s32 @!p1 $0x3;
	s26 =	simm.s32 @!p2 $0x0;
	s7 =	sadd.s32 @!p2 $0x20, s7  }
0x77: {  	[tilespmem:s26], [sflag:$0x5] =	stream.linear.gather @!p2 [hbm4b:s7+s26], $0x80, $0x38;
	[tilespmem:$0x10F80] =	vst v63  }
0x78: {  	_ =	swait.ge @!p1 [sflag:s2], $0x2000  }
0x79: {  	s28 =	sadd.s32 @!p2 s1, s19;
	s8 =	simm.s32 @!p2 $0x5;
	[sflag:s2] =	ssyncset.done @!p1 $0x0  }
0x7a: {  	s28 =	sadd.s32 @!p2 $0x20, s28;
	s7 =	simm.s32 @!p2 $0x100;
	[sflag:s2] =	ssyncadd.s32 @!p1 $0xFFFFE000  }
0x7b: {  	[tilespmem:s7], [sflag:$0x7] =	stream.linear.gather @!p2 [hbm4b:s28+s26], $0x80, $0x38;
	[tilespmem:$0x10F80] =	vst v63  }
0x7c: {  	s10 =	sadd.s32 $0x1, s21;
	_ =	swait.ge @!p2 [sflag:s8], $0x80  }
0x7d: {  	s2 =	simm.s32 @!p2 $0x200;
	p1 =	sge.u32 s10, s9;
	[sflag:s8] =	ssyncset.done @!p2 $0x0  }
0x7e: {  	s28 =	simm.s32 @!p2 $0x80;
	s7 =	simm.s32 @!p1 $0x2;
	[sflag:s8] =	ssyncadd.s32 @!p2 $0xFFFFFF80  }
0x7f: {  	[tilespmem:s2], [sflag:$0x1] =	stream.indirect.gather @!p2 [hbm4b:s6+s28], $0x40, s26, s28, $0xb8;
	[tilespmem:$0x10F80] =	vst v63  }
0x80: {  	p3 =	seq.s32 @!p1 s1, $0x0;
	_ =	swait.ge @!p1 [sflag:s7], $0x2000  }
0x81: {  	p2 =	por p3, p1;
	[sflag:s7] =	ssyncset.done @!p1 $0x0  }
0x82: {  	s2 =	simm.s32 @!p2 $0x8;
	[sflag:s7] =	ssyncadd.s32 @!p1 $0xFFFFE000  }
0x83: {  	_ =	swait.ge @!p2 [sflag:s2], $0x80  }
0x84: {  	s8 =	simm.s32 @!p1 $0x80;
	[sflag:s2] =	ssyncset.done @!p2 $0x0  }
0x85: {  	s26 =	simm.s32 @!p1 $0x180;
	s7 =	simm.s32 @!p1 $0x2200;
	[sflag:s2] =	ssyncadd.s32 @!p2 $0xFFFFFF80  }
0x86: {  	[spmem:s3] =	stream.indirect.scatter.add.bf16 @!p1 [tilespmem:s7], [sflag:$0x4], $0x40, s26, s8, $0xb8;
	[tilespmem:$0x10F80] =	vst v63  }
0x87: {  	s2 =	simm.s32 @!p1 $0x4200;
	s7 =	simm.s32 @!p1 $0x9  }
0x88: {  	[spmem:s4] =	stream.indirect.scatter.add.f32 @!p1 [tilespmem:s2], [sflag:$0x9], $0x10, s26, s8, $0xb8;
	[tilespmem:$0x10F80] =	vst v63  }
0x89: {  	s25 =	smov.u32 s23;
	s23 =	sadd.s32 $0x20, s23;
	_ =	swait.ge @!p1 [sflag:s7], $0x800  }
0x8a: {  	p0 =	sne.s32 s23, $0x500;
	s26 =	rddreg [dreg:$0x6]  }
0x8b: {  	s2 =	simm.s32 @!p1 $0x4;
	[sflag:s7] =	ssyncset.done @!p1 $0x0;
	p2 =	sge.u32 s21, s26  }
0x8c: {  	[sflag:s7] =	ssyncadd.s32 @!p1 $0xFFFFF800;
	s21 =	sadd.s32 $0x2, s21;
	s7 =	sadd.s32 @!p2 s1, s20  }
0x8d: {  	s8 =	simm.s32 @!p2 $0x0;
	s26 =	simm.s32 @!p2 $0x80;
	s7 =	sadd.s32 @!p2 $0x30, s7  }
0x8e: {  	[tilespmem:s26], [sflag:$0x6] =	stream.linear.gather @!p2 [hbm4b:s7+s8], $0x80, $0x38;
	[tilespmem:$0x10F80] =	vst v63  }
.Ltmp0:
0x8f: {  	s1 =	sadd.s32 @!p2 s1, s19;
	_ =	swait.ge @!p1 [sflag:s2], $0x2000;
	(pc) =	sbr.rel @p0 .LBB2_2-.Ltmp0, $4  }
0x90: {  	s28 =	simm.s32 @!p2 $0x2200;
	s10 =	simm.s32 @!p2 $0x180;
	[sflag:s2] =	ssyncset.done @!p1 $0x0  }
0x91: {  	s7 =	sadd.s32 @!p2 $0x30, s1;
	[sflag:s2] =	ssyncadd.s32 @!p1 $0xFFFFE000;
	s2 =	simm.s32 @!p2 $0x6  }
0x92: {  	[tilespmem:s10], [sflag:$0x8] =	stream.linear.gather @!p2 [hbm4b:s7+s8], $0x80, $0x38;
	[tilespmem:$0x10F80] =	vst v63  }
0x93: {  	s1 =	smov.u32 s25;
	p1 =	sge.u32 s21, s9;
	_ =	swait.ge @!p2 [sflag:s2], $0x80  }
0x94: {  	[sflag:s2] =	ssyncset.done @!p2 $0x0  }
0x95: {  	s7 =	simm.s32 @!p1 $0x1;
	[sflag:s2] =	ssyncadd.s32 @!p2 $0xFFFFFF80  }
0x96: {  	[tilespmem:s28], [sflag:$0x2] =	stream.indirect.gather @!p2 [hbm4b:s6+s26], $0x40, s26, s26, $0xb8;
	[tilespmem:$0x10F80] =	vst v63  }
0x97: {  	p0 =	seq.s32 @!p1 s1, $0x0;
	_ =	swait.ge @!p1 [sflag:s7], $0x2000  }
0x98: {  	p0 =	por p0, p1;
	[sflag:s7] =	ssyncset.done @!p1 $0x0  }
0x99: {  	s2 =	simm.s32 @!p0 $0x7;
	[sflag:s7] =	ssyncadd.s32 @!p1 $0xFFFFE000  }
0x9a: {  	_ =	swait.ge @!p0 [sflag:s2], $0x80  }
0x9b: {  	s8 =	simm.s32 @!p1 $0x80;
	[sflag:s2] =	ssyncset.done @!p0 $0x0  }
0x9c: {  	s10 =	simm.s32 @!p1 $0x100;
	s7 =	simm.s32 @!p1 $0x200;
	[sflag:s2] =	ssyncadd.s32 @!p0 $0xFFFFFF80  }
0x9d: {  	[spmem:s3] =	stream.indirect.scatter.add.bf16 @!p1 [tilespmem:s7], [sflag:$0x3], $0x40, s10, s8, $0xb8;
	[tilespmem:$0x10F80] =	vst v63  }
0x9e: {  	s2 =	simm.s32 @!p1 $0x4200;
	s7 =	simm.s32 @!p1 $0x9  }
0x9f: {  	[spmem:s4] =	stream.indirect.scatter.add.f32 @!p1 [tilespmem:s2], [sflag:$0x9], $0x10, s10, s8, $0xb8;
	[tilespmem:$0x10F80] =	vst v63  }
0xa0: {  	_ =	swait.ge @!p1 [sflag:s7], $0x800  }
0xa1: {  	s25 =	rddreg [dreg:$0x5]  }
0xa2: {  	[sflag:s7] =	ssyncset.done @!p1 $0x0;
	p2 =	sge.u32 s21, s25  }
0xa3: {  	[sflag:s7] =	ssyncadd.s32 @!p1 $0xFFFFF800;
	s2 =	sadd.s32 @!p2 s1, s20  }
0xa4: {  	s7 =	simm.s32 @!p1 $0x3;
	s8 =	simm.s32 @!p2 $0x0;
	s2 =	sadd.s32 @!p2 $0x20, s2  }
0xa5: {  	[tilespmem:s8], [sflag:$0x5] =	stream.linear.gather @!p2 [hbm4b:s2+s8], $0x80, $0x38;
	[tilespmem:$0x10F80] =	vst v63  }
0xa6: {  	_ =	swait.ge @!p1 [sflag:s7], $0x2000  }
0xa7: {  	s10 =	simm.s32 @!p2 $0x100;
	s2 =	sadd.s32 @!p2 s1, s19;
	[sflag:s7] =	ssyncset.done @!p1 $0x0  }
0xa8: {  	s23 =	simm.s32 @!p2 $0x5;
	s2 =	sadd.s32 @!p2 $0x20, s2;
	[sflag:s7] =	ssyncadd.s32 @!p1 $0xFFFFE000  }
0xa9: {  	[tilespmem:s10], [sflag:$0x7] =	stream.linear.gather @!p2 [hbm4b:s2+s8], $0x80, $0x38;
	[tilespmem:$0x10F80] =	vst v63  }
0xaa: {  	s26 =	sadd.s32 $0x1, s21;
	_ =	swait.ge @!p2 [sflag:s23], $0x80  }
0xab: {  	p0 =	sge.u32 s26, s9;
	s7 =	simm.s32 @!p2 $0x200;
	[sflag:s23] =	ssyncset.done @!p2 $0x0  }
0xac: {  	s2 =	simm.s32 @!p2 $0x80;
	s10 =	simm.s32 @!p0 $0x2;
	[sflag:s23] =	ssyncadd.s32 @!p2 $0xFFFFFF80  }
0xad: {  	[tilespmem:s7], [sflag:$0x1] =	stream.indirect.gather @!p2 [hbm4b:s6+s2], $0x40, s8, s2, $0xb8;
	[tilespmem:$0x10F80] =	vst v63  }
0xae: {  	p1 =	seq.s32 @!p0 s1, $0x0;
	_ =	swait.ge @!p0 [sflag:s10], $0x2000  }
0xaf: {  	p1 =	por p1, p0;
	[sflag:s10] =	ssyncset.done @!p0 $0x0  }
0xb0: {  	s2 =	simm.s32 @!p1 $0x8;
	[sflag:s10] =	ssyncadd.s32 @!p0 $0xFFFFE000  }
0xb1: {  	_ =	swait.ge @!p1 [sflag:s2], $0x80  }
0xb2: {  	s7 =	simm.s32 @!p0 $0x2200;
	[sflag:s2] =	ssyncset.done @!p1 $0x0  }
0xb3: {  	s8 =	simm.s32 @!p0 $0x80;
	s10 =	simm.s32 @!p0 $0x180;
	[sflag:s2] =	ssyncadd.s32 @!p1 $0xFFFFFF80  }
0xb4: {  	[spmem:s3] =	stream.indirect.scatter.add.bf16 @!p0 [tilespmem:s7], [sflag:$0x4], $0x40, s10, s8, $0xb8;
	[tilespmem:$0x10F80] =	vst v63  }
0xb5: {  	s2 =	simm.s32 @!p0 $0x4200;
	s7 =	simm.s32 @!p0 $0x9  }
0xb6: {  	[spmem:s4] =	stream.indirect.scatter.add.f32 @!p0 [tilespmem:s2], [sflag:$0x9], $0x10, s10, s8, $0xb8;
	[tilespmem:$0x10F80] =	vst v63  }
0xb7: {  	_ =	swait.ge @!p0 [sflag:s7], $0x800  }
0xb8: {  	s28 =	rddreg [dreg:$0x6]  }
0xb9: {  	[sflag:s7] =	ssyncset.done @!p0 $0x0;
	p1 =	sge.u32 s21, s28  }
0xba: {  	s2 =	simm.s32 @!p0 $0x4;
	[sflag:s7] =	ssyncadd.s32 @!p0 $0xFFFFF800;
	s7 =	sadd.s32 @!p1 s1, s20  }
0xbb: {  	s8 =	simm.s32 @!p1 $0x0;
	s10 =	simm.s32 @!p1 $0x80;
	s7 =	sadd.s32 @!p1 $0x30, s7  }
0xbc: {  	[tilespmem:s10], [sflag:$0x6] =	stream.linear.gather @!p1 [hbm4b:s7+s8], $0x80, $0x38;
	[tilespmem:$0x10F80] =	vst v63  }
0xbd: {  	s1 =	sadd.s32 @!p1 s1, s19;
	_ =	swait.ge @!p0 [sflag:s2], $0x2000  }
0xbe: {  	s1 =	sadd.s32 @!p1 $0x30, s1;
	[sflag:s2] =	ssyncset.done @!p0 $0x0  }
0xbf: {  	s7 =	simm.s32 @!p1 $0x180;
	[sflag:s2] =	ssyncadd.s32 @!p0 $0xFFFFE000;
	s2 =	simm.s32 @!p1 $0x6  }
0xc0: {  	[tilespmem:s7], [sflag:$0x8] =	stream.linear.gather @!p1 [hbm4b:s1+s8], $0x80, $0x38;
	[tilespmem:$0x10F80] =	vst v63  }
0xc1: {  	_ =	swait.ge @!p1 [sflag:s2], $0x80  }
0xc2: {  	[sflag:s2] =	ssyncset.done @!p1 $0x0  }
0xc3: {  	s1 =	simm.s32 @!p1 $0x2200;
	[sflag:s2] =	ssyncadd.s32 @!p1 $0xFFFFFF80  }
0xc4: {  	[tilespmem:s1], [sflag:$0x2] =	stream.indirect.gather @!p1 [hbm4b:s6+s10], $0x40, s10, s10, $0xb8;
	[tilespmem:$0x10F80] =	vst v63  }
0xc5: {  	[bflag:$0x0] =	sbarrier.arrive $0xFFFF  }
0xc6: {  	[hbm:s16], [sflag:s30] =	dma.local [spmem:s31], $0x13C0  }
0xc7: {  	s29 =	sadd.s32 $0x1, s29;
	_ =	swait.ge [sflag:s22], $0x13C0  }
0xc8: {  	p0 =	sne.s32 s29, s18;
	[sflag:s22] =	ssyncset.done $0x0  }
.Ltmp1:
0xc9: {  	[sflag:s22] =	ssyncadd.s32 $0xFFFFEC40;
	(pc) =	sbr.rel @p0 .LBB2_1-.Ltmp1, $4  }
0xca: {  	[hbm:s17], [sflag:s30] =	dma.local [spmem:s0], $0x4F0  }
0xcb: {  	_ =	swait.ge [sflag:s22], $0x4F0  }
0xcc: {  	[sflag:s22] =	ssyncset.done $0x0  }
0xcd: {  	[sflag:s22] =	ssyncadd.s32 $0xFFFFFB10  }
0xce: {  	_ =	sfence.sel $0x180000  }
0xcf: {  	[bflag:$0x0] =	sbarrier.arrive $0xFFFF  }
0xd0: {  	_ =	strace $0x90000047  }
0xd1: {  	s0 =	stileid.u32;
	[bflag:$0x2] =	sbarrier.arrive $0xFFFF  }
0xd2: {  	p0 =	sne.s32 s0, $0x0;
	s0 =	rddreg [dreg:$0x4]  }
0xd3: {  	s0 =	sadd.s32 @!p0 $0x100000, s0  }
0xd4: {  	[sflag:s0] =	ssyncadd.tile.s32 @!p0 $0x1;
	_ =	shalt  }
.Lfunc_end2:
_tile_overlayer_lowered:
.L_overlay_start_2:
0xd5: {  	(tag) =	ssettag $0x2  }
0xd6: {  	s0 =	rddreg [dreg:$0x0];
	s2 =	stileid.u32  }
0xd7: {  	s1 =	rddreg [dreg:$0x1];
	p0 =	sne.s32 s2, $0x0  }
0xd8: {  	s3 =	rddreg [dreg:$0x2];
	[bflag:$0x3] =	sbarrier.arrive $0xFFFF;
	s2 =	simm.s32 @!p0 $0x1C09  }
0xd9: {  	[timem:s3], [sflag:s2] =	dma.local @!p0 [hbm:s0], s1  }
0xda: {  	s0 =	simm.s32 @!p0 $0x9  }
0xdb: {  	_ =	swait.ge @!p0 [sflag:s0], s1  }
0xdc: {  	s1 =	ssub.s32 @!p0 $0x0, s1;
	[sflag:s0] =	ssyncset.done @!p0 $0x0  }
0xdd: {  	[sflag:s0] =	ssyncadd.s32 @!p0 s1  }
0xde: {  	[bflag:$0x3] =	sbarrier.arrive $0xFFFF  }
0xdf: {  	_ =	shalt  }

// kernel: kernel.9.cloned.1.call-start
scs
__scs_entry_jumppad:
0x0: {  	(pc) =	sbr.rel $0x88, $3  }
0x1: {  	(tag) =	ssettag $0x0;
	lr =	simm.s32 $0x1  }
0x2: {  	[smem:$0x3F8E] =	sst lr;
	_ =	strace $0xD0000000  }
0x3: {  	_ = 	snop  }
0x4: {  	_ = 	snop  }
0x5: {  	_ = 	snop  }
0x6: {  	_ = 	snop  }
0x7: {  	_ = 	snop  }
__scs_overlays_trampoline_lowered:
0x8: {  	[smem:$0x3F9D] =	sst s0  }
0x9: {  	[smem:$0x3F9E] =	sst s1  }
0xa: {  	[smem:$0x3F9F] =	sst s2  }
0xb: {  	[smem:$0x3FA0] =	sst s3  }
0xc: {  	[smem:$0x3FA1] =	sst s4  }
0xd: {  	[smem:$0x3FA2] =	sst s5  }
0xe: {  	[smem:$0x3FA3] =	sst s6  }
0xf: {  	[smem:$0x3FA4] =	sst s7  }
0x10: {  	[smem:$0x3FA5] =	sst s8  }
0x11: {  	[smem:$0x3FA6] =	sst s9;
	s0 =	simm.s32 @!p0 $0x0  }
0x12: {  	s1 =	sld [smem:$0x3F8C];
	s0 =	simm.s32 @p0 $0x1  }
0x13: {  	[smem:$0x3FA7] =	sst s0;
	s0 =	simm.s32 @!p1 $0x0  }
0x14: {  	s2 =	sld [smem:$0x3F8B];
	s0 =	simm.s32 @p1 $0x1  }
0x15: {  	[smem:$0x3FA8] =	sst s0;
	s0 =	simm.s32 @!p2 $0x0  }
0x16: {  	s3 =	sld [smem:$0x3FDB];
	s0 =	simm.s32 @p2 $0x1  }
0x17: {  	s4 =	simm.s32 $0x1BF5;
	[smem:$0x3FAA] =	sst s0  }
0x18: {  	s0 =	sld [smem:$0x3F8D];
	_ =	swait.ge [sflag:s4], $0x0  }
0x19: {  	s7 =	sld [smem:$0x3F8E]  }
0x1a: {  	s8 =	sadd.s32 $0xFFFFE003, lr  }
0x1b: {  	s9 =	sadd.s32 $0xFFFFFEF7, lr;
	s5 =	simm.s32 $0xFFFFFFFF;
	p2 =	slt.u32 s8, $0xFFFFF086  }
0x1c: {  	p1 =	slt.u32 s9, $0xF7A;
	s5 =	simm.s32 @!p2 $0x0  }
0x1d: {  	s5 =	simm.s32 @p1 $0x1;
	p0 =	seq.s32 s7, s2  }
0x1e: {  	s7 =	smul.u32 @!p0 $0xF7A, s2;
	p2 =	seq.s32 @!p0 s5, $0x0  }
0x1f: {  	s9 =	smul.u32 $0xF7A, s1;
	s8 =	simm.s32 @!p0 $0x1BF5;
	p2 =	por !p2, p0  }
0x20: {  	[sflag:s8] =	ssyncset.s32 @!p0 $0xFFFFF086;
	s6 =	sadd.s32 @!p0 s3, s7;
	s7 =	simm.s32 @!p0 $0x108  }
0x21: {  	s3 =	sadd.s32 s3, s9;
	s6 =	sadd.s32 @!p0 $0x88, s6;
	s7 =	simm.s32 @p2 $0x1082  }
0x22: {  	[simem:s7], [sflag:s8] =	dma.local @!p0 [hbm:s6], $0xF7A  }
0x23: {  	s9 =	sor.u32 $0xD0000000, s2;
	s6 =	simm.s32 $0x108;
	_ =	swait.ge @!p0 [sflag:s8], $0x0  }
0x24: {  	s3 =	sadd.s32 $0x88, s3;
	s6 =	simm.s32 @!p1 $0x1082;
	[sflag:s4] =	ssyncset.s32 $0xFFFFF086  }
0x25: {  	[simem:s6], [sflag:s4] =	dma.local [hbm:s3], $0xF7A  }
0x26: {  	[smem:$0x3F8E] =	sst s1;
	(tag) =	ssettag s2;
	_ =	strace s9  }
0x27: {  	s1 =	sld [smem:$0x3F9E]  }
0x28: {  	s2 =	sld [smem:$0x3F9F]  }
0x29: {  	s4 =	sld [smem:$0x3FA1]  }
0x2a: {  	p0 =	seq.s32 s5, $0x0;
	s5 =	sld [smem:$0x3FA2]  }
0x2b: {  	s6 =	sld [smem:$0x3FA3]  }
0x2c: {  	s7 =	sld [smem:$0x3FA4]  }
0x2d: {  	s3 =	simm.s32 $0x108;
	s8 =	sld [smem:$0x3FA5]  }
0x2e: {  	s3 =	simm.s32 @!p0 $0x1082;
	s9 =	sld [smem:$0x3FA6]  }
0x2f: {  	lr =	sadd.s32 s0, s3;
	s0 =	sld [smem:$0x3F9D]  }
0x30: {  	s3 =	sld [smem:$0x3FA0]  }
0x31: {  	[smem:$0x3FA9] =	sst s10  }
0x32: {  	s10 =	sld [smem:$0x3FA7];
	_ =	sdelay $0x3  }
0x33: {  	p0 =	seq.s32 s10, $0x1;
	s10 =	sld [smem:$0x3FA9];
	_ =	sdelay $0x3  }
0x34: {  	[smem:$0x3FA9] =	sst s10  }
0x35: {  	s10 =	sld [smem:$0x3FA8];
	_ =	sdelay $0x3  }
0x36: {  	p1 =	seq.s32 s10, $0x1;
	s10 =	sld [smem:$0x3FA9];
	_ =	sdelay $0x3  }
0x37: {  	[smem:$0x3FA9] =	sst s10  }
0x38: {  	s10 =	sld [smem:$0x3FAA]  }
0x39: {  	_ = 	snop;
	(pc) =	sbr.ind lr, $3  }
0x3a: {  	_ = 	snop  }
0x3b: {  	_ = 	snop  }
0x3c: {  	p2 =	seq.s32 s10, $0x1;
	s10 =	sld [smem:$0x3FA9]  }
0x3d: {  	_ =	shalt  }
0x3e: {  	_ =	shalt  }
0x3f: {  	_ =	shalt  }
0x40: {  	_ =	shalt  }
0x41: {  	_ =	shalt  }
0x42: {  	_ =	shalt  }
0x43: {  	_ =	shalt  }
0x44: {  	_ =	shalt  }
0x45: {  	_ =	shalt  }
0x46: {  	_ =	shalt  }
0x47: {  	_ =	shalt  }
0x48: {  	_ =	shalt  }
0x49: {  	_ =	shalt  }
0x4a: {  	_ =	shalt  }
0x4b: {  	_ =	shalt  }
0x4c: {  	_ =	shalt  }
0x4d: {  	_ =	shalt  }
0x4e: {  	_ =	shalt  }
0x4f: {  	_ =	shalt  }
0x50: {  	_ =	shalt  }
0x51: {  	_ =	shalt  }
0x52: {  	_ =	shalt  }
0x53: {  	_ =	shalt  }
0x54: {  	_ =	shalt  }
0x55: {  	_ =	shalt  }
0x56: {  	_ =	shalt  }
0x57: {  	_ =	shalt  }
0x58: {  	_ =	shalt  }
0x59: {  	_ =	shalt  }
0x5a: {  	_ =	shalt  }
0x5b: {  	_ =	shalt  }
0x5c: {  	_ =	shalt  }
0x5d: {  	_ =	shalt  }
0x5e: {  	_ =	shalt  }
0x5f: {  	_ =	shalt  }
0x60: {  	_ =	shalt  }
0x61: {  	_ =	shalt  }
0x62: {  	_ =	shalt  }
0x63: {  	_ =	shalt  }
0x64: {  	_ =	shalt  }
0x65: {  	_ =	shalt  }
0x66: {  	_ =	shalt  }
0x67: {  	_ =	shalt  }
0x68: {  	_ =	shalt  }
0x69: {  	_ =	shalt  }
0x6a: {  	_ =	shalt  }
0x6b: {  	_ =	shalt  }
0x6c: {  	_ =	shalt  }
0x6d: {  	_ =	shalt  }
0x6e: {  	_ =	shalt  }
0x6f: {  	_ =	shalt  }
0x70: {  	_ =	shalt  }
0x71: {  	_ =	shalt  }
0x72: {  	_ =	shalt  }
0x73: {  	_ =	shalt  }
0x74: {  	_ =	shalt  }
0x75: {  	_ =	shalt  }
0x76: {  	_ =	shalt  }
0x77: {  	_ =	shalt  }
0x78: {  	_ =	shalt  }
0x79: {  	_ =	shalt  }
0x7a: {  	_ =	shalt  }
0x7b: {  	_ =	shalt  }
0x7c: {  	_ =	shalt  }
0x7d: {  	_ =	shalt  }
0x7e: {  	_ =	shalt  }
0x7f: {  	_ =	shalt  }
0x80: {  	_ =	shalt  }
0x81: {  	_ =	shalt  }
0x82: {  	_ =	shalt  }
0x83: {  	_ =	shalt  }
0x84: {  	_ =	shalt  }
0x85: {  	_ =	shalt  }
0x86: {  	_ =	shalt  }
0x87: {  	_ =	shalt  }
.Lfunc_end0:
.L_simem_size_0:
called_computation.1_lowered:
.L_overlay_start_0:
0x88: {  	s2 =	sld [smem:$0x3FD9]  }
0x89: {  	s3 =	sld [smem:$0x3FFE];
	_ =	sdelay $0x1  }
0x8a: {  	s1 =	srdreg.scid  }
0x8b: {  	s0 =	sand.u32 $0x1, s1  }
0x8c: {  	s17 =	sshll.u32 s0, $0xA;
	s2 =	sadd.s32 s3, s2  }
0x8d: {  	s2 =	sadd.s32 s2, s17  }
0x8e: {  	[smem:$0x3FB5] =	sst s2  }
0x8f: {  	_ = 	snop  }
0x90: {  	s2 =	sld [smem:$0x3FC7];
	(tm) =	ssettm $0x1  }
0x91: {  	s18 =	sld [smem:$0x3FFB];
	_ =	sdelay $0x3  }
0x92: {  	_ =	strace s18  }
0x93: {  	s3 =	sld [smem:$0x3FFC];
	_ =	sdelay $0x3  }
0x94: {  	_ =	strace s3  }
0x95: {  	s3 =	sld [smem:$0x3FFD];
	_ =	sdelay $0x3  }
0x96: {  	_ =	strace s3  }
0x97: {  	_ =	strace $0x8FFFFFFF  }
0x98: {  	s19 =	sld [smem:$0x3FDB];
	_ =	sdelay $0x1  }
0x99: {  	s4 =	simm.s32 $_scs_section_size  }
0x9a: {  	s5 =	simm.s32 $_size__tile_overlayer_lowered;
	s6 =	simm.s32 $_tile_overlayer_lowered  }
0x9b: {  	s22 =	simm.s32 $0x1BFF;
	s21 =	sshll.u32 s6, $0x1;
	s3 =	sadd.s32 s4, s19  }
0x9c: {  	s7 =	simm.s32 $0x0;
	s20 =	sshll.u32 s5, $0x1;
	s5 =	sadd.s32 s21, s3  }
0x9d: {  	[timem:s7], [sflag:s22] =	dma.local [hbm:s5], s20  }
0x9e: {  	_ =	swait.ge [sflag:s22], s20  }
0x9f: {  	s4 =	ssub.s32 $0x0, s20;
	[sflag:s22] =	ssyncset.done $0x0  }
0xa0: {  	[sflag:s22] =	ssyncadd.s32 s4;
	_ =	sdelay $0x1  }
0xa1: {  	s23 =	simm.s32 $0x1B8B  }
0xa2: {  	_ =	swait.ge [sflag:s23], $0x1  }
0xa3: {  	[sflag:s23] =	ssyncset.done $0x0  }
0xa4: {  	s25 =	simm.s32 $0x1B8E;
	s24 =	sld [smem:$0x3FFE];
	[sflag:s23] =	ssyncadd.s32 $0xFFFFFFFF  }
0xa5: {  	s26 =	simm.s32 $execute0_lowered;
	[smem:$0x3FD2] =	sst s25  }
0xa6: {  	s5 =	sshll.u32 s26, $0x1;
	_ =	strace $0x80000049;
	[dreg:$0x1] =	wrdreg $0xFFFFFFFF  }
0xa7: {  	s28 =	simm.s32 $_size_execute0_lowered;
	s3 =	sadd.s32 s3, s5;
	[dreg:$0x0] =	wrdreg $0x0  }
0xa8: {  	s5 =	sshll.u32 s28, $0x1;
	[dreg:$0x2] =	wrdreg s3  }
0xa9: {  	[dreg:$0x3] =	wrdreg s5  }
0xaa: {  	[dreg:$0x4] =	wrdreg $0xC0  }
0xab: {  	_ =	task [dreg:s7], $0x5FFFF  }
0xac: {  	[dreg:$0x1] =	wrdreg $0xFFFFFFFF  }
0xad: {  	[dreg:$0x0] =	wrdreg $0x60  }
0xae: {  	[dreg:$0x2] =	wrdreg s24  }
0xaf: {  	[dreg:$0x3] =	wrdreg s2  }
0xb0: {  	[dreg:$0x4] =	wrdreg $0x4A000  }
0xb1: {  	[dreg:$0x5] =	wrdreg $0x9  }
0xb2: {  	_ =	task.clear_ibuf [dreg:s7], $0x6FFFF;
	_ =	strace $0x90000049  }
0xb3: {  	s29 =	simm.s32 $0x9;
	_ =	strace $0x8000004B  }
0xb4: {  	_ =	swait.ge [sflag:s29], $0x1  }
0xb5: {  	[sflag:s29] =	ssyncadd.s32 $0xFFFFFFFF  }
0xb6: {  	_ =	strace $0x9000004B  }
0xb7: {  	_ =	sfence  }
0xb8: {  	s30 =	sld [smem:$0x0];
	_ =	sdelay $0x2  }
0xb9: {  	s31 =	sshll.u32 s1, $0xD;
	s1 =	sshrl.u32 s1, $0x2  }
0xba: {  	s3 =	sand.u32 $0x4000, s31;
	s1 =	sadd.s32 s1, s30  }
0xbb: {  	s0 =	sor.u32 s3, s0;
	s1 =	sshll.u32 s1, $0x11  }
0xbc: {  	s0 =	sor.u32 s1, s0  }
0xbd: {  	s0 =	sadd.s32 $0x8F2B, s0  }
0xbe: {  	[sflag:s0] =	ssyncadd.remote.s32 $0x1  }
0xbf: {  	_ =	sfence.sel $0xFFFF  }
0xc0: {  	[dreg:$0x0] =	wrdreg $0xFFFFFFFF;
	(pc) =	sbr.abs _section_cstart, $3  }
0xc1: {  	[dreg:$0x1] =	wrdreg $0xFFFFFFFF  }
0xc2: {  	_ =	task.clear_ibuf [dreg:s7], $0x2FFFF;
	_ =	strace $0x9FFFFFFF  }
0xc3: {  	(tm) =	ssettm $0x7FFFFFFF  }
tec
execute0_lowered:
.L_overlay_start_1:
0x0: {  	(tag) =	ssettag $0x1  }
0x1: {  	s0 =	rddreg [dreg:$0x0]  }
0x2: {  	s3 =	rddreg [dreg:$0x1]  }
0x3: {  	s1 =	rddreg [dreg:$0x2];
	s2 =	simm.s32 $0x0  }
0x4: {  	s4 =	srdreg.scid;
	s25 =	stileid.u32;
	s29 =	simm.s32 $0x9  }
0x5: {  	s31 =	simm.s32 $0x80;
	s30 =	simm.s32 $0x0;
	[smem:$0x7FF] =	sst s2  }
0x6: {  	s5 =	sadd.s32 $0xCE00, s0;
	s6 =	sand.u32 $0x1, s4;
	s7 =	sadd.s32 $0x3000, s0  }
0x7: {  	s8 =	sshll.u32 s25, $0x1;
	s10 =	sadd.s32 $0x5C400, s0;
	s15 =	sadd.s32 $0x64400, s0  }
0x8: {  	p0 =	slt.u32 s25, $0x2;
	s22 =	sshll.u32 s25, $0x5;
	s24 =	sshll.u32 s25, $0x8  }
0x9: {  	s26 =	sshll.u32 s25, $0xB;
	_ =	strace $0x8000004A;
	s4 =	sshll.u32 s6, $0xF  }
0xa: {  	s18 =	sor.u32 s6, s8;
	s8 =	sadd.s32 $0x54400, s0;
	s11 =	ssub.s32 $0x2, s6  }
0xb: {  	s23 =	sadd.s32 s3, s22;
	s14 =	sor.u32 $0x80, s24;
	s9 =	sadd.s32 s4, s0  }
0xc: {  	s12 =	smul.u32 $0x4E, s18;
	s13 =	sshrl.u32 s11, $0x1;
	s20 =	smin.u32 s18, $0x4  }
0xd: {  	s4 =	simm.s32 $0x4F;
	[dreg:$0x7] =	wrdreg s23;
	s22 =	sshll.u32 s14, $0x3  }
0xe: {  	s24 =	sshll.u32 s14, $0x1;
	s11 =	ssub.s32 s11, s13;
	s4 =	simm.s32 @!p0 $0x4E  }
0xf: {  	s9 =	sadd.s32 $0x44400, s9;
	s13 =	sadd.s32 s8, s26;
	s23 =	sadd.s32 s10, s22  }
0x10: {  	p0 =	sne.s32 s6, $0x0;
	s12 =	sadd.s32 s20, s12;
	[dreg:$0xa] =	wrdreg s13  }
0x11: {  	s19 =	sadd.s32 $0xFFFFFFFE, s4;
	s21 =	sadd.s32 $0xFFFFFFFD, s4;
	[dreg:$0xd] =	wrdreg s23  }
0x12: {  	s17 =	sadd.s32 s26, s9;
	s9 =	sadd.s32 s22, s9;
	[dreg:$0x4] =	wrdreg s19  }
0x13: {  	s23 =	sadd.s32 $0x16C00, s0;
	s16 =	sshll.u32 s12, $0x4;
	[dreg:$0x5] =	wrdreg s21  }
0x14: {  	[dreg:$0x8] =	wrdreg s17;
	s19 =	sadd.s32 s10, s26;
	s21 =	sshrl.u32 s14, $0x3  }
0x15: {  	s17 =	sshll.u32 s25, $0x9;
	[dreg:$0xc] =	wrdreg s9;
	s26 =	smul.u32 $0x9C0, s25  }
0x16: {  	s9 =	smul.u32 $0x4E0, s6;
	s10 =	sshll.u32 s20, $0x4;
	s12 =	sadd.s32 s5, s16  }
0x17: {  	s18 =	sadd.s32 $0x10, s16;
	[dreg:$0x9] =	wrdreg s19;
	s3 =	sadd.s32 s3, s21  }
0x18: {  	s14 =	sadd.s32 s15, s17;
	s15 =	sadd.s32 s15, s24;
	s16 =	sadd.s32 s7, s16  }
0x19: {  	s19 =	sadd.s32 $0x2BA00, s0;
	s24 =	sadd.s32 $0x3F400, s0;
	[dreg:$0x6] =	wrdreg s12  }
0x1a: {  	[dreg:$0xb] =	wrdreg s3;
	s3 =	sadd.s32 s8, s22;
	s17 =	sadd.s32 s7, s18  }
0x1b: {  	s7 =	sadd.s32 s26, s7;
	s18 =	sadd.s32 s5, s18;
	s5 =	sadd.s32 s26, s5  }
0x1c: {  	s12 =	smul.u32 $0x27800, s25;
	s22 =	sadd.s32 $0x2A600, s0;
	s26 =	sshll.u32 s25, $0x6  }
0x1d: {  	[dreg:$0xe] =	wrdreg s3;
	s7 =	sadd.s32 s9, s7;
	s3 =	sadd.s32 s9, s5  }
0x1e: {  	s25 =	sor.u32 $0x1C09, s26;
	s26 =	smax.u32 s11, $0x1;
	s13 =	sshrl.u32 s12, $0x2  }
0x1f: {  	s20 =	sadd.s32 s10, s7;
	s21 =	sadd.s32 s10, s3;
	s0 =	sadd.s32 s13, s1  }
0x20: {  	s3 =	simm.s32 $0x1;
	s28 =	sshrl.u32 s0, $0x3;
	s0 =	simm.s32 $0x200  }
.LBB2_1:
0x21: {  	[spmem:s28], [sflag:s25] =	dma.local [hbm:s22], $0x13C0  }
0x22: {  	_ =	swait.ge [sflag:s29], $0x13C0  }
0x23: {  	[sflag:s29] =	ssyncset.done $0x0  }
0x24: {  	[sflag:s29] =	ssyncadd.s32 $0xFFFFEC40  }
0x25: {  	[bflag:$0x0] =	sbarrier.arrive $0xFFFF  }
0x26: {  	s5 =	rddreg [dreg:$0x6]  }
0x27: {  	[tilespmem:s2], [sflag:$0x9] =	stream.linear.gather [hbm4b:s5+s2], $0x80, $0x38;
	[tilespmem:$0xE800] =	vst v63  }
0x28: {  	_ =	swait.ge [sflag:s29], $0x80  }
0x29: {  	[sflag:s29] =	ssyncset.done $0x0  }
0x2a: {  	s10 =	simm.s32 $0x100;
	[sflag:s29] =	ssyncadd.s32 $0xFFFFFF80  }
0x2b: {  	[tilespmem:s10], [sflag:$0x9] =	stream.linear.gather [hbm4b:s16+s2], $0x80, $0x38;
	[tilespmem:$0xE800] =	vst v63  }
0x2c: {  	_ =	swait.ge [sflag:s29], $0x80  }
0x2d: {  	[sflag:s29] =	ssyncset.done $0x0  }
0x2e: {  	[sflag:s29] =	ssyncadd.s32 $0xFFFFFF80  }
0x2f: {  	[tilespmem:s0], [sflag:$0x1] =	stream.indirect.gather [hbm4b:s19+s31], $0x40, s2, s31, $0xb8;
	[tilespmem:$0xE800] =	vst v63  }
0x30: {  	_ = 	snop  }
0x31: {  	[tilespmem:s31], [sflag:$0x9] =	stream.linear.gather [hbm4b:s18+s2], $0x80, $0x38;
	[tilespmem:$0xE800] =	vst v63  }
0x32: {  	_ =	swait.ge [sflag:s29], $0x80  }
0x33: {  	[sflag:s29] =	ssyncset.done $0x0  }
0x34: {  	s11 =	simm.s32 $0x180;
	[sflag:s29] =	ssyncadd.s32 $0xFFFFFF80  }
0x35: {  	[tilespmem:s11], [sflag:$0x9] =	stream.linear.gather [hbm4b:s17+s2], $0x80, $0x38;
	[tilespmem:$0xE800] =	vst v63  }
0x36: {  	p2 =	sle.u32 s4, $0x0;
	_ =	swait.ge [sflag:s29], $0x80  }
0x37: {  	s12 =	simm.s32 $0x2200;
	p1 =	por p2, p2;
	[sflag:s29] =	ssyncset.done $0x0  }
0x38: {  	p2 =	por @!p2 $0x1, $0x1;
	s5 =	simm.s32 @!p1 $0x1;
	[sflag:s29] =	ssyncadd.s32 $0xFFFFFF80  }
0x39: {  	[tilespmem:s12], [sflag:$0x2] =	stream.indirect.gather [hbm4b:s19+s31], $0x40, s31, s31, $0xb8;
	[tilespmem:$0xE800] =	vst v63  }
0x3a: {  	p2 =	por p2, p2;
	_ =	swait.ge @!p1 [sflag:s5], $0x2000  }
0x3b: {  	p2 =	por p2, p1;
	[sflag:s5] =	ssyncset.done @!p1 $0x0  }
0x3c: {  	[sflag:s5] =	ssyncadd.s32 @!p1 $0xFFFFE000;
	s5 =	simm.s32 @!p2 $0x7  }
0x3d: {  	s6 =	simm.s32 @!p1 $0x200;
	_ =	swait.ge @!p2 [sflag:s5], $0x80  }
0x3e: {  	s8 =	simm.s32 @!p1 $0x100;
	[sflag:s5] =	ssyncset.done @!p2 $0x0;
	s7 =	rddreg [dreg:$0x4]  }
0x3f: {  	[sflag:s5] =	ssyncadd.s32 @!p2 $0xFFFFFF80;
	s5 =	simm.s32 @!p1 $0x80;
	p2 =	sle.u32 s7, $0x0  }
0x40: {  	[spmem:s1] =	stream.indirect.scatter.add.bf16 @!p1 [tilespmem:s6], [sflag:$0x3], $0x40, s8, s5, $0xb8;
	[tilespmem:$0xE800] =	vst v63  }
0x41: {  	s5 =	sadd.s32 @!p2 $0x0, s21  }
0x42: {  	s6 =	simm.s32 @!p1 $0x3;
	s7 =	simm.s32 @!p2 $0x0;
	s5 =	sadd.s32 @!p2 $0x20, s5  }
0x43: {  	[tilespmem:s7], [sflag:$0x5] =	stream.linear.gather @!p2 [hbm4b:s5+s7], $0x80, $0x38;
	[tilespmem:$0xE800] =	vst v63  }
0x44: {  	_ =	swait.ge @!p1 [sflag:s6], $0x2000  }
0x45: {  	s8 =	simm.s32 @!p2 $0x5;
	s5 =	sadd.s32 @!p2 $0x0, s20;
	[sflag:s6] =	ssyncset.done @!p1 $0x0  }
0x46: {  	s5 =	sadd.s32 @!p2 $0x20, s5;
	[sflag:s6] =	ssyncadd.s32 @!p1 $0xFFFFE000;
	s6 =	simm.s32 @!p2 $0x100  }
0x47: {  	[tilespmem:s6], [sflag:$0x7] =	stream.linear.gather @!p2 [hbm4b:s5+s7], $0x80, $0x38;
	[tilespmem:$0xE800] =	vst v63  }
0x48: {  	_ =	swait.ge @!p2 [sflag:s8], $0x80  }
0x49: {  	p1 =	sle.u32 s4, $0x1;
	[sflag:s8] =	ssyncset.done @!p2 $0x0  }
0x4a: {  	s5 =	simm.s32 @!p2 $0x200;
	s6 =	simm.s32 @!p2 $0x80;
	[sflag:s8] =	ssyncadd.s32 @!p2 $0xFFFFFF80  }
0x4b: {  	[tilespmem:s5], [sflag:$0x1] =	stream.indirect.gather @!p2 [hbm4b:s19+s6], $0x40, s7, s6, $0xb8;
	[tilespmem:$0xE800] =	vst v63  }
0x4c: {  	s5 =	simm.s32 @!p1 $0x2  }
0x4d: {  	p2 =	por @!p1 $0x1, $0x1;
	_ =	swait.ge @!p1 [sflag:s5], $0x2000  }
0x4e: {  	p2 =	por p2, p1;
	[sflag:s5] =	ssyncset.done @!p1 $0x0  }
0x4f: {  	[sflag:s5] =	ssyncadd.s32 @!p1 $0xFFFFE000;
	s5 =	simm.s32 @!p2 $0x8  }
0x50: {  	_ =	swait.ge @!p2 [sflag:s5], $0x80  }
0x51: {  	p3 =	sle.u32 s4, $0x2;
	s8 =	simm.s32 @!p1 $0x2200;
	[sflag:s5] =	ssyncset.done @!p2 $0x0  }
0x52: {  	s6 =	simm.s32 @!p1 $0x180;
	s13 =	rddreg [dreg:$0x5];
	[sflag:s5] =	ssyncadd.s32 @!p2 $0xFFFFFF80  }
0x53: {  	s5 =	simm.s32 @!p1 $0x80;
	p4 =	sle.u32 s13, $0x0;
	p2 =	por @!p3 $0x0, $0x0  }
0x54: {  	[spmem:s1] =	stream.indirect.scatter.add.bf16 @!p1 [tilespmem:s8], [sflag:$0x4], $0x40, s6, s5, $0xb8;
	[tilespmem:$0xE800] =	vst v63  }
0x55: {  	s5 =	sadd.s32 @!p4 $0x0, s21;
	s6 =	simm.s32 @!p1 $0x4;
	s7 =	simm.s32 @!p4 $0x0  }
0x56: {  	s10 =	simm.s32 @!p4 $0x80;
	s8 =	sadd.s32 @!p4 $0x0, s20;
	s5 =	sadd.s32 @!p4 $0x30, s5  }
0x57: {  	[tilespmem:s10], [sflag:$0x6] =	stream.linear.gather @!p4 [hbm4b:s5+s7], $0x80, $0x38;
	[tilespmem:$0xE800] =	vst v63  }
0x58: {  	p2 =	por p2, p2;
	s11 =	simm.s32 @!p4 $0x6;
	_ =	swait.ge @!p1 [sflag:s6], $0x2000  }
0x59: {  	s8 =	sadd.s32 @!p4 $0x30, s8;
	s5 =	simm.s32 $0x20;
	[sflag:s6] =	ssyncset.done @!p1 $0x0  }
0x5a: {  	[sflag:s6] =	ssyncadd.s32 @!p1 $0xFFFFE000;
	s6 =	simm.s32 @!p4 $0x180;
	p1 =	por p3, p3  }
0x5b: {  	[tilespmem:s6], [sflag:$0x8] =	stream.linear.gather @!p4 [hbm4b:s8+s7], $0x80, $0x38;
	[tilespmem:$0xE800] =	vst v63  }
0x5c: {  	s6 =	simm.s32 $0x2;
	s7 =	simm.s32 $0x40;
	s8 =	simm.s32 $0x4  }
.LBB2_2:
0x5d: {  	_ =	swait.ge @!p4 [sflag:s11], $0x80  }
0x5e: {  	[sflag:s11] =	ssyncset.done @!p4 $0x0  }
0x5f: {  	s12 =	simm.s32 @!p1 $0x1;
	[sflag:s11] =	ssyncadd.s32 @!p4 $0xFFFFFF80;
	s11 =	simm.s32 @!p4 $0x2200  }
0x60: {  	[tilespmem:s11], [sflag:$0x2] =	stream.indirect.gather @!p4 [hbm4b:s19+s10], $0x40, s10, s10, $0xb8;
	[tilespmem:$0xE800] =	vst v63  }
0x61: {  	_ =	swait.ge @!p1 [sflag:s12], $0x2000  }
0x62: {  	p4 =	por p2, p1;
	[sflag:s12] =	ssyncset.done @!p1 $0x0  }
0x63: {  	s10 =	simm.s32 @!p4 $0x7;
	[sflag:s12] =	ssyncadd.s32 @!p1 $0xFFFFE000  }
0x64: {  	s13 =	simm.s32 @!p1 $0x100;
	_ =	swait.ge @!p4 [sflag:s10], $0x80  }
0x65: {  	s11 =	simm.s32 @!p1 $0x200;
	[sflag:s10] =	ssyncset.done @!p4 $0x0;
	s12 =	rddreg [dreg:$0x4]  }
0x66: {  	[sflag:s10] =	ssyncadd.s32 @!p4 $0xFFFFFF80;
	s10 =	simm.s32 @!p1 $0x80;
	p4 =	sge.u32 s6, s12  }
0x67: {  	[spmem:s1] =	stream.indirect.scatter.add.bf16 @!p1 [tilespmem:s11], [sflag:$0x3], $0x40, s13, s10, $0xb8;
	[tilespmem:$0xE800] =	vst v63  }
0x68: {  	s10 =	sadd.s32 @!p4 s5, s21  }
0x69: {  	s11 =	simm.s32 @!p1 $0x3;
	s13 =	simm.s32 @!p4 $0x0;
	s10 =	sadd.s32 @!p4 $0x20, s10  }
0x6a: {  	[tilespmem:s13], [sflag:$0x5] =	stream.linear.gather @!p4 [hbm4b:s10+s13], $0x80, $0x38;
	[tilespmem:$0xE800] =	vst v63  }
0x6b: {  	p5 =	sge.u32 s8, s4;
	s12 =	sadd.s32 @!p4 s5, s20;
	_ =	swait.ge @!p1 [sflag:s11], $0x2000  }
0x6c: {  	s9 =	smov.u32 s7;
	s12 =	sadd.s32 @!p4 $0x20, s12;
	[sflag:s11] =	ssyncset.done @!p1 $0x0  }
0x6d: {  	s10 =	simm.s32 @!p4 $0x100;
	[sflag:s11] =	ssyncadd.s32 @!p1 $0xFFFFE000;
	s11 =	simm.s32 @!p4 $0x5  }
0x6e: {  	[tilespmem:s10], [sflag:$0x7] =	stream.linear.gather @!p4 [hbm4b:s12+s13], $0x80, $0x38;
	[tilespmem:$0xE800] =	vst v63  }
0x6f: {  	p6 =	seq.s32 @!p5 s9, $0x0;
	p1 =	por p5, p5;
	_ =	swait.ge @!p4 [sflag:s11], $0x80  }
0x70: {  	s10 =	simm.s32 @!p4 $0x200;
	s12 =	sadd.s32 $0x1, s6;
	[sflag:s11] =	ssyncset.done @!p4 $0x0  }
0x71: {  	p5 =	sge.u32 s12, s4;
	[sflag:s11] =	ssyncadd.s32 @!p4 $0xFFFFFF80;
	s11 =	simm.s32 @!p4 $0x80  }
0x72: {  	[tilespmem:s10], [sflag:$0x1] =	stream.indirect.gather @!p4 [hbm4b:s19+s11], $0x40, s13, s11, $0xb8;
	[tilespmem:$0xE800] =	vst v63  }
0x73: {  	s10 =	simm.s32 @!p5 $0x2  }
0x74: {  	p4 =	seq.s32 @!p5 s5, $0x0;
	_ =	swait.ge @!p5 [sflag:s10], $0x2000  }
0x75: {  	p4 =	por p4, p5;
	[sflag:s10] =	ssyncset.done @!p5 $0x0  }
0x76: {  	[sflag:s10] =	ssyncadd.s32 @!p5 $0xFFFFE000;
	s10 =	simm.s32 @!p4 $0x8  }
0x77: {  	s7 =	sadd.s32 $0x20, s7;
	s11 =	simm.s32 @!p5 $0x180;
	_ =	swait.ge @!p4 [sflag:s10], $0x80  }
0x78: {  	s13 =	simm.s32 @!p5 $0x2200;
	[sflag:s10] =	ssyncset.done @!p4 $0x0;
	s12 =	rddreg [dreg:$0x5]  }
0x79: {  	[sflag:s10] =	ssyncadd.s32 @!p4 $0xFFFFFF80;
	s10 =	simm.s32 @!p5 $0x80;
	p4 =	sge.u32 s6, s12  }
0x7a: {  	[spmem:s1] =	stream.indirect.scatter.add.bf16 @!p5 [tilespmem:s13], [sflag:$0x4], $0x40, s11, s10, $0xb8;
	[tilespmem:$0xE800] =	vst v63  }
0x7b: {  	p3 =	sne.s32 s7, $0x500;
	p2 =	por p6, p6;
	s10 =	sadd.s32 @!p4 s5, s21  }
0x7c: {  	s13 =	simm.s32 @!p4 $0x0;
	s12 =	sadd.s32 @!p4 $0x30, s10;
	s10 =	simm.s32 @!p4 $0x80  }
0x7d: {  	[tilespmem:s10], [sflag:$0x6] =	stream.linear.gather @!p4 [hbm4b:s12+s13], $0x80, $0x38;
	[tilespmem:$0xE800] =	vst v63  }
.Ltmp0:
0x7e: {  	s6 =	smov.u32 s8;
	s11 =	simm.s32 @!p5 $0x4;
	(pc) =	sbr.rel @p3 .LBB2_2-.Ltmp0, $4  }
0x7f: {  	s8 =	sadd.s32 $0x2, s8;
	s5 =	sadd.s32 @!p4 s5, s20;
	_ =	swait.ge @!p5 [sflag:s11], $0x2000  }
0x80: {  	s12 =	sadd.s32 @!p4 $0x30, s5;
	s5 =	smov.u32 s9;
	[sflag:s11] =	ssyncset.done @!p5 $0x0  }
0x81: {  	s9 =	simm.s32 @!p4 $0x180;
	[sflag:s11] =	ssyncadd.s32 @!p5 $0xFFFFE000;
	s11 =	simm.s32 @!p4 $0x6  }
0x82: {  	[tilespmem:s9], [sflag:$0x8] =	stream.linear.gather @!p4 [hbm4b:s12+s13], $0x80, $0x38;
	[tilespmem:$0xE800] =	vst v63  }
0x83: {  	_ =	swait.ge @!p4 [sflag:s11], $0x80  }
0x84: {  	[sflag:s11] =	ssyncset.done @!p4 $0x0  }
0x85: {  	s7 =	simm.s32 @!p1 $0x1;
	s8 =	simm.s32 @!p4 $0x2200;
	[sflag:s11] =	ssyncadd.s32 @!p4 $0xFFFFFF80  }
0x86: {  	[tilespmem:s8], [sflag:$0x2] =	stream.indirect.gather @!p4 [hbm4b:s19+s10], $0x40, s10, s10, $0xb8;
	[tilespmem:$0xE800] =	vst v63  }
0x87: {  	_ =	swait.ge @!p1 [sflag:s7], $0x2000  }
0x88: {  	p2 =	por p2, p1;
	[sflag:s7] =	ssyncset.done @!p1 $0x0  }
0x89: {  	[sflag:s7] =	ssyncadd.s32 @!p1 $0xFFFFE000;
	s7 =	simm.s32 @!p2 $0x7  }
0x8a: {  	s8 =	simm.s32 @!p1 $0x200;
	_ =	swait.ge @!p2 [sflag:s7], $0x80  }
0x8b: {  	s10 =	simm.s32 @!p1 $0x100;
	[sflag:s7] =	ssyncset.done @!p2 $0x0;
	s9 =	rddreg [dreg:$0x4]  }
0x8c: {  	[sflag:s7] =	ssyncadd.s32 @!p2 $0xFFFFFF80;
	s7 =	simm.s32 @!p1 $0x80;
	p2 =	sge.u32 s6, s9  }
0x8d: {  	[spmem:s1] =	stream.indirect.scatter.add.bf16 @!p1 [tilespmem:s8], [sflag:$0x3], $0x40, s10, s7, $0xb8;
	[tilespmem:$0xE800] =	vst v63  }
0x8e: {  	s7 =	sadd.s32 @!p2 s5, s21  }
0x8f: {  	s8 =	simm.s32 @!p1 $0x3;
	s9 =	simm.s32 @!p2 $0x0;
	s7 =	sadd.s32 @!p2 $0x20, s7  }
0x90: {  	[tilespmem:s9], [sflag:$0x5] =	stream.linear.gather @!p2 [hbm4b:s7+s9], $0x80, $0x38;
	[tilespmem:$0xE800] =	vst v63  }
0x91: {  	_ =	swait.ge @!p1 [sflag:s8], $0x2000  }
0x92: {  	s10 =	simm.s32 @!p2 $0x5;
	s7 =	sadd.s32 @!p2 s5, s20;
	[sflag:s8] =	ssyncset.done @!p1 $0x0  }
0x93: {  	s7 =	sadd.s32 @!p2 $0x20, s7;
	[sflag:s8] =	ssyncadd.s32 @!p1 $0xFFFFE000;
	s8 =	simm.s32 @!p2 $0x100  }
0x94: {  	[tilespmem:s8], [sflag:$0x7] =	stream.linear.gather @!p2 [hbm4b:s7+s9], $0x80, $0x38;
	[tilespmem:$0xE800] =	vst v63  }
0x95: {  	s12 =	sadd.s32 $0x1, s6;
	_ =	swait.ge @!p2 [sflag:s10], $0x80  }
0x96: {  	p1 =	sge.u32 s12, s4;
	[sflag:s10] =	ssyncset.done @!p2 $0x0  }
0x97: {  	s7 =	simm.s32 @!p2 $0x200;
	[sflag:s10] =	ssyncadd.s32 @!p2 $0xFFFFFF80;
	s10 =	simm.s32 @!p2 $0x80  }
0x98: {  	[tilespmem:s7], [sflag:$0x1] =	stream.indirect.gather @!p2 [hbm4b:s19+s10], $0x40, s9, s10, $0xb8;
	[tilespmem:$0xE800] =	vst v63  }
0x99: {  	s7 =	simm.s32 @!p1 $0x2  }
0x9a: {  	p2 =	seq.s32 @!p1 s5, $0x0;
	_ =	swait.ge @!p1 [sflag:s7], $0x2000  }
0x9b: {  	p2 =	por p2, p1;
	[sflag:s7] =	ssyncset.done @!p1 $0x0  }
0x9c: {  	[sflag:s7] =	ssyncadd.s32 @!p1 $0xFFFFE000;
	s7 =	simm.s32 @!p2 $0x8  }
0x9d: {  	s8 =	simm.s32 @!p1 $0x180;
	_ =	swait.ge @!p2 [sflag:s7], $0x80  }
0x9e: {  	s10 =	simm.s32 @!p1 $0x2200;
	[sflag:s7] =	ssyncset.done @!p2 $0x0;
	s13 =	rddreg [dreg:$0x5]  }
0x9f: {  	[sflag:s7] =	ssyncadd.s32 @!p2 $0xFFFFFF80;
	s7 =	simm.s32 @!p1 $0x80;
	p2 =	sge.u32 s6, s13  }
0xa0: {  	[spmem:s1] =	stream.indirect.scatter.add.bf16 @!p1 [tilespmem:s10], [sflag:$0x4], $0x40, s8, s7, $0xb8;
	[tilespmem:$0xE800] =	vst v63  }
0xa1: {  	s6 =	sadd.s32 @!p2 s5, s21;
	s7 =	simm.s32 @!p1 $0x4  }
0xa2: {  	s8 =	simm.s32 @!p2 $0x0;
	s9 =	simm.s32 @!p2 $0x80;
	s6 =	sadd.s32 @!p2 $0x30, s6  }
0xa3: {  	[tilespmem:s9], [sflag:$0x6] =	stream.linear.gather @!p2 [hbm4b:s6+s8], $0x80, $0x38;
	[tilespmem:$0xE800] =	vst v63  }
0xa4: {  	s5 =	sadd.s32 @!p2 s5, s20;
	_ =	swait.ge @!p1 [sflag:s7], $0x2000  }
0xa5: {  	s5 =	sadd.s32 @!p2 $0x30, s5;
	[sflag:s7] =	ssyncset.done @!p1 $0x0  }
0xa6: {  	s6 =	simm.s32 @!p2 $0x180;
	[sflag:s7] =	ssyncadd.s32 @!p1 $0xFFFFE000;
	s7 =	simm.s32 @!p2 $0x6  }
0xa7: {  	[tilespmem:s6], [sflag:$0x8] =	stream.linear.gather @!p2 [hbm4b:s5+s8], $0x80, $0x38;
	[tilespmem:$0xE800] =	vst v63  }
0xa8: {  	_ =	swait.ge @!p2 [sflag:s7], $0x80  }
0xa9: {  	[sflag:s7] =	ssyncset.done @!p2 $0x0  }
0xaa: {  	s5 =	simm.s32 @!p2 $0x2200;
	[sflag:s7] =	ssyncadd.s32 @!p2 $0xFFFFFF80  }
0xab: {  	[tilespmem:s5], [sflag:$0x2] =	stream.indirect.gather @!p2 [hbm4b:s19+s9], $0x40, s9, s9, $0xb8;
	[tilespmem:$0xE800] =	vst v63  }
0xac: {  	[bflag:$0x0] =	sbarrier.arrive $0xFFFF  }
0xad: {  	s10 =	rddreg [dreg:$0x7]  }
0xae: {  	[tilespmem:s2], [sflag:$0x9] =	stream.linear.gather [hbm4b:s10+s2], $0x80, $0x38;
	[tilespmem:$0xE800] =	vst v63  }
0xaf: {  	_ =	swait.ge [sflag:s29], $0x80  }
0xb0: {  	[sflag:s29] =	ssyncset.done $0x0  }
0xb1: {  	[sflag:s29] =	ssyncadd.s32 $0xFFFFFF80  }
0xb2: {  	[tilespmem:s0], [sflag:$0x1] =	stream.indirect.gather [spmem:s1], $0x40, s2, s31, $0xb8;
	[tilespmem:$0xE800] =	vst v63  }
0xb3: {  	_ =	swait.ge [sflag:s3], $0x2000  }
0xb4: {  	[sflag:s3] =	ssyncset.done $0x0  }
0xb5: {  	s11 =	rddreg [dreg:$0x8];
	[sflag:s3] =	ssyncadd.s32 $0xFFFFE000  }
0xb6: {  	[hbm4b:s11+s2] =	stream.linear.scatter [tilespmem:s0], [sflag:$0x9], $0x2000, $0x38;
	[tilespmem:$0xE800] =	vst v63  }
0xb7: {  	_ =	swait.ge [sflag:s29], $0x2000  }
0xb8: {  	s6 =	simm.s32 @!p0 $0x0;
	s8 =	simm.s32 @!p0 $0x2;
	[sflag:s29] =	ssyncset.done $0x0  }
0xb9: {  	s7 =	simm.s32 @!p0 $0x2200;
	s5 =	simm.s32 @!p0 $0x80;
	[sflag:s29] =	ssyncadd.s32 $0xFFFFE000  }
0xba: {  	[tilespmem:s7], [sflag:$0x2] =	stream.indirect.gather @!p0 [hbm4b:s19+s5], $0x40, s6, s5, $0xb8;
	[tilespmem:$0xE800] =	vst v63  }
0xbb: {  	_ =	swait.ge @!p0 [sflag:s8], $0x2000  }
0xbc: {  	[sflag:s8] =	ssyncset.done @!p0 $0x0  }
0xbd: {  	s9 =	rddreg [dreg:$0x9];
	[sflag:s8] =	ssyncadd.s32 @!p0 $0xFFFFE000  }
0xbe: {  	[hbm4b:s9+s6] =	stream.linear.scatter @!p0 [tilespmem:s7], [sflag:$0x9], $0x2000, $0x38;
	[tilespmem:$0xE800] =	vst v63  }
0xbf: {  	s9 =	simm.s32 @!p0 $0x9  }
0xc0: {  	_ =	swait.ge @!p0 [sflag:s9], $0x2000  }
0xc1: {  	[sflag:s9] =	ssyncset.done @!p0 $0x0  }
0xc2: {  	[sflag:s9] =	ssyncadd.s32 @!p0 $0xFFFFE000  }
0xc3: {  	[tilespmem:s7], [sflag:$0x2] =	stream.indirect.gather @!p0 [hbm4b:s23+s5], $0x40, s6, s5, $0xb8;
	[tilespmem:$0xE800] =	vst v63  }
0xc4: {  	_ =	swait.ge @!p0 [sflag:s8], $0x2000  }
0xc5: {  	[sflag:s8] =	ssyncset.done @!p0 $0x0  }
0xc6: {  	s10 =	rddreg [dreg:$0xa];
	[sflag:s8] =	ssyncadd.s32 @!p0 $0xFFFFE000  }
0xc7: {  	[hbm4b:s10+s6] =	stream.linear.scatter @!p0 [tilespmem:s7], [sflag:$0x9], $0x2000, $0x38;
	[tilespmem:$0xE800] =	vst v63  }
0xc8: {  	_ =	swait.ge @!p0 [sflag:s9], $0x2000  }
0xc9: {  	[sflag:s9] =	ssyncset.done @!p0 $0x0  }
0xca: {  	s10 =	simm.s32 @!p0 $0x4200;
	[sflag:s9] =	ssyncadd.s32 @!p0 $0xFFFFE000  }
0xcb: {  	[tilespmem:s10], [sflag:$0x2] =	stream.indirect.gather @!p0 [hbm4b:s24+s5], $0x10, s6, s5, $0xb8;
	[tilespmem:$0xE800] =	vst v63  }
0xcc: {  	_ =	swait.ge @!p0 [sflag:s8], $0x800  }
0xcd: {  	[sflag:s8] =	ssyncset.done @!p0 $0x0  }
0xce: {  	[sflag:s8] =	ssyncadd.s32 @!p0 $0xFFFFF800  }
0xcf: {  	[hbm4b:s14+s6] =	stream.linear.scatter @!p0 [tilespmem:s10], [sflag:$0x9], $0x800, $0x38;
	[tilespmem:$0xE800] =	vst v63  }
0xd0: {  	_ =	swait.ge @!p0 [sflag:s9], $0x800  }
0xd1: {  	[sflag:s9] =	ssyncset.done @!p0 $0x0  }
0xd2: {  	s12 =	rddreg [dreg:$0xb];
	[sflag:s9] =	ssyncadd.s32 @!p0 $0xFFFFF800  }
0xd3: {  	[tilespmem:s2], [sflag:$0x9] =	stream.linear.gather [hbm4b:s12+s2], $0x80, $0x38;
	[tilespmem:$0xE800] =	vst v63  }
0xd4: {  	_ =	swait.ge [sflag:s29], $0x80  }
0xd5: {  	[sflag:s29] =	ssyncset.done $0x0  }
0xd6: {  	[sflag:s29] =	ssyncadd.s32 $0xFFFFFF80  }
0xd7: {  	[tilespmem:s0], [sflag:$0x1] =	stream.indirect.gather [spmem:s1], $0x40, s2, s31, $0xb8;
	[tilespmem:$0xE800] =	vst v63  }
0xd8: {  	_ =	swait.ge [sflag:s3], $0x2000  }
0xd9: {  	[sflag:s3] =	ssyncset.done $0x0  }
0xda: {  	s13 =	rddreg [dreg:$0xc];
	[sflag:s3] =	ssyncadd.s32 $0xFFFFE000  }
0xdb: {  	[hbm4b:s13+s2] =	stream.linear.scatter [tilespmem:s0], [sflag:$0x9], $0x2000, $0x38;
	[tilespmem:$0xE800] =	vst v63  }
0xdc: {  	_ =	swait.ge [sflag:s29], $0x2000  }
0xdd: {  	[sflag:s29] =	ssyncset.done $0x0  }
0xde: {  	[sflag:s29] =	ssyncadd.s32 $0xFFFFE000  }
0xdf: {  	[tilespmem:s7], [sflag:$0x2] =	stream.indirect.gather @!p0 [hbm4b:s19+s5], $0x40, s6, s5, $0xb8;
	[tilespmem:$0xE800] =	vst v63  }
0xe0: {  	_ =	swait.ge @!p0 [sflag:s8], $0x2000  }
0xe1: {  	[sflag:s8] =	ssyncset.done @!p0 $0x0  }
0xe2: {  	s11 =	rddreg [dreg:$0xd];
	[sflag:s8] =	ssyncadd.s32 @!p0 $0xFFFFE000  }
0xe3: {  	[hbm4b:s11+s6] =	stream.linear.scatter @!p0 [tilespmem:s7], [sflag:$0x9], $0x2000, $0x38;
	[tilespmem:$0xE800] =	vst v63  }
0xe4: {  	_ =	swait.ge @!p0 [sflag:s9], $0x2000  }
0xe5: {  	[sflag:s9] =	ssyncset.done @!p0 $0x0  }
0xe6: {  	[sflag:s9] =	ssyncadd.s32 @!p0 $0xFFFFE000  }
0xe7: {  	[tilespmem:s7], [sflag:$0x2] =	stream.indirect.gather @!p0 [hbm4b:s23+s5], $0x40, s6, s5, $0xb8;
	[tilespmem:$0xE800] =	vst v63  }
0xe8: {  	_ =	swait.ge @!p0 [sflag:s8], $0x2000  }
0xe9: {  	[sflag:s8] =	ssyncset.done @!p0 $0x0  }
0xea: {  	s11 =	rddreg [dreg:$0xe];
	[sflag:s8] =	ssyncadd.s32 @!p0 $0xFFFFE000  }
0xeb: {  	[hbm4b:s11+s6] =	stream.linear.scatter @!p0 [tilespmem:s7], [sflag:$0x9], $0x2000, $0x38;
	[tilespmem:$0xE800] =	vst v63  }
0xec: {  	_ =	swait.ge @!p0 [sflag:s9], $0x2000  }
0xed: {  	[sflag:s9] =	ssyncset.done @!p0 $0x0  }
0xee: {  	[sflag:s9] =	ssyncadd.s32 @!p0 $0xFFFFE000  }
0xef: {  	[tilespmem:s10], [sflag:$0x2] =	stream.indirect.gather @!p0 [hbm4b:s24+s5], $0x10, s6, s5, $0xb8;
	[tilespmem:$0xE800] =	vst v63  }
0xf0: {  	s30 =	sadd.s32 $0x1, s30;
	_ =	swait.ge @!p0 [sflag:s8], $0x800  }
0xf1: {  	p1 =	sne.s32 s30, s26;
	[sflag:s8] =	ssyncset.done @!p0 $0x0  }
.Ltmp1:
0xf2: {  	[sflag:s8] =	ssyncadd.s32 @!p0 $0xFFFFF800;
	(pc) =	sbr.rel @p1 .LBB2_1-.Ltmp1, $4  }
0xf3: {  	[hbm4b:s15+s6] =	stream.linear.scatter @!p0 [tilespmem:s10], [sflag:$0x9], $0x800, $0x38;
	[tilespmem:$0xE800] =	vst v63  }
0xf4: {  	_ =	swait.ge @!p0 [sflag:s9], $0x800  }
0xf5: {  	[sflag:s9] =	ssyncset.done @!p0 $0x0  }
0xf6: {  	[sflag:s9] =	ssyncadd.s32 @!p0 $0xFFFFF800  }
0xf7: {  	_ =	sfence.sel $0x180000  }
0xf8: {  	[bflag:$0x0] =	sbarrier.arrive $0xFFFF  }
0xf9: {  	_ =	strace $0x9000004A  }
0xfa: {  	s0 =	stileid.u32;
	[bflag:$0x2] =	sbarrier.arrive $0xFFFF  }
0xfb: {  	p0 =	sne.s32 s0, $0x0;
	s0 =	rddreg [dreg:$0x3]  }
0xfc: {  	s0 =	sadd.s32 @!p0 $0x100000, s0  }
0xfd: {  	[sflag:s0] =	ssyncadd.tile.s32 @!p0 $0x1;
	_ =	shalt  }
.Lfunc_end2:
_tile_overlayer_lowered:
.L_overlay_start_2:
0xfe: {  	(tag) =	ssettag $0x2  }
0xff: {  	s0 =	rddreg [dreg:$0x0];
	s2 =	stileid.u32  }
0x100: {  	s1 =	rddreg [dreg:$0x1];
	p0 =	sne.s32 s2, $0x0  }
0x101: {  	s3 =	rddreg [dreg:$0x2];
	[bflag:$0x3] =	sbarrier.arrive $0xFFFF;
	s2 =	simm.s32 @!p0 $0x1C09  }
0x102: {  	[timem:s3], [sflag:s2] =	dma.local @!p0 [hbm:s0], s1  }
0x103: {  	s0 =	simm.s32 @!p0 $0x9  }
0x104: {  	_ =	swait.ge @!p0 [sflag:s0], s1  }
0x105: {  	s1 =	ssub.s32 @!p0 $0x0, s1;
	[sflag:s0] =	ssyncset.done @!p0 $0x0  }
0x106: {  	[sflag:s0] =	ssyncadd.s32 @!p0 s1  }
0x107: {  	[bflag:$0x3] =	sbarrier.arrive $0xFFFF  }
0x108: {  	_ =	shalt  }

</sc_bundles>
